<compile_context>
chip_gen: v7x
topology: tpu7x:2x2x1
jax: 0.10.2.dev20260603
libtpu: 0.0.44.dev20260713+nightly
codegen_flags: <defaults>
</compile_context>

<pallas_src>
import functools

import jax
import jax.numpy as jnp
from jax import lax
from jax.experimental import pallas as pl
from jax.experimental.pallas import tpu as pltpu
from jax.experimental.pallas import tpu_sc as plsc

N_CODES = 8192
EMBED_DIM = 256
ROWS = 9216
ROW_BLOCK = 512
CODE_CHUNK = 512
N_ROW_BLOCKS = ROWS // ROW_BLOCK
N_CODE_CHUNKS = N_CODES // CODE_CHUNK
BIG_F = 3.0e38


def _tree_argmin0(v, ii):
    h = v.shape[0]
    while h > 1:
        h //= 2
        a, b = v[:h], v[h:]
        ia, ib = ii[:h], ii[h:]
        take_b = b < a
        v = jnp.where(take_b, b, a)
        ii = jnp.where(take_b, ib, ia)
    return v, ii


def _argmin_body(xt_ref, emb_ref, enc_ref, loss_ref, perp_ref,
                 ebs, e2s, counts, loss_acc):
    i = pl.program_id(0)
    xt = xt_ref[...]
    xbm = (xt * -2.0).astype(jnp.bfloat16)
    x2 = jnp.sum(xt * xt, axis=0, keepdims=True)

    @pl.when(i == 0)
    def _():
        loss_acc[0, 0] = 0.0
        counts[...] = jnp.zeros((64, 128), jnp.float32)
        for c in range(N_CODE_CHUNKS):
            e = emb_ref[c * CODE_CHUNK:(c + 1) * CODE_CHUNK, :]
            ebs[c * CODE_CHUNK:(c + 1) * CODE_CHUNK, :] = e.astype(jnp.bfloat16)
            e2s[c * CODE_CHUNK:(c + 1) * CODE_CHUNK, :] = jnp.sum(
                e * e, axis=1, keepdims=True)

    best = jnp.full((1, ROW_BLOCK), BIG_F, dtype=jnp.float32)
    bestidx = jnp.zeros((1, ROW_BLOCK), dtype=jnp.int32)
    row_iota = lax.broadcasted_iota(jnp.int32, (CODE_CHUNK, ROW_BLOCK), 0)

    for c in range(N_CODE_CHUNKS):
        eb = ebs[c * CODE_CHUNK:(c + 1) * CODE_CHUNK, :]
        e2 = e2s[c * CODE_CHUNK:(c + 1) * CODE_CHUNK, :]
        dotm = lax.dot_general(
            eb, xbm, (((1,), (0,)), ((), ())),
            preferred_element_type=jnp.float32)
        d2 = (x2 + dotm) + e2
        s = jnp.sqrt(jnp.where(d2 > 0.0, d2, 0.0))
        m, idx = _tree_argmin0(s, row_iota + c * CODE_CHUNK)
        upd = m < best
        best = jnp.where(upd, m, best)
        bestidx = jnp.where(upd, idx, bestidx)

    enc_ref[...] = bestidx[None]

    loss_acc[0, 0] += jnp.sum(best * best)

    hi = lax.shift_right_logical(bestidx, 7)
    lo = lax.bitwise_and(bestidx, 127)
    hi_iota = lax.broadcasted_iota(jnp.int32, (64, ROW_BLOCK), 0)
    lo_iota = lax.broadcasted_iota(jnp.int32, (128, ROW_BLOCK), 0)
    oh_hi = (hi == hi_iota).astype(jnp.bfloat16)
    oh_lo = (lo == lo_iota).astype(jnp.bfloat16)
    counts[...] += lax.dot_general(oh_hi, oh_lo, (((1,), (1,)), ((), ())),
                                   preferred_element_type=jnp.float32)

    @pl.when(i == N_ROW_BLOCKS - 1)
    def _():
        loss_ref[0, 0] = loss_acc[0, 0] * (0.25 / (ROWS * EMBED_DIM))
        p = counts[...] * (1.0 / ROWS)
        ent = jnp.sum(p * jnp.log(p + 1e-10))
        perp_ref[0, 0] = jnp.exp(-ent)


def _distance_argmin(flatt, emb):
    return pl.pallas_call(
        _argmin_body,
        grid=(N_ROW_BLOCKS,),
        in_specs=[
            pl.BlockSpec((EMBED_DIM, ROW_BLOCK), lambda i: (0, i)),
            pl.BlockSpec((N_CODES, EMBED_DIM), lambda i: (0, 0)),
        ],
        out_specs=[
            pl.BlockSpec((1, 1, ROW_BLOCK), lambda i: (i, 0, 0)),
            pl.BlockSpec(memory_space=pltpu.SMEM, block_shape=(1, 1),
                         index_map=lambda i: (0, 0)),
            pl.BlockSpec(memory_space=pltpu.SMEM, block_shape=(1, 1),
                         index_map=lambda i: (0, 0)),
        ],
        out_shape=[
            jax.ShapeDtypeStruct((N_ROW_BLOCKS, 1, ROW_BLOCK), jnp.int32),
            jax.ShapeDtypeStruct((1, 1), jnp.float32),
            jax.ShapeDtypeStruct((1, 1), jnp.float32),
        ],
        scratch_shapes=[
            pltpu.VMEM((N_CODES, EMBED_DIM), jnp.bfloat16),
            pltpu.VMEM((N_CODES, 1), jnp.float32),
            pltpu.VMEM((64, 128), jnp.float32),
            pltpu.SMEM((1, 1), jnp.float32),
        ],
    )(flatt, emb)


def _sc_gather(table, idx):
    info = plsc.get_sparse_core_info()
    nw = info.num_cores * info.num_subcores
    b_per_w = ROWS // nw
    mesh = plsc.VectorSubcoreMesh(core_axis_name="c", subcore_axis_name="s")

    @functools.partial(
        pl.kernel, mesh=mesh,
        out_type=jax.ShapeDtypeStruct((ROWS, EMBED_DIM), jnp.float32),
        scratch_types=[
            pltpu.VMEM((b_per_w,), jnp.int32),
            pltpu.VMEM((b_per_w, EMBED_DIM), jnp.float32),
            pltpu.SemaphoreType.DMA,
        ],
    )
    def k(table_hbm, idx_hbm, out_hbm, idx_v, rows_v, sem):
        wid = lax.axis_index("s") * info.num_cores + lax.axis_index("c")
        base = wid * b_per_w
        pltpu.sync_copy(idx_hbm.at[pl.ds(base, b_per_w)], idx_v)
        pltpu.async_copy(table_hbm.at[idx_v], rows_v, sem).wait()
        pltpu.sync_copy(rows_v, out_hbm.at[pl.ds(base, b_per_w)])

    return k(table, idx)


def kernel(z, embeddings):
    B = z.shape[0]
    spatial = z.shape[2:]
    flatt = jnp.moveaxis(z, 1, 0).reshape(EMBED_DIM, -1)

    enc2d, loss, perp = _distance_argmin(flatt, embeddings)
    enc_flat = enc2d.reshape(-1)

    gathered = _sc_gather(embeddings, enc_flat)

    emb = jnp.moveaxis(gathered.reshape((B,) + spatial + (EMBED_DIM,)), -1, 1)
    enc = enc_flat.reshape((B,) + spatial)
    return (emb, enc, loss.reshape(()), perp.reshape(()))

# --- scband reference (transcript-rebuilt; emitter-appended) ---
"""Pipeline reference for scband-codebook-33689723469824 (READ-ONLY COPY).

The authoritative reference and input builder live on the scoring server;
editing this copy changes nothing except your own understanding.
"""

import jax, jax.numpy as jnp
import numpy as np

N_CODES = 8192
EMBED_DIM = 256


def setup_inputs(seed: int = 0) -> dict:
    key = jax.random.key(seed)
    k1, k2 = jax.random.split(key)
    z = jax.random.normal(k1, (16, 256, 24, 24), dtype=jnp.float32)
    embeddings = jax.random.normal(k2, (N_CODES, EMBED_DIM), dtype=jnp.float32)
    return {"z": z, "embeddings": embeddings}


def _cdist(x, y):
    # torch.cdist(x, y, p=2): Euclidean distance matrix
    x2 = jnp.sum(x * x, axis=1, keepdims=True)
    y2 = jnp.sum(y * y, axis=1)[None, :]
    d2 = x2 - 2.0 * (x @ y.T) + y2
    return jnp.sqrt(jnp.clip(d2, 0.0, None))


def reference(z, embeddings):
    # eval-mode forward of Codebook (no EMA buffer updates)
    B = z.shape[0]
    spatial = z.shape[2:]
    # shift_dim(z, 1, -1).flatten(end_dim=-2)
    flat_inputs = jnp.moveaxis(z, 1, -1).reshape(-1, EMBED_DIM)
    distances = _cdist(flat_inputs, embeddings)
    encoding_indices = jnp.argmin(distances, axis=1)
    n_total = jnp.bincount(encoding_indices, length=N_CODES)
    # encode_sum via scatter-add (computed in torch forward, used only in training)
    encode_sum = jnp.zeros((N_CODES, EMBED_DIM), dtype=jnp.float32).at[encoding_indices].add(flat_inputs)
    enc = encoding_indices.reshape((B,) + spatial)
    # F.embedding lookup
    emb = jnp.take(embeddings, enc, axis=0)
    # shift_dim(embeddings, -1, 1)
    emb = jnp.moveaxis(emb, -1, 1)
    commitment_loss = 0.25 * jnp.mean((z - jax.lax.stop_gradient(emb)) ** 2)
    embeddings_st = jax.lax.stop_gradient(emb - z) + z
    avg_probs = n_total.astype(jnp.float32) / flat_inputs.shape[0]
    perplexity = jnp.exp(-jnp.sum(avg_probs * jnp.log(avg_probs + 1e-10)))
    return (embeddings_st, enc, commitment_loss, perplexity)

if __name__ == "__main__":
    import jax
    _d = setup_inputs()
    print(jax.jit(kernel)(*tuple(_d.values())))

</pallas_src>

<mosaic_0001>
#map = affine_map<(d0, d1) -> (0, 0)>
#map1 = affine_map<(d0, d1) -> (0)>
module attributes {stable_mosaic.version = 14 : i64} {
  func.func @k(%arg0: i32, %arg1: i32, %arg2: memref<8192x256xf32, #tpu.memory_space<hbm>>, %arg3: memref<9216xi32, #tpu.memory_space<hbm>>, %arg4: memref<9216x256xf32, #tpu.memory_space<hbm>>, %arg5: memref<288xi32, #tpu.memory_space<vmem>>, %arg6: memref<288x256xf32, #tpu.memory_space<vmem>>, %arg7: memref<!tpu.dma_semaphore, #tpu.memory_space<semaphore_mem>>) attributes {dimension_semantics = [#tpu.dimension_semantics<core_parallel>, #tpu.dimension_semantics<subcore_parallel>], iteration_bounds = array<i64: 2, 16>, scalar_prefetch = 0 : i64, scratch_operands = 3 : i64, tpu.core_type = #tpu.core_type<sc_vector_subcore>, window_params = [{transform_indices = #map}, {transform_indices = #map1}, {transform_indices = #map}]} {
    %mul3A = arith.constant 2 : i32
    %mul3A_0 = arith.muli %arg1, %mul3A : i32
    %add3A = arith.addi %mul3A_0, %arg0 : i32
    %mul3A_1 = arith.constant 288 : i32
    %mul3A_2 = arith.muli %add3A, %mul3A_1 : i32
    "tpu.region"() ({
      %run_scoped3A = tpu.sem_alloc : memref<!tpu.dma_semaphore, #tpu.memory_space<semaphore_mem>>
      %dma_start3A_7 = tpu.memref_slice %arg3[%mul3A_2] : memref<9216xi32, #tpu.memory_space<hbm>> -> memref<288xi32, #tpu.memory_space<hbm>>
      %dma_start3A_8 = tpu.memref_slice %arg3[%mul3A_2] : memref<9216xi32, #tpu.memory_space<hbm>> -> memref<288xi32, #tpu.memory_space<hbm>>
      tpu.enqueue_dma source(%dma_start3A_8 : memref<288xi32, #tpu.memory_space<hbm>>) target(%arg5 : memref<288xi32, #tpu.memory_space<vmem>>) target_semaphore(%run_scoped3A : memref<!tpu.dma_semaphore, #tpu.memory_space<semaphore_mem>>)
      %dma_wait3A_9 = tpu.memref_slice %arg3[%mul3A_2] : memref<9216xi32, #tpu.memory_space<hbm>> -> memref<288xi32, #tpu.memory_space<hbm>>
      %dma_wait3A_10 = tpu.memref_slice %arg3[%mul3A_2] : memref<9216xi32, #tpu.memory_space<hbm>> -> memref<288xi32, #tpu.memory_space<hbm>>
      tpu.wait_dma2 semaphore(%run_scoped3A : memref<!tpu.dma_semaphore, #tpu.memory_space<semaphore_mem>>) src(%dma_wait3A_10 : memref<288xi32, #tpu.memory_space<hbm>>) dst(%arg5 : memref<288xi32, #tpu.memory_space<vmem>>)
      tpu.yield
    }) : () -> ()
    %dma_start3A = arith.constant 0 : i32
    %dma_start3A_3 = arith.constant 0 : i32
    %dma_start3A_4 = tpu.memref_slice %arg2[%dma_start3A, %dma_start3A_3] : memref<8192x256xf32, #tpu.memory_space<hbm>> -> memref<8192x256xf32, #tpu.memory_space<hbm>>
    tpu.enqueue_indirect_dma source(%dma_start3A_4 : memref<8192x256xf32, #tpu.memory_space<hbm>>) target(%arg6 : memref<288x256xf32, #tpu.memory_space<vmem>>) offsets(%arg5 : memref<288xi32, #tpu.memory_space<vmem>>) semaphore(%arg7 : memref<!tpu.dma_semaphore, #tpu.memory_space<semaphore_mem>>)
    %dma_wait3A = arith.constant 0 : i32
    %dma_wait3A_5 = arith.constant 0 : i32
    %dma_wait3A_6 = tpu.memref_slice %arg2[%dma_wait3A, %dma_wait3A_5] : memref<8192x256xf32, #tpu.memory_space<hbm>> -> memref<8192x256xf32, #tpu.memory_space<hbm>>
    tpu.wait_indirect_dma semaphore(%arg7 : memref<!tpu.dma_semaphore, #tpu.memory_space<semaphore_mem>>) src(%dma_wait3A_6 : memref<8192x256xf32, #tpu.memory_space<hbm>>) dst(%arg6 : memref<288x256xf32, #tpu.memory_space<vmem>>)
    "tpu.region"() ({
      %run_scoped3A = tpu.sem_alloc : memref<!tpu.dma_semaphore, #tpu.memory_space<semaphore_mem>>
      %dma_start3A_7 = arith.constant 0 : i32
      %dma_start3A_8 = tpu.memref_slice %arg4[%mul3A_2, %dma_start3A_7] : memref<9216x256xf32, #tpu.memory_space<hbm>> -> memref<288x256xf32, #tpu.memory_space<hbm>>
      %dma_start3A_9 = arith.constant 0 : i32
      %dma_start3A_10 = tpu.memref_slice %arg4[%mul3A_2, %dma_start3A_9] : memref<9216x256xf32, #tpu.memory_space<hbm>> -> memref<288x256xf32, #tpu.memory_space<hbm>>
      tpu.enqueue_dma source(%arg6 : memref<288x256xf32, #tpu.memory_space<vmem>>) target(%dma_start3A_10 : memref<288x256xf32, #tpu.memory_space<hbm>>) target_semaphore(%run_scoped3A : memref<!tpu.dma_semaphore, #tpu.memory_space<semaphore_mem>>)
      %dma_wait3A_11 = arith.constant 0 : i32
      %dma_wait3A_12 = tpu.memref_slice %arg4[%mul3A_2, %dma_wait3A_11] : memref<9216x256xf32, #tpu.memory_space<hbm>> -> memref<288x256xf32, #tpu.memory_space<hbm>>
      %dma_wait3A_13 = arith.constant 0 : i32
      %dma_wait3A_14 = tpu.memref_slice %arg4[%mul3A_2, %dma_wait3A_13] : memref<9216x256xf32, #tpu.memory_space<hbm>> -> memref<288x256xf32, #tpu.memory_space<hbm>>
      tpu.wait_dma2 semaphore(%run_scoped3A : memref<!tpu.dma_semaphore, #tpu.memory_space<semaphore_mem>>) src(%arg6 : memref<288x256xf32, #tpu.memory_space<vmem>>) dst(%dma_wait3A_14 : memref<288x256xf32, #tpu.memory_space<hbm>>)
      tpu.yield
    }) : () -> ()
    return
  }
}

module attributes {stable_mosaic.version = 14 : i64} {
  func.func @_argmin_body(%arg0: i32, %arg1: memref<256x512xf32, #tpu.memory_space<vmem>>, %arg2: memref<8192x256xf32, #tpu.memory_space<vmem>>, %arg3: memref<1x1x512xi32, #tpu.memory_space<vmem>>, %arg4: memref<1x1xf32, #tpu.memory_space<smem>>, %arg5: memref<1x1xf32, #tpu.memory_space<smem>>, %arg6: memref<8192x256xbf16, #tpu.memory_space<vmem>>, %arg7: memref<8192x1xf32, #tpu.memory_space<vmem>>, %arg8: memref<64x128xf32, #tpu.memory_space<vmem>>, %arg9: memref<1x1xf32, #tpu.memory_space<smem>>) attributes {dimension_semantics = [#tpu.dimension_semantics<arbitrary>], iteration_bounds = array<i64: 18>, scalar_prefetch = 0 : i64, scratch_operands = 4 : i64, tpu.core_type = #tpu.core_type<tc>, window_params = [{transform_indices = @transform_0, window_bounds = array<i64: 256, 512>}, {pipeline_mode = #tpu.pipeline_mode<synchronous>, transform_indices = @transform_1, window_bounds = array<i64: 8192, 256>}, {transform_indices = @transform_2, window_bounds = array<i64: 1, 1, 512>}, {transform_indices = @transform_3, window_bounds = array<i64: 1, 1>}, {transform_indices = @transform_4, window_bounds = array<i64: 1, 1>}]} {
    %get3A = arith.constant 0 : index
    %get3A_0 = arith.constant 0 : index
    %get3A_1 = vector.load %arg1[%get3A, %get3A_0] : memref<256x512xf32, #tpu.memory_space<vmem>>, vector<256x512xf32>
    %mul3A = arith.constant -2.000000e+00 : f32
    %mul3A_2 = vector.broadcast %mul3A : f32 to vector<256x512xf32>
    %mul3A_3 = arith.mulf %get3A_1, %mul3A_2 : vector<256x512xf32>
    %convert_element_type3A = arith.truncf %mul3A_3 : vector<256x512xf32> to vector<256x512xbf16>
    %mul3A_4 = arith.mulf %get3A_1, %get3A_1 : vector<256x512xf32>
    %reduce_sum3A = arith.constant dense<0.000000e+00> : vector<512xf32>
    %reduce_sum3A_5 = vector.multi_reduction <add>, %mul3A_4, %reduce_sum3A [0] : vector<256x512xf32> to vector<512xf32>
    %broadcast_in_dim3A = vector.shape_cast %reduce_sum3A_5 : vector<512xf32> to vector<1x512xf32>
    %eq3A = arith.constant 0 : i32
    %eq3A_6 = arith.cmpi eq, %arg0, %eq3A : i32
    %convert_element_type3A_7 = arith.extui %eq3A_6 : i1 to i32
    %cond3A = arith.constant 0 : i32
    %cond3A_8 = arith.cmpi ne, %convert_element_type3A_7, %cond3A : i32
    scf.if %cond3A_8 {
      %swap3A_1460 = arith.constant 0.000000e+00 : f32
      %swap3A_1461 = arith.constant 0 : index
      %swap3A_1462 = arith.constant 0 : index
      %swap3A_1463 = memref.load %arg9[%swap3A_1461, %swap3A_1462] : memref<1x1xf32, #tpu.memory_space<smem>>
      memref.store %swap3A_1460, %arg9[%swap3A_1461, %swap3A_1462] : memref<1x1xf32, #tpu.memory_space<smem>>
      %broadcast_in_dim3A_1464 = arith.constant 0.000000e+00 : f32
      %broadcast_in_dim3A_1465 = vector.broadcast %broadcast_in_dim3A_1464 : f32 to vector<64x128xf32>
      %swap3A_1466 = arith.constant 0 : index
      %swap3A_1467 = arith.constant 0 : index
      %swap3A_1468 = vector.load %arg8[%swap3A_1466, %swap3A_1467] : memref<64x128xf32, #tpu.memory_space<vmem>>, vector<64x128xf32>
      tpu.vector_store %arg8[%swap3A_1466, %swap3A_1467], %broadcast_in_dim3A_1465 {strides = array<i32>} : memref<64x128xf32, #tpu.memory_space<vmem>>, vector<64x128xf32>,
      %get3A_1469 = arith.constant 0 : index
      %get3A_1470 = arith.constant 0 : index
      %get3A_1471 = vector.load %arg2[%get3A_1469, %get3A_1470] : memref<8192x256xf32, #tpu.memory_space<vmem>>, vector<512x256xf32>
      %convert_element_type3A_1472 = arith.truncf %get3A_1471 : vector<512x256xf32> to vector<512x256xbf16>
      %swap3A_1473 = arith.constant 0 : index
      %swap3A_1474 = arith.constant 0 : index
      %swap3A_1475 = vector.load %arg6[%swap3A_1473, %swap3A_1474] : memref<8192x256xbf16, #tpu.memory_space<vmem>>, vector<512x256xbf16>
      tpu.vector_store %arg6[%swap3A_1473, %swap3A_1474], %convert_element_type3A_1472 {strides = array<i32>} : memref<8192x256xbf16, #tpu.memory_space<vmem>>, vector<512x256xbf16>,
      %mul3A_1476 = arith.mulf %get3A_1471, %get3A_1471 : vector<512x256xf32>
      %reduce_sum3A_1477 = arith.constant dense<0.000000e+00> : vector<512xf32>
      %reduce_sum3A_1478 = vector.multi_reduction <add>, %mul3A_1476, %reduce_sum3A_1477 [1] : vector<512x256xf32> to vector<512xf32>
      %broadcast_in_dim3A_1479 = vector.shape_cast %reduce_sum3A_1478 : vector<512xf32> to vector<512x1xf32>
      %swap3A_1480 = arith.constant 0 : index
      %swap3A_1481 = arith.constant 0 : index
      %swap3A_1482 = vector.load %arg7[%swap3A_1480, %swap3A_1481] : memref<8192x1xf32, #tpu.memory_space<vmem>>, vector<512x1xf32>
      tpu.vector_store %arg7[%swap3A_1480, %swap3A_1481], %broadcast_in_dim3A_1479 {strides = array<i32>} : memref<8192x1xf32, #tpu.memory_space<vmem>>, vector<512x1xf32>,
      %get3A_1483 = arith.constant 512 : index
      %get3A_1484 = arith.constant 0 : index
      %get3A_1485 = vector.load %arg2[%get3A_1483, %get3A_1484] : memref<8192x256xf32, #tpu.memory_space<vmem>>, vector<512x256xf32>
      %convert_element_type3A_1486 = arith.truncf %get3A_1485 : vector<512x256xf32> to vector<512x256xbf16>
      %swap3A_1487 = arith.constant 512 : index
      %swap3A_1488 = arith.constant 0 : index
      %swap3A_1489 = vector.load %arg6[%swap3A_1487, %swap3A_1488] : memref<8192x256xbf16, #tpu.memory_space<vmem>>, vector<512x256xbf16>
      tpu.vector_store %arg6[%swap3A_1487, %swap3A_1488], %convert_element_type3A_1486 {strides = array<i32>} : memref<8192x256xbf16, #tpu.memory_space<vmem>>, vector<512x256xbf16>,
      %mul3A_1490 = arith.mulf %get3A_1485, %get3A_1485 : vector<512x256xf32>
      %reduce_sum3A_1491 = arith.constant dense<0.000000e+00> : vector<512xf32>
      %reduce_sum3A_1492 = vector.multi_reduction <add>, %mul3A_1490, %reduce_sum3A_1491 [1] : vector<512x256xf32> to vector<512xf32>
      %broadcast_in_dim3A_1493 = vector.shape_cast %reduce_sum3A_1492 : vector<512xf32> to vector<512x1xf32>
      %swap3A_1494 = arith.constant 512 : index
      %swap3A_1495 = arith.constant 0 : index
      %swap3A_1496 = vector.load %arg7[%swap3A_1494, %swap3A_1495] : memref<8192x1xf32, #tpu.memory_space<vmem>>, vector<512x1xf32>
      tpu.vector_store %arg7[%swap3A_1494, %swap3A_1495], %broadcast_in_dim3A_1493 {strides = array<i32>} : memref<8192x1xf32, #tpu.memory_space<vmem>>, vector<512x1xf32>,
      %get3A_1497 = arith.constant 1024 : index
      %get3A_1498 = arith.constant 0 : index
      %get3A_1499 = vector.load %arg2[%get3A_1497, %get3A_1498] : memref<8192x256xf32, #tpu.memory_space<vmem>>, vector<512x256xf32>
      %convert_element_type3A_1500 = arith.truncf %get3A_1499 : vector<512x256xf32> to vector<512x256xbf16>
      %swap3A_1501 = arith.constant 1024 : index
      %swap3A_1502 = arith.constant 0 : index
      %swap3A_1503 = vector.load %arg6[%swap3A_1501, %swap3A_1502] : memref<8192x256xbf16, #tpu.memory_space<vmem>>, vector<512x256xbf16>
      tpu.vector_store %arg6[%swap3A_1501, %swap3A_1502], %convert_element_type3A_1500 {strides = array<i32>} : memref<8192x256xbf16, #tpu.memory_space<vmem>>, vector<512x256xbf16>,
      %mul3A_1504 = arith.mulf %get3A_1499, %get3A_1499 : vector<512x256xf32>
      %reduce_sum3A_1505 = arith.constant dense<0.000000e+00> : vector<512xf32>
      %reduce_sum3A_1506 = vector.multi_reduction <add>, %mul3A_1504, %reduce_sum3A_1505 [1] : vector<512x256xf32> to vector<512xf32>
      %broadcast_in_dim3A_1507 = vector.shape_cast %reduce_sum3A_1506 : vector<512xf32> to vector<512x1xf32>
      %swap3A_1508 = arith.constant 1024 : index
      %swap3A_1509 = arith.constant 0 : index
      %swap3A_1510 = vector.load %arg7[%swap3A_1508, %swap3A_1509] : memref<8192x1xf32, #tpu.memory_space<vmem>>, vector<512x1xf32>
      tpu.vector_store %arg7[%swap3A_1508, %swap3A_1509], %broadcast_in_dim3A_1507 {strides = array<i32>} : memref<8192x1xf32, #tpu.memory_space<vmem>>, vector<512x1xf32>,
      %get3A_1511 = arith.constant 1536 : index
      %get3A_1512 = arith.constant 0 : index
      %get3A_1513 = vector.load %arg2[%get3A_1511, %get3A_1512] : memref<8192x256xf32, #tpu.memory_space<vmem>>, vector<512x256xf32>
      %convert_element_type3A_1514 = arith.truncf %get3A_1513 : vector<512x256xf32> to vector<512x256xbf16>
      %swap3A_1515 = arith.constant 1536 : index
      %swap3A_1516 = arith.constant 0 : index
      %swap3A_1517 = vector.load %arg6[%swap3A_1515, %swap3A_1516] : memref<8192x256xbf16, #tpu.memory_space<vmem>>, vector<512x256xbf16>
      tpu.vector_store %arg6[%swap3A_1515, %swap3A_1516], %convert_element_type3A_1514 {strides = array<i32>} : memref<8192x256xbf16, #tpu.memory_space<vmem>>, vector<512x256xbf16>,
      %mul3A_1518 = arith.mulf %get3A_1513, %get3A_1513 : vector<512x256xf32>
      %reduce_sum3A_1519 = arith.constant dense<0.000000e+00> : vector<512xf32>
      %reduce_sum3A_1520 = vector.multi_reduction <add>, %mul3A_1518, %reduce_sum3A_1519 [1] : vector<512x256xf32> to vector<512xf32>
      %broadcast_in_dim3A_1521 = vector.shape_cast %reduce_sum3A_1520 : vector<512xf32> to vector<512x1xf32>
      %swap3A_1522 = arith.constant 1536 : index
      %swap3A_1523 = arith.constant 0 : index
      %swap3A_1524 = vector.load %arg7[%swap3A_1522, %swap3A_1523] : memref<8192x1xf32, #tpu.memory_space<vmem>>, vector<512x1xf32>
      tpu.vector_store %arg7[%swap3A_1522, %swap3A_1523], %broadcast_in_dim3A_1521 {strides = array<i32>} : memref<8192x1xf32, #tpu.memory_space<vmem>>, vector<512x1xf32>,
      %get3A_1525 = arith.constant 2048 : index
      %get3A_1526 = arith.constant 0 : index
      %get3A_1527 = vector.load %arg2[%get3A_1525, %get3A_1526] : memref<8192x256xf32, #tpu.memory_space<vmem>>, vector<512x256xf32>
      %convert_element_type3A_1528 = arith.truncf %get3A_1527 : vector<512x256xf32> to vector<512x256xbf16>
      %swap3A_1529 = arith.constant 2048 : index
      %swap3A_1530 = arith.constant 0 : index
      %swap3A_1531 = vector.load %arg6[%swap3A_1529, %swap3A_1530] : memref<8192x256xbf16, #tpu.memory_space<vmem>>, vector<512x256xbf16>
      tpu.vector_store %arg6[%swap3A_1529, %swap3A_1530], %convert_element_type3A_1528 {strides = array<i32>} : memref<8192x256xbf16, #tpu.memory_space<vmem>>, vector<512x256xbf16>,
      %mul3A_1532 = arith.mulf %get3A_1527, %get3A_1527 : vector<512x256xf32>
      %reduce_sum3A_1533 = arith.constant dense<0.000000e+00> : vector<512xf32>
      %reduce_sum3A_1534 = vector.multi_reduction <add>, %mul3A_1532, %reduce_sum3A_1533 [1] : vector<512x256xf32> to vector<512xf32>
      %broadcast_in_dim3A_1535 = vector.shape_cast %reduce_sum3A_1534 : vector<512xf32> to vector<512x1xf32>
      %swap3A_1536 = arith.constant 2048 : index
      %swap3A_1537 = arith.constant 0 : index
      %swap3A_1538 = vector.load %arg7[%swap3A_1536, %swap3A_1537] : memref<8192x1xf32, #tpu.memory_space<vmem>>, vector<512x1xf32>
      tpu.vector_store %arg7[%swap3A_1536, %swap3A_1537], %broadcast_in_dim3A_1535 {strides = array<i32>} : memref<8192x1xf32, #tpu.memory_space<vmem>>, vector<512x1xf32>,
      %get3A_1539 = arith.constant 2560 : index
      %get3A_1540 = arith.constant 0 : index
      %get3A_1541 = vector.load %arg2[%get3A_1539, %get3A_1540] : memref<8192x256xf32, #tpu.memory_space<vmem>>, vector<512x256xf32>
      %convert_element_type3A_1542 = arith.truncf %get3A_1541 : vector<512x256xf32> to vector<512x256xbf16>
      %swap3A_1543 = arith.constant 2560 : index
      %swap3A_1544 = arith.constant 0 : index
      %swap3A_1545 = vector.load %arg6[%swap3A_1543, %swap3A_1544] : memref<8192x256xbf16, #tpu.memory_space<vmem>>, vector<512x256xbf16>
      tpu.vector_store %arg6[%swap3A_1543, %swap3A_1544], %convert_element_type3A_1542 {strides = array<i32>} : memref<8192x256xbf16, #tpu.memory_space<vmem>>, vector<512x256xbf16>,
      %mul3A_1546 = arith.mulf %get3A_1541, %get3A_1541 : vector<512x256xf32>
      %reduce_sum3A_1547 = arith.constant dense<0.000000e+00> : vector<512xf32>
      %reduce_sum3A_1548 = vector.multi_reduction <add>, %mul3A_1546, %reduce_sum3A_1547 [1] : vector<512x256xf32> to vector<512xf32>
      %broadcast_in_dim3A_1549 = vector.shape_cast %reduce_sum3A_1548 : vector<512xf32> to vector<512x1xf32>
      %swap3A_1550 = arith.constant 2560 : index
      %swap3A_1551 = arith.constant 0 : index
      %swap3A_1552 = vector.load %arg7[%swap3A_1550, %swap3A_1551] : memref<8192x1xf32, #tpu.memory_space<vmem>>, vector<512x1xf32>
      tpu.vector_store %arg7[%swap3A_1550, %swap3A_1551], %broadcast_in_dim3A_1549 {strides = array<i32>} : memref<8192x1xf32, #tpu.memory_space<vmem>>, vector<512x1xf32>,
      %get3A_1553 = arith.constant 3072 : index
      %get3A_1554 = arith.constant 0 : index
      %get3A_1555 = vector.load %arg2[%get3A_1553, %get3A_1554] : memref<8192x256xf32, #tpu.memory_space<vmem>>, vector<512x256xf32>
      %convert_element_type3A_1556 = arith.truncf %get3A_1555 : vector<512x256xf32> to vector<512x256xbf16>
      %swap3A_1557 = arith.constant 3072 : index
      %swap3A_1558 = arith.constant 0 : index
      %swap3A_1559 = vector.load %arg6[%swap3A_1557, %swap3A_1558] : memref<8192x256xbf16, #tpu.memory_space<vmem>>, vector<512x256xbf16>
      tpu.vector_store %arg6[%swap3A_1557, %swap3A_1558], %convert_element_type3A_1556 {strides = array<i32>} : memref<8192x256xbf16, #tpu.memory_space<vmem>>, vector<512x256xbf16>,
      %mul3A_1560 = arith.mulf %get3A_1555, %get3A_1555 : vector<512x256xf32>
      %reduce_sum3A_1561 = arith.constant dense<0.000000e+00> : vector<512xf32>
      %reduce_sum3A_1562 = vector.multi_reduction <add>, %mul3A_1560, %reduce_sum3A_1561 [1] : vector<512x256xf32> to vector<512xf32>
      %broadcast_in_dim3A_1563 = vector.shape_cast %reduce_sum3A_1562 : vector<512xf32> to vector<512x1xf32>
      %swap3A_1564 = arith.constant 3072 : index
      %swap3A_1565 = arith.constant 0 : index
      %swap3A_1566 = vector.load %arg7[%swap3A_1564, %swap3A_1565] : memref<8192x1xf32, #tpu.memory_space<vmem>>, vector<512x1xf32>
      tpu.vector_store %arg7[%swap3A_1564, %swap3A_1565], %broadcast_in_dim3A_1563 {strides = array<i32>} : memref<8192x1xf32, #tpu.memory_space<vmem>>, vector<512x1xf32>,
      %get3A_1567 = arith.constant 3584 : index
      %get3A_1568 = arith.constant 0 : index
      %get3A_1569 = vector.load %arg2[%get3A_1567, %get3A_1568] : memref<8192x256xf32, #tpu.memory_space<vmem>>, vector<512x256xf32>
      %convert_element_type3A_1570 = arith.truncf %get3A_1569 : vector<512x256xf32> to vector<512x256xbf16>
      %swap3A_1571 = arith.constant 3584 : index
      %swap3A_1572 = arith.constant 0 : index
      %swap3A_1573 = vector.load %arg6[%swap3A_1571, %swap3A_1572] : memref<8192x256xbf16, #tpu.memory_space<vmem>>, vector<512x256xbf16>
      tpu.vector_store %arg6[%swap3A_1571, %swap3A_1572], %convert_element_type3A_1570 {strides = array<i32>} : memref<8192x256xbf16, #tpu.memory_space<vmem>>, vector<512x256xbf16>,
      %mul3A_1574 = arith.mulf %get3A_1569, %get3A_1569 : vector<512x256xf32>
      %reduce_sum3A_1575 = arith.constant dense<0.000000e+00> : vector<512xf32>
      %reduce_sum3A_1576 = vector.multi_reduction <add>, %mul3A_1574, %reduce_sum3A_1575 [1] : vector<512x256xf32> to vector<512xf32>
      %broadcast_in_dim3A_1577 = vector.shape_cast %reduce_sum3A_1576 : vector<512xf32> to vector<512x1xf32>
      %swap3A_1578 = arith.constant 3584 : index
      %swap3A_1579 = arith.constant 0 : index
      %swap3A_1580 = vector.load %arg7[%swap3A_1578, %swap3A_1579] : memref<8192x1xf32, #tpu.memory_space<vmem>>, vector<512x1xf32>
      tpu.vector_store %arg7[%swap3A_1578, %swap3A_1579], %broadcast_in_dim3A_1577 {strides = array<i32>} : memref<8192x1xf32, #tpu.memory_space<vmem>>, vector<512x1xf32>,
      %get3A_1581 = arith.constant 4096 : index
      %get3A_1582 = arith.constant 0 : index
      %get3A_1583 = vector.load %arg2[%get3A_1581, %get3A_1582] : memref<8192x256xf32, #tpu.memory_space<vmem>>, vector<512x256xf32>
      %convert_element_type3A_1584 = arith.truncf %get3A_1583 : vector<512x256xf32> to vector<512x256xbf16>
      %swap3A_1585 = arith.constant 4096 : index
      %swap3A_1586 = arith.constant 0 : index
      %swap3A_1587 = vector.load %arg6[%swap3A_1585, %swap3A_1586] : memref<8192x256xbf16, #tpu.memory_space<vmem>>, vector<512x256xbf16>
      tpu.vector_store %arg6[%swap3A_1585, %swap3A_1586], %convert_element_type3A_1584 {strides = array<i32>} : memref<8192x256xbf16, #tpu.memory_space<vmem>>, vector<512x256xbf16>,
      %mul3A_1588 = arith.mulf %get3A_1583, %get3A_1583 : vector<512x256xf32>
      %reduce_sum3A_1589 = arith.constant dense<0.000000e+00> : vector<512xf32>
      %reduce_sum3A_1590 = vector.multi_reduction <add>, %mul3A_1588, %reduce_sum3A_1589 [1] : vector<512x256xf32> to vector<512xf32>
      %broadcast_in_dim3A_1591 = vector.shape_cast %reduce_sum3A_1590 : vector<512xf32> to vector<512x1xf32>
      %swap3A_1592 = arith.constant 4096 : index
      %swap3A_1593 = arith.constant 0 : index
      %swap3A_1594 = vector.load %arg7[%swap3A_1592, %swap3A_1593] : memref<8192x1xf32, #tpu.memory_space<vmem>>, vector<512x1xf32>
      tpu.vector_store %arg7[%swap3A_1592, %swap3A_1593], %broadcast_in_dim3A_1591 {strides = array<i32>} : memref<8192x1xf32, #tpu.memory_space<vmem>>, vector<512x1xf32>,
      %get3A_1595 = arith.constant 4608 : index
      %get3A_1596 = arith.constant 0 : index
      %get3A_1597 = vector.load %arg2[%get3A_1595, %get3A_1596] : memref<8192x256xf32, #tpu.memory_space<vmem>>, vector<512x256xf32>
      %convert_element_type3A_1598 = arith.truncf %get3A_1597 : vector<512x256xf32> to vector<512x256xbf16>
      %swap3A_1599 = arith.constant 4608 : index
      %swap3A_1600 = arith.constant 0 : index
      %swap3A_1601 = vector.load %arg6[%swap3A_1599, %swap3A_1600] : memref<8192x256xbf16, #tpu.memory_space<vmem>>, vector<512x256xbf16>
      tpu.vector_store %arg6[%swap3A_1599, %swap3A_1600], %convert_element_type3A_1598 {strides = array<i32>} : memref<8192x256xbf16, #tpu.memory_space<vmem>>, vector<512x256xbf16>,
      %mul3A_1602 = arith.mulf %get3A_1597, %get3A_1597 : vector<512x256xf32>
      %reduce_sum3A_1603 = arith.constant dense<0.000000e+00> : vector<512xf32>
      %reduce_sum3A_1604 = vector.multi_reduction <add>, %mul3A_1602, %reduce_sum3A_1603 [1] : vector<512x256xf32> to vector<512xf32>
      %broadcast_in_dim3A_1605 = vector.shape_cast %reduce_sum3A_1604 : vector<512xf32> to vector<512x1xf32>
      %swap3A_1606 = arith.constant 4608 : index
      %swap3A_1607 = arith.constant 0 : index
      %swap3A_1608 = vector.load %arg7[%swap3A_1606, %swap3A_1607] : memref<8192x1xf32, #tpu.memory_space<vmem>>, vector<512x1xf32>
      tpu.vector_store %arg7[%swap3A_1606, %swap3A_1607], %broadcast_in_dim3A_1605 {strides = array<i32>} : memref<8192x1xf32, #tpu.memory_space<vmem>>, vector<512x1xf32>,
      %get3A_1609 = arith.constant 5120 : index
      %get3A_1610 = arith.constant 0 : index
      %get3A_1611 = vector.load %arg2[%get3A_1609, %get3A_1610] : memref<8192x256xf32, #tpu.memory_space<vmem>>, vector<512x256xf32>
      %convert_element_type3A_1612 = arith.truncf %get3A_1611 : vector<512x256xf32> to vector<512x256xbf16>
      %swap3A_1613 = arith.constant 5120 : index
      %swap3A_1614 = arith.constant 0 : index
      %swap3A_1615 = vector.load %arg6[%swap3A_1613, %swap3A_1614] : memref<8192x256xbf16, #tpu.memory_space<vmem>>, vector<512x256xbf16>
      tpu.vector_store %arg6[%swap3A_1613, %swap3A_1614], %convert_element_type3A_1612 {strides = array<i32>} : memref<8192x256xbf16, #tpu.memory_space<vmem>>, vector<512x256xbf16>,
      %mul3A_1616 = arith.mulf %get3A_1611, %get3A_1611 : vector<512x256xf32>
      %reduce_sum3A_1617 = arith.constant dense<0.000000e+00> : vector<512xf32>
      %reduce_sum3A_1618 = vector.multi_reduction <add>, %mul3A_1616, %reduce_sum3A_1617 [1] : vector<512x256xf32> to vector<512xf32>
      %broadcast_in_dim3A_1619 = vector.shape_cast %reduce_sum3A_1618 : vector<512xf32> to vector<512x1xf32>
      %swap3A_1620 = arith.constant 5120 : index
      %swap3A_1621 = arith.constant 0 : index
      %swap3A_1622 = vector.load %arg7[%swap3A_1620, %swap3A_1621] : memref<8192x1xf32, #tpu.memory_space<vmem>>, vector<512x1xf32>
      tpu.vector_store %arg7[%swap3A_1620, %swap3A_1621], %broadcast_in_dim3A_1619 {strides = array<i32>} : memref<8192x1xf32, #tpu.memory_space<vmem>>, vector<512x1xf32>,
      %get3A_1623 = arith.constant 5632 : index
      %get3A_1624 = arith.constant 0 : index
      %get3A_1625 = vector.load %arg2[%get3A_1623, %get3A_1624] : memref<8192x256xf32, #tpu.memory_space<vmem>>, vector<512x256xf32>
      %convert_element_type3A_1626 = arith.truncf %get3A_1625 : vector<512x256xf32> to vector<512x256xbf16>
      %swap3A_1627 = arith.constant 5632 : index
      %swap3A_1628 = arith.constant 0 : index
      %swap3A_1629 = vector.load %arg6[%swap3A_1627, %swap3A_1628] : memref<8192x256xbf16, #tpu.memory_space<vmem>>, vector<512x256xbf16>
      tpu.vector_store %arg6[%swap3A_1627, %swap3A_1628], %convert_element_type3A_1626 {strides = array<i32>} : memref<8192x256xbf16, #tpu.memory_space<vmem>>, vector<512x256xbf16>,
      %mul3A_1630 = arith.mulf %get3A_1625, %get3A_1625 : vector<512x256xf32>
      %reduce_sum3A_1631 = arith.constant dense<0.000000e+00> : vector<512xf32>
      %reduce_sum3A_1632 = vector.multi_reduction <add>, %mul3A_1630, %reduce_sum3A_1631 [1] : vector<512x256xf32> to vector<512xf32>
      %broadcast_in_dim3A_1633 = vector.shape_cast %reduce_sum3A_1632 : vector<512xf32> to vector<512x1xf32>
      %swap3A_1634 = arith.constant 5632 : index
      %swap3A_1635 = arith.constant 0 : index
      %swap3A_1636 = vector.load %arg7[%swap3A_1634, %swap3A_1635] : memref<8192x1xf32, #tpu.memory_space<vmem>>, vector<512x1xf32>
      tpu.vector_store %arg7[%swap3A_1634, %swap3A_1635], %broadcast_in_dim3A_1633 {strides = array<i32>} : memref<8192x1xf32, #tpu.memory_space<vmem>>, vector<512x1xf32>,
      %get3A_1637 = arith.constant 6144 : index
      %get3A_1638 = arith.constant 0 : index
      %get3A_1639 = vector.load %arg2[%get3A_1637, %get3A_1638] : memref<8192x256xf32, #tpu.memory_space<vmem>>, vector<512x256xf32>
      %convert_element_type3A_1640 = arith.truncf %get3A_1639 : vector<512x256xf32> to vector<512x256xbf16>
      %swap3A_1641 = arith.constant 6144 : index
      %swap3A_1642 = arith.constant 0 : index
      %swap3A_1643 = vector.load %arg6[%swap3A_1641, %swap3A_1642] : memref<8192x256xbf16, #tpu.memory_space<vmem>>, vector<512x256xbf16>
      tpu.vector_store %arg6[%swap3A_1641, %swap3A_1642], %convert_element_type3A_1640 {strides = array<i32>} : memref<8192x256xbf16, #tpu.memory_space<vmem>>, vector<512x256xbf16>,
      %mul3A_1644 = arith.mulf %get3A_1639, %get3A_1639 : vector<512x256xf32>
      %reduce_sum3A_1645 = arith.constant dense<0.000000e+00> : vector<512xf32>
      %reduce_sum3A_1646 = vector.multi_reduction <add>, %mul3A_1644, %reduce_sum3A_1645 [1] : vector<512x256xf32> to vector<512xf32>
      %broadcast_in_dim3A_1647 = vector.shape_cast %reduce_sum3A_1646 : vector<512xf32> to vector<512x1xf32>
      %swap3A_1648 = arith.constant 6144 : index
      %swap3A_1649 = arith.constant 0 : index
      %swap3A_1650 = vector.load %arg7[%swap3A_1648, %swap3A_1649] : memref<8192x1xf32, #tpu.memory_space<vmem>>, vector<512x1xf32>
      tpu.vector_store %arg7[%swap3A_1648, %swap3A_1649], %broadcast_in_dim3A_1647 {strides = array<i32>} : memref<8192x1xf32, #tpu.memory_space<vmem>>, vector<512x1xf32>,
      %get3A_1651 = arith.constant 6656 : index
      %get3A_1652 = arith.constant 0 : index
      %get3A_1653 = vector.load %arg2[%get3A_1651, %get3A_1652] : memref<8192x256xf32, #tpu.memory_space<vmem>>, vector<512x256xf32>
      %convert_element_type3A_1654 = arith.truncf %get3A_1653 : vector<512x256xf32> to vector<512x256xbf16>
      %swap3A_1655 = arith.constant 6656 : index
      %swap3A_1656 = arith.constant 0 : index
      %swap3A_1657 = vector.load %arg6[%swap3A_1655, %swap3A_1656] : memref<8192x256xbf16, #tpu.memory_space<vmem>>, vector<512x256xbf16>
      tpu.vector_store %arg6[%swap3A_1655, %swap3A_1656], %convert_element_type3A_1654 {strides = array<i32>} : memref<8192x256xbf16, #tpu.memory_space<vmem>>, vector<512x256xbf16>,
      %mul3A_1658 = arith.mulf %get3A_1653, %get3A_1653 : vector<512x256xf32>
      %reduce_sum3A_1659 = arith.constant dense<0.000000e+00> : vector<512xf32>
      %reduce_sum3A_1660 = vector.multi_reduction <add>, %mul3A_1658, %reduce_sum3A_1659 [1] : vector<512x256xf32> to vector<512xf32>
      %broadcast_in_dim3A_1661 = vector.shape_cast %reduce_sum3A_1660 : vector<512xf32> to vector<512x1xf32>
      %swap3A_1662 = arith.constant 6656 : index
      %swap3A_1663 = arith.constant 0 : index
      %swap3A_1664 = vector.load %arg7[%swap3A_1662, %swap3A_1663] : memref<8192x1xf32, #tpu.memory_space<vmem>>, vector<512x1xf32>
      tpu.vector_store %arg7[%swap3A_1662, %swap3A_1663], %broadcast_in_dim3A_1661 {strides = array<i32>} : memref<8192x1xf32, #tpu.memory_space<vmem>>, vector<512x1xf32>,
      %get3A_1665 = arith.constant 7168 : index
      %get3A_1666 = arith.constant 0 : index
      %get3A_1667 = vector.load %arg2[%get3A_1665, %get3A_1666] : memref<8192x256xf32, #tpu.memory_space<vmem>>, vector<512x256xf32>
      %convert_element_type3A_1668 = arith.truncf %get3A_1667 : vector<512x256xf32> to vector<512x256xbf16>
      %swap3A_1669 = arith.constant 7168 : index
      %swap3A_1670 = arith.constant 0 : index
      %swap3A_1671 = vector.load %arg6[%swap3A_1669, %swap3A_1670] : memref<8192x256xbf16, #tpu.memory_space<vmem>>, vector<512x256xbf16>
      tpu.vector_store %arg6[%swap3A_1669, %swap3A_1670], %convert_element_type3A_1668 {strides = array<i32>} : memref<8192x256xbf16, #tpu.memory_space<vmem>>, vector<512x256xbf16>,
      %mul3A_1672 = arith.mulf %get3A_1667, %get3A_1667 : vector<512x256xf32>
      %reduce_sum3A_1673 = arith.constant dense<0.000000e+00> : vector<512xf32>
      %reduce_sum3A_1674 = vector.multi_reduction <add>, %mul3A_1672, %reduce_sum3A_1673 [1] : vector<512x256xf32> to vector<512xf32>
      %broadcast_in_dim3A_1675 = vector.shape_cast %reduce_sum3A_1674 : vector<512xf32> to vector<512x1xf32>
      %swap3A_1676 = arith.constant 7168 : index
      %swap3A_1677 = arith.constant 0 : index
      %swap3A_1678 = vector.load %arg7[%swap3A_1676, %swap3A_1677] : memref<8192x1xf32, #tpu.memory_space<vmem>>, vector<512x1xf32>
      tpu.vector_store %arg7[%swap3A_1676, %swap3A_1677], %broadcast_in_dim3A_1675 {strides = array<i32>} : memref<8192x1xf32, #tpu.memory_space<vmem>>, vector<512x1xf32>,
      %get3A_1679 = arith.constant 7680 : index
      %get3A_1680 = arith.constant 0 : index
      %get3A_1681 = vector.load %arg2[%get3A_1679, %get3A_1680] : memref<8192x256xf32, #tpu.memory_space<vmem>>, vector<512x256xf32>
      %convert_element_type3A_1682 = arith.truncf %get3A_1681 : vector<512x256xf32> to vector<512x256xbf16>
      %swap3A_1683 = arith.constant 7680 : index
      %swap3A_1684 = arith.constant 0 : index
      %swap3A_1685 = vector.load %arg6[%swap3A_1683, %swap3A_1684] : memref<8192x256xbf16, #tpu.memory_space<vmem>>, vector<512x256xbf16>
      tpu.vector_store %arg6[%swap3A_1683, %swap3A_1684], %convert_element_type3A_1682 {strides = array<i32>} : memref<8192x256xbf16, #tpu.memory_space<vmem>>, vector<512x256xbf16>,
      %mul3A_1686 = arith.mulf %get3A_1681, %get3A_1681 : vector<512x256xf32>
      %reduce_sum3A_1687 = arith.constant dense<0.000000e+00> : vector<512xf32>
      %reduce_sum3A_1688 = vector.multi_reduction <add>, %mul3A_1686, %reduce_sum3A_1687 [1] : vector<512x256xf32> to vector<512xf32>
      %broadcast_in_dim3A_1689 = vector.shape_cast %reduce_sum3A_1688 : vector<512xf32> to vector<512x1xf32>
      %swap3A_1690 = arith.constant 7680 : index
      %swap3A_1691 = arith.constant 0 : index
      %swap3A_1692 = vector.load %arg7[%swap3A_1690, %swap3A_1691] : memref<8192x1xf32, #tpu.memory_space<vmem>>, vector<512x1xf32>
      tpu.vector_store %arg7[%swap3A_1690, %swap3A_1691], %broadcast_in_dim3A_1689 {strides = array<i32>} : memref<8192x1xf32, #tpu.memory_space<vmem>>, vector<512x1xf32>,
    } else {
    }
    %broadcast_in_dim3A_9 = arith.constant 3.000000e+38 : f32
    %broadcast_in_dim3A_10 = vector.broadcast %broadcast_in_dim3A_9 : f32 to vector<1x512xf32>
    %broadcast_in_dim3A_11 = arith.constant 0 : i32
    %broadcast_in_dim3A_12 = vector.broadcast %broadcast_in_dim3A_11 : i32 to vector<1x512xi32>
    %iota3A = tpu.iota {dimensions = array<i32: 0>} : vector<512x512xi32>
    %get3A_13 = arith.constant 0 : index
    %get3A_14 = arith.constant 0 : index
    %get3A_15 = vector.load %arg6[%get3A_13, %get3A_14] : memref<8192x256xbf16, #tpu.memory_space<vmem>>, vector<512x256xbf16>
    %get3A_16 = arith.constant 0 : index
    %get3A_17 = arith.constant 0 : index
    %get3A_18 = vector.load %arg7[%get3A_16, %get3A_17] : memref<8192x1xf32, #tpu.memory_space<vmem>>, vector<512x1xf32>
    %dot_general3A = arith.constant dense<0.000000e+00> : vector<512x512xf32>
    %dot_general3A_19 = tpu.matmul %get3A_15, %convert_element_type3A, %dot_general3A {dimension_numbers = #tpu.dot_dimension_numbers<[1], [0], [0], [1], [0, 0, 1, 1], [], []>, transpose_lhs_hint = false} : vector<512x256xbf16>, vector<256x512xbf16>, vector<512x512xf32> -> vector<512x512xf32>
    %add3A = vector.broadcast %broadcast_in_dim3A : vector<1x512xf32> to vector<512x512xf32>
    %add3A_20 = arith.addf %add3A, %dot_general3A_19 : vector<512x512xf32>
    %add3A_21 = vector.broadcast %get3A_18 : vector<512x1xf32> to vector<512x512xf32>
    %add3A_22 = arith.addf %add3A_20, %add3A_21 : vector<512x512xf32>
    %gt3A = arith.constant 0.000000e+00 : f32
    %gt3A_23 = vector.broadcast %gt3A : f32 to vector<512x512xf32>
    %gt3A_24 = arith.cmpf ogt, %add3A_22, %gt3A_23 : vector<512x512xf32>
    %jit3A = arith.constant 0.000000e+00 : f32
    %broadcast_in_dim3A_25 = vector.broadcast %jit3A : f32 to vector<512x512xf32>
    %select_n3A = arith.select %gt3A_24, %add3A_22, %broadcast_in_dim3A_25 : vector<512x512xi1>, vector<512x512xf32>
    %sqrt3A = math.sqrt %select_n3A : vector<512x512xf32>
    %add3A_26 = arith.constant 0 : i32
    %add3A_27 = vector.broadcast %add3A_26 : i32 to vector<512x512xi32>
    %add3A_28 = arith.addi %iota3A, %add3A_27 : vector<512x512xi32>
    %slice3A = vector.extract_strided_slice %sqrt3A {offsets = [0, 0], sizes = [256, 512], strides = [1, 1]} : vector<512x512xf32> to vector<256x512xf32>
    %slice3A_29 = vector.extract_strided_slice %sqrt3A {offsets = [256, 0], sizes = [256, 512], strides = [1, 1]} : vector<512x512xf32> to vector<256x512xf32>
    %slice3A_30 = vector.extract_strided_slice %add3A_28 {offsets = [0, 0], sizes = [256, 512], strides = [1, 1]} : vector<512x512xi32> to vector<256x512xi32>
    %slice3A_31 = vector.extract_strided_slice %add3A_28 {offsets = [256, 0], sizes = [256, 512], strides = [1, 1]} : vector<512x512xi32> to vector<256x512xi32>
    %lt3A = arith.cmpf olt, %slice3A_29, %slice3A : vector<256x512xf32>
    %select_n3A_32 = arith.select %lt3A, %slice3A_29, %slice3A : vector<256x512xi1>, vector<256x512xf32>
    %select_n3A_33 = arith.select %lt3A, %slice3A_31, %slice3A_30 : vector<256x512xi1>, vector<256x512xi32>
    %slice3A_34 = vector.extract_strided_slice %select_n3A_32 {offsets = [0, 0], sizes = [128, 512], strides = [1, 1]} : vector<256x512xf32> to vector<128x512xf32>
    %slice3A_35 = vector.extract_strided_slice %select_n3A_32 {offsets = [128, 0], sizes = [128, 512], strides = [1, 1]} : vector<256x512xf32> to vector<128x512xf32>
    %slice3A_36 = vector.extract_strided_slice %select_n3A_33 {offsets = [0, 0], sizes = [128, 512], strides = [1, 1]} : vector<256x512xi32> to vector<128x512xi32>
    %slice3A_37 = vector.extract_strided_slice %select_n3A_33 {offsets = [128, 0], sizes = [128, 512], strides = [1, 1]} : vector<256x512xi32> to vector<128x512xi32>
    %lt3A_38 = arith.cmpf olt, %slice3A_35, %slice3A_34 : vector<128x512xf32>
    %select_n3A_39 = arith.select %lt3A_38, %slice3A_35, %slice3A_34 : vector<128x512xi1>, vector<128x512xf32>
    %select_n3A_40 = arith.select %lt3A_38, %slice3A_37, %slice3A_36 : vector<128x512xi1>, vector<128x512xi32>
    %slice3A_41 = vector.extract_strided_slice %select_n3A_39 {offsets = [0, 0], sizes = [64, 512], strides = [1, 1]} : vector<128x512xf32> to vector<64x512xf32>
    %slice3A_42 = vector.extract_strided_slice %select_n3A_39 {offsets = [64, 0], sizes = [64, 512], strides = [1, 1]} : vector<128x512xf32> to vector<64x512xf32>
    %slice3A_43 = vector.extract_strided_slice %select_n3A_40 {offsets = [0, 0], sizes = [64, 512], strides = [1, 1]} : vector<128x512xi32> to vector<64x512xi32>
    %slice3A_44 = vector.extract_strided_slice %select_n3A_40 {offsets = [64, 0], sizes = [64, 512], strides = [1, 1]} : vector<128x512xi32> to vector<64x512xi32>
    %lt3A_45 = arith.cmpf olt, %slice3A_42, %slice3A_41 : vector<64x512xf32>
    %select_n3A_46 = arith.select %lt3A_45, %slice3A_42, %slice3A_41 : vector<64x512xi1>, vector<64x512xf32>
    %select_n3A_47 = arith.select %lt3A_45, %slice3A_44, %slice3A_43 : vector<64x512xi1>, vector<64x512xi32>
    %slice3A_48 = vector.extract_strided_slice %select_n3A_46 {offsets = [0, 0], sizes = [32, 512], strides = [1, 1]} : vector<64x512xf32> to vector<32x512xf32>
    %slice3A_49 = vector.extract_strided_slice %select_n3A_46 {offsets = [32, 0], sizes = [32, 512], strides = [1, 1]} : vector<64x512xf32> to vector<32x512xf32>
    %slice3A_50 = vector.extract_strided_slice %select_n3A_47 {offsets = [0, 0], sizes = [32, 512], strides = [1, 1]} : vector<64x512xi32> to vector<32x512xi32>
    %slice3A_51 = vector.extract_strided_slice %select_n3A_47 {offsets = [32, 0], sizes = [32, 512], strides = [1, 1]} : vector<64x512xi32> to vector<32x512xi32>
    %lt3A_52 = arith.cmpf olt, %slice3A_49, %slice3A_48 : vector<32x512xf32>
    %select_n3A_53 = arith.select %lt3A_52, %slice3A_49, %slice3A_48 : vector<32x512xi1>, vector<32x512xf32>
    %select_n3A_54 = arith.select %lt3A_52, %slice3A_51, %slice3A_50 : vector<32x512xi1>, vector<32x512xi32>
    %slice3A_55 = vector.extract_strided_slice %select_n3A_53 {offsets = [0, 0], sizes = [16, 512], strides = [1, 1]} : vector<32x512xf32> to vector<16x512xf32>
    %slice3A_56 = vector.extract_strided_slice %select_n3A_53 {offsets = [16, 0], sizes = [16, 512], strides = [1, 1]} : vector<32x512xf32> to vector<16x512xf32>
    %slice3A_57 = vector.extract_strided_slice %select_n3A_54 {offsets = [0, 0], sizes = [16, 512], strides = [1, 1]} : vector<32x512xi32> to vector<16x512xi32>
    %slice3A_58 = vector.extract_strided_slice %select_n3A_54 {offsets = [16, 0], sizes = [16, 512], strides = [1, 1]} : vector<32x512xi32> to vector<16x512xi32>
    %lt3A_59 = arith.cmpf olt, %slice3A_56, %slice3A_55 : vector<16x512xf32>
    %select_n3A_60 = arith.select %lt3A_59, %slice3A_56, %slice3A_55 : vector<16x512xi1>, vector<16x512xf32>
    %select_n3A_61 = arith.select %lt3A_59, %slice3A_58, %slice3A_57 : vector<16x512xi1>, vector<16x512xi32>
    %slice3A_62 = vector.extract_strided_slice %select_n3A_60 {offsets = [0, 0], sizes = [8, 512], strides = [1, 1]} : vector<16x512xf32> to vector<8x512xf32>
    %slice3A_63 = vector.extract_strided_slice %select_n3A_60 {offsets = [8, 0], sizes = [8, 512], strides = [1, 1]} : vector<16x512xf32> to vector<8x512xf32>
    %slice3A_64 = vector.extract_strided_slice %select_n3A_61 {offsets = [0, 0], sizes = [8, 512], strides = [1, 1]} : vector<16x512xi32> to vector<8x512xi32>
    %slice3A_65 = vector.extract_strided_slice %select_n3A_61 {offsets = [8, 0], sizes = [8, 512], strides = [1, 1]} : vector<16x512xi32> to vector<8x512xi32>
    %lt3A_66 = arith.cmpf olt, %slice3A_63, %slice3A_62 : vector<8x512xf32>
    %select_n3A_67 = arith.select %lt3A_66, %slice3A_63, %slice3A_62 : vector<8x512xi1>, vector<8x512xf32>
    %select_n3A_68 = arith.select %lt3A_66, %slice3A_65, %slice3A_64 : vector<8x512xi1>, vector<8x512xi32>
    %slice3A_69 = vector.extract_strided_slice %select_n3A_67 {offsets = [0, 0], sizes = [4, 512], strides = [1, 1]} : vector<8x512xf32> to vector<4x512xf32>
    %slice3A_70 = vector.extract_strided_slice %select_n3A_67 {offsets = [4, 0], sizes = [4, 512], strides = [1, 1]} : vector<8x512xf32> to vector<4x512xf32>
    %slice3A_71 = vector.extract_strided_slice %select_n3A_68 {offsets = [0, 0], sizes = [4, 512], strides = [1, 1]} : vector<8x512xi32> to vector<4x512xi32>
    %slice3A_72 = vector.extract_strided_slice %select_n3A_68 {offsets = [4, 0], sizes = [4, 512], strides = [1, 1]} : vector<8x512xi32> to vector<4x512xi32>
    %lt3A_73 = arith.cmpf olt, %slice3A_70, %slice3A_69 : vector<4x512xf32>
    %select_n3A_74 = arith.select %lt3A_73, %slice3A_70, %slice3A_69 : vector<4x512xi1>, vector<4x512xf32>
    %select_n3A_75 = arith.select %lt3A_73, %slice3A_72, %slice3A_71 : vector<4x512xi1>, vector<4x512xi32>
    %slice3A_76 = vector.extract_strided_slice %select_n3A_74 {offsets = [0, 0], sizes = [2, 512], strides = [1, 1]} : vector<4x512xf32> to vector<2x512xf32>
    %slice3A_77 = vector.extract_strided_slice %select_n3A_74 {offsets = [2, 0], sizes = [2, 512], strides = [1, 1]} : vector<4x512xf32> to vector<2x512xf32>
    %slice3A_78 = vector.extract_strided_slice %select_n3A_75 {offsets = [0, 0], sizes = [2, 512], strides = [1, 1]} : vector<4x512xi32> to vector<2x512xi32>
    %slice3A_79 = vector.extract_strided_slice %select_n3A_75 {offsets = [2, 0], sizes = [2, 512], strides = [1, 1]} : vector<4x512xi32> to vector<2x512xi32>
    %lt3A_80 = arith.cmpf olt, %slice3A_77, %slice3A_76 : vector<2x512xf32>
    %select_n3A_81 = arith.select %lt3A_80, %slice3A_77, %slice3A_76 : vector<2x512xi1>, vector<2x512xf32>
    %select_n3A_82 = arith.select %lt3A_80, %slice3A_79, %slice3A_78 : vector<2x512xi1>, vector<2x512xi32>
    %slice3A_83 = vector.extract_strided_slice %select_n3A_81 {offsets = [0, 0], sizes = [1, 512], strides = [1, 1]} : vector<2x512xf32> to vector<1x512xf32>
    %slice3A_84 = vector.extract_strided_slice %select_n3A_81 {offsets = [1, 0], sizes = [1, 512], strides = [1, 1]} : vector<2x512xf32> to vector<1x512xf32>
    %slice3A_85 = vector.extract_strided_slice %select_n3A_82 {offsets = [0, 0], sizes = [1, 512], strides = [1, 1]} : vector<2x512xi32> to vector<1x512xi32>
    %slice3A_86 = vector.extract_strided_slice %select_n3A_82 {offsets = [1, 0], sizes = [1, 512], strides = [1, 1]} : vector<2x512xi32> to vector<1x512xi32>
    %lt3A_87 = arith.cmpf olt, %slice3A_84, %slice3A_83 : vector<1x512xf32>
    %select_n3A_88 = arith.select %lt3A_87, %slice3A_84, %slice3A_83 : vector<1x512xi1>, vector<1x512xf32>
    %select_n3A_89 = arith.select %lt3A_87, %slice3A_86, %slice3A_85 : vector<1x512xi1>, vector<1x512xi32>
    %lt3A_90 = arith.cmpf olt, %select_n3A_88, %broadcast_in_dim3A_10 : vector<1x512xf32>
    %select_n3A_91 = arith.select %lt3A_90, %select_n3A_88, %broadcast_in_dim3A_10 : vector<1x512xi1>, vector<1x512xf32>
    %select_n3A_92 = arith.select %lt3A_90, %select_n3A_89, %broadcast_in_dim3A_12 : vector<1x512xi1>, vector<1x512xi32>
    %get3A_93 = arith.constant 512 : index
    %get3A_94 = arith.constant 0 : index
    %get3A_95 = vector.load %arg6[%get3A_93, %get3A_94] : memref<8192x256xbf16, #tpu.memory_space<vmem>>, vector<512x256xbf16>
    %get3A_96 = arith.constant 512 : index
    %get3A_97 = arith.constant 0 : index
    %get3A_98 = vector.load %arg7[%get3A_96, %get3A_97] : memref<8192x1xf32, #tpu.memory_space<vmem>>, vector<512x1xf32>
    %dot_general3A_99 = arith.constant dense<0.000000e+00> : vector<512x512xf32>
    %dot_general3A_100 = tpu.matmul %get3A_95, %convert_element_type3A, %dot_general3A_99 {dimension_numbers = #tpu.dot_dimension_numbers<[1], [0], [0], [1], [0, 0, 1, 1], [], []>, transpose_lhs_hint = false} : vector<512x256xbf16>, vector<256x512xbf16>, vector<512x512xf32> -> vector<512x512xf32>
    %add3A_101 = vector.broadcast %broadcast_in_dim3A : vector<1x512xf32> to vector<512x512xf32>
    %add3A_102 = arith.addf %add3A_101, %dot_general3A_100 : vector<512x512xf32>
    %add3A_103 = vector.broadcast %get3A_98 : vector<512x1xf32> to vector<512x512xf32>
    %add3A_104 = arith.addf %add3A_102, %add3A_103 : vector<512x512xf32>
    %gt3A_105 = arith.constant 0.000000e+00 : f32
    %gt3A_106 = vector.broadcast %gt3A_105 : f32 to vector<512x512xf32>
    %gt3A_107 = arith.cmpf ogt, %add3A_104, %gt3A_106 : vector<512x512xf32>
    %jit3A_108 = arith.constant 0.000000e+00 : f32
    %broadcast_in_dim3A_109 = vector.broadcast %jit3A_108 : f32 to vector<512x512xf32>
    %select_n3A_110 = arith.select %gt3A_107, %add3A_104, %broadcast_in_dim3A_109 : vector<512x512xi1>, vector<512x512xf32>
    %sqrt3A_111 = math.sqrt %select_n3A_110 : vector<512x512xf32>
    %add3A_112 = arith.constant 512 : i32
    %add3A_113 = vector.broadcast %add3A_112 : i32 to vector<512x512xi32>
    %add3A_114 = arith.addi %iota3A, %add3A_113 : vector<512x512xi32>
    %slice3A_115 = vector.extract_strided_slice %sqrt3A_111 {offsets = [0, 0], sizes = [256, 512], strides = [1, 1]} : vector<512x512xf32> to vector<256x512xf32>
    %slice3A_116 = vector.extract_strided_slice %sqrt3A_111 {offsets = [256, 0], sizes = [256, 512], strides = [1, 1]} : vector<512x512xf32> to vector<256x512xf32>
    %slice3A_117 = vector.extract_strided_slice %add3A_114 {offsets = [0, 0], sizes = [256, 512], strides = [1, 1]} : vector<512x512xi32> to vector<256x512xi32>
    %slice3A_118 = vector.extract_strided_slice %add3A_114 {offsets = [256, 0], sizes = [256, 512], strides = [1, 1]} : vector<512x512xi32> to vector<256x512xi32>
    %lt3A_119 = arith.cmpf olt, %slice3A_116, %slice3A_115 : vector<256x512xf32>
    %select_n3A_120 = arith.select %lt3A_119, %slice3A_116, %slice3A_115 : vector<256x512xi1>, vector<256x512xf32>
    %select_n3A_121 = arith.select %lt3A_119, %slice3A_118, %slice3A_117 : vector<256x512xi1>, vector<256x512xi32>
    %slice3A_122 = vector.extract_strided_slice %select_n3A_120 {offsets = [0, 0], sizes = [128, 512], strides = [1, 1]} : vector<256x512xf32> to vector<128x512xf32>
    %slice3A_123 = vector.extract_strided_slice %select_n3A_120 {offsets = [128, 0], sizes = [128, 512], strides = [1, 1]} : vector<256x512xf32> to vector<128x512xf32>
    %slice3A_124 = vector.extract_strided_slice %select_n3A_121 {offsets = [0, 0], sizes = [128, 512], strides = [1, 1]} : vector<256x512xi32> to vector<128x512xi32>
    %slice3A_125 = vector.extract_strided_slice %select_n3A_121 {offsets = [128, 0], sizes = [128, 512], strides = [1, 1]} : vector<256x512xi32> to vector<128x512xi32>
    %lt3A_126 = arith.cmpf olt, %slice3A_123, %slice3A_122 : vector<128x512xf32>
    %select_n3A_127 = arith.select %lt3A_126, %slice3A_123, %slice3A_122 : vector<128x512xi1>, vector<128x512xf32>
    %select_n3A_128 = arith.select %lt3A_126, %slice3A_125, %slice3A_124 : vector<128x512xi1>, vector<128x512xi32>
    %slice3A_129 = vector.extract_strided_slice %select_n3A_127 {offsets = [0, 0], sizes = [64, 512], strides = [1, 1]} : vector<128x512xf32> to vector<64x512xf32>
    %slice3A_130 = vector.extract_strided_slice %select_n3A_127 {offsets = [64, 0], sizes = [64, 512], strides = [1, 1]} : vector<128x512xf32> to vector<64x512xf32>
    %slice3A_131 = vector.extract_strided_slice %select_n3A_128 {offsets = [0, 0], sizes = [64, 512], strides = [1, 1]} : vector<128x512xi32> to vector<64x512xi32>
    %slice3A_132 = vector.extract_strided_slice %select_n3A_128 {offsets = [64, 0], sizes = [64, 512], strides = [1, 1]} : vector<128x512xi32> to vector<64x512xi32>
    %lt3A_133 = arith.cmpf olt, %slice3A_130, %slice3A_129 : vector<64x512xf32>
    %select_n3A_134 = arith.select %lt3A_133, %slice3A_130, %slice3A_129 : vector<64x512xi1>, vector<64x512xf32>
    %select_n3A_135 = arith.select %lt3A_133, %slice3A_132, %slice3A_131 : vector<64x512xi1>, vector<64x512xi32>
    %slice3A_136 = vector.extract_strided_slice %select_n3A_134 {offsets = [0, 0], sizes = [32, 512], strides = [1, 1]} : vector<64x512xf32> to vector<32x512xf32>
    %slice3A_137 = vector.extract_strided_slice %select_n3A_134 {offsets = [32, 0], sizes = [32, 512], strides = [1, 1]} : vector<64x512xf32> to vector<32x512xf32>
    %slice3A_138 = vector.extract_strided_slice %select_n3A_135 {offsets = [0, 0], sizes = [32, 512], strides = [1, 1]} : vector<64x512xi32> to vector<32x512xi32>
    %slice3A_139 = vector.extract_strided_slice %select_n3A_135 {offsets = [32, 0], sizes = [32, 512], strides = [1, 1]} : vector<64x512xi32> to vector<32x512xi32>
    %lt3A_140 = arith.cmpf olt, %slice3A_137, %slice3A_136 : vector<32x512xf32>
    %select_n3A_141 = arith.select %lt3A_140, %slice3A_137, %slice3A_136 : vector<32x512xi1>, vector<32x512xf32>
    %select_n3A_142 = arith.select %lt3A_140, %slice3A_139, %slice3A_138 : vector<32x512xi1>, vector<32x512xi32>
    %slice3A_143 = vector.extract_strided_slice %select_n3A_141 {offsets = [0, 0], sizes = [16, 512], strides = [1, 1]} : vector<32x512xf32> to vector<16x512xf32>
    %slice3A_144 = vector.extract_strided_slice %select_n3A_141 {offsets = [16, 0], sizes = [16, 512], strides = [1, 1]} : vector<32x512xf32> to vector<16x512xf32>
    %slice3A_145 = vector.extract_strided_slice %select_n3A_142 {offsets = [0, 0], sizes = [16, 512], strides = [1, 1]} : vector<32x512xi32> to vector<16x512xi32>
    %slice3A_146 = vector.extract_strided_slice %select_n3A_142 {offsets = [16, 0], sizes = [16, 512], strides = [1, 1]} : vector<32x512xi32> to vector<16x512xi32>
    %lt3A_147 = arith.cmpf olt, %slice3A_144, %slice3A_143 : vector<16x512xf32>
    %select_n3A_148 = arith.select %lt3A_147, %slice3A_144, %slice3A_143 : vector<16x512xi1>, vector<16x512xf32>
    %select_n3A_149 = arith.select %lt3A_147, %slice3A_146, %slice3A_145 : vector<16x512xi1>, vector<16x512xi32>
    %slice3A_150 = vector.extract_strided_slice %select_n3A_148 {offsets = [0, 0], sizes = [8, 512], strides = [1, 1]} : vector<16x512xf32> to vector<8x512xf32>
    %slice3A_151 = vector.extract_strided_slice %select_n3A_148 {offsets = [8, 0], sizes = [8, 512], strides = [1, 1]} : vector<16x512xf32> to vector<8x512xf32>
    %slice3A_152 = vector.extract_strided_slice %select_n3A_149 {offsets = [0, 0], sizes = [8, 512], strides = [1, 1]} : vector<16x512xi32> to vector<8x512xi32>
    %slice3A_153 = vector.extract_strided_slice %select_n3A_149 {offsets = [8, 0], sizes = [8, 512], strides = [1, 1]} : vector<16x512xi32> to vector<8x512xi32>
    %lt3A_154 = arith.cmpf olt, %slice3A_151, %slice3A_150 : vector<8x512xf32>
    %select_n3A_155 = arith.select %lt3A_154, %slice3A_151, %slice3A_150 : vector<8x512xi1>, vector<8x512xf32>
    %select_n3A_156 = arith.select %lt3A_154, %slice3A_153, %slice3A_152 : vector<8x512xi1>, vector<8x512xi32>
    %slice3A_157 = vector.extract_strided_slice %select_n3A_155 {offsets = [0, 0], sizes = [4, 512], strides = [1, 1]} : vector<8x512xf32> to vector<4x512xf32>
    %slice3A_158 = vector.extract_strided_slice %select_n3A_155 {offsets = [4, 0], sizes = [4, 512], strides = [1, 1]} : vector<8x512xf32> to vector<4x512xf32>
    %slice3A_159 = vector.extract_strided_slice %select_n3A_156 {offsets = [0, 0], sizes = [4, 512], strides = [1, 1]} : vector<8x512xi32> to vector<4x512xi32>
    %slice3A_160 = vector.extract_strided_slice %select_n3A_156 {offsets = [4, 0], sizes = [4, 512], strides = [1, 1]} : vector<8x512xi32> to vector<4x512xi32>
    %lt3A_161 = arith.cmpf olt, %slice3A_158, %slice3A_157 : vector<4x512xf32>
    %select_n3A_162 = arith.select %lt3A_161, %slice3A_158, %slice3A_157 : vector<4x512xi1>, vector<4x512xf32>
    %select_n3A_163 = arith.select %lt3A_161, %slice3A_160, %slice3A_159 : vector<4x512xi1>, vector<4x512xi32>
    %slice3A_164 = vector.extract_strided_slice %select_n3A_162 {offsets = [0, 0], sizes = [2, 512], strides = [1, 1]} : vector<4x512xf32> to vector<2x512xf32>
    %slice3A_165 = vector.extract_strided_slice %select_n3A_162 {offsets = [2, 0], sizes = [2, 512], strides = [1, 1]} : vector<4x512xf32> to vector<2x512xf32>
    %slice3A_166 = vector.extract_strided_slice %select_n3A_163 {offsets = [0, 0], sizes = [2, 512], strides = [1, 1]} : vector<4x512xi32> to vector<2x512xi32>
    %slice3A_167 = vector.extract_strided_slice %select_n3A_163 {offsets = [2, 0], sizes = [2, 512], strides = [1, 1]} : vector<4x512xi32> to vector<2x512xi32>
    %lt3A_168 = arith.cmpf olt, %slice3A_165, %slice3A_164 : vector<2x512xf32>
    %select_n3A_169 = arith.select %lt3A_168, %slice3A_165, %slice3A_164 : vector<2x512xi1>, vector<2x512xf32>
    %select_n3A_170 = arith.select %lt3A_168, %slice3A_167, %slice3A_166 : vector<2x512xi1>, vector<2x512xi32>
    %slice3A_171 = vector.extract_strided_slice %select_n3A_169 {offsets = [0, 0], sizes = [1, 512], strides = [1, 1]} : vector<2x512xf32> to vector<1x512xf32>
    %slice3A_172 = vector.extract_strided_slice %select_n3A_169 {offsets = [1, 0], sizes = [1, 512], strides = [1, 1]} : vector<2x512xf32> to vector<1x512xf32>
    %slice3A_173 = vector.extract_strided_slice %select_n3A_170 {offsets = [0, 0], sizes = [1, 512], strides = [1, 1]} : vector<2x512xi32> to vector<1x512xi32>
    %slice3A_174 = vector.extract_strided_slice %select_n3A_170 {offsets = [1, 0], sizes = [1, 512], strides = [1, 1]} : vector<2x512xi32> to vector<1x512xi32>
    %lt3A_175 = arith.cmpf olt, %slice3A_172, %slice3A_171 : vector<1x512xf32>
    %select_n3A_176 = arith.select %lt3A_175, %slice3A_172, %slice3A_171 : vector<1x512xi1>, vector<1x512xf32>
    %select_n3A_177 = arith.select %lt3A_175, %slice3A_174, %slice3A_173 : vector<1x512xi1>, vector<1x512xi32>
    %lt3A_178 = arith.cmpf olt, %select_n3A_176, %select_n3A_91 : vector<1x512xf32>
    %select_n3A_179 = arith.select %lt3A_178, %select_n3A_176, %select_n3A_91 : vector<1x512xi1>, vector<1x512xf32>
    %select_n3A_180 = arith.select %lt3A_178, %select_n3A_177, %select_n3A_92 : vector<1x512xi1>, vector<1x512xi32>
    %get3A_181 = arith.constant 1024 : index
    %get3A_182 = arith.constant 0 : index
    %get3A_183 = vector.load %arg6[%get3A_181, %get3A_182] : memref<8192x256xbf16, #tpu.memory_space<vmem>>, vector<512x256xbf16>
    %get3A_184 = arith.constant 1024 : index
    %get3A_185 = arith.constant 0 : index
    %get3A_186 = vector.load %arg7[%get3A_184, %get3A_185] : memref<8192x1xf32, #tpu.memory_space<vmem>>, vector<512x1xf32>
    %dot_general3A_187 = arith.constant dense<0.000000e+00> : vector<512x512xf32>
    %dot_general3A_188 = tpu.matmul %get3A_183, %convert_element_type3A, %dot_general3A_187 {dimension_numbers = #tpu.dot_dimension_numbers<[1], [0], [0], [1], [0, 0, 1, 1], [], []>, transpose_lhs_hint = false} : vector<512x256xbf16>, vector<256x512xbf16>, vector<512x512xf32> -> vector<512x512xf32>
    %add3A_189 = vector.broadcast %broadcast_in_dim3A : vector<1x512xf32> to vector<512x512xf32>
    %add3A_190 = arith.addf %add3A_189, %dot_general3A_188 : vector<512x512xf32>
    %add3A_191 = vector.broadcast %get3A_186 : vector<512x1xf32> to vector<512x512xf32>
    %add3A_192 = arith.addf %add3A_190, %add3A_191 : vector<512x512xf32>
    %gt3A_193 = arith.constant 0.000000e+00 : f32
    %gt3A_194 = vector.broadcast %gt3A_193 : f32 to vector<512x512xf32>
    %gt3A_195 = arith.cmpf ogt, %add3A_192, %gt3A_194 : vector<512x512xf32>
    %jit3A_196 = arith.constant 0.000000e+00 : f32
    %broadcast_in_dim3A_197 = vector.broadcast %jit3A_196 : f32 to vector<512x512xf32>
    %select_n3A_198 = arith.select %gt3A_195, %add3A_192, %broadcast_in_dim3A_197 : vector<512x512xi1>, vector<512x512xf32>
    %sqrt3A_199 = math.sqrt %select_n3A_198 : vector<512x512xf32>
    %add3A_200 = arith.constant 1024 : i32
    %add3A_201 = vector.broadcast %add3A_200 : i32 to vector<512x512xi32>
    %add3A_202 = arith.addi %iota3A, %add3A_201 : vector<512x512xi32>
    %slice3A_203 = vector.extract_strided_slice %sqrt3A_199 {offsets = [0, 0], sizes = [256, 512], strides = [1, 1]} : vector<512x512xf32> to vector<256x512xf32>
    %slice3A_204 = vector.extract_strided_slice %sqrt3A_199 {offsets = [256, 0], sizes = [256, 512], strides = [1, 1]} : vector<512x512xf32> to vector<256x512xf32>
    %slice3A_205 = vector.extract_strided_slice %add3A_202 {offsets = [0, 0], sizes = [256, 512], strides = [1, 1]} : vector<512x512xi32> to vector<256x512xi32>
    %slice3A_206 = vector.extract_strided_slice %add3A_202 {offsets = [256, 0], sizes = [256, 512], strides = [1, 1]} : vector<512x512xi32> to vector<256x512xi32>
    %lt3A_207 = arith.cmpf olt, %slice3A_204, %slice3A_203 : vector<256x512xf32>
    %select_n3A_208 = arith.select %lt3A_207, %slice3A_204, %slice3A_203 : vector<256x512xi1>, vector<256x512xf32>
    %select_n3A_209 = arith.select %lt3A_207, %slice3A_206, %slice3A_205 : vector<256x512xi1>, vector<256x512xi32>
    %slice3A_210 = vector.extract_strided_slice %select_n3A_208 {offsets = [0, 0], sizes = [128, 512], strides = [1, 1]} : vector<256x512xf32> to vector<128x512xf32>
    %slice3A_211 = vector.extract_strided_slice %select_n3A_208 {offsets = [128, 0], sizes = [128, 512], strides = [1, 1]} : vector<256x512xf32> to vector<128x512xf32>
    %slice3A_212 = vector.extract_strided_slice %select_n3A_209 {offsets = [0, 0], sizes = [128, 512], strides = [1, 1]} : vector<256x512xi32> to vector<128x512xi32>
    %slice3A_213 = vector.extract_strided_slice %select_n3A_209 {offsets = [128, 0], sizes = [128, 512], strides = [1, 1]} : vector<256x512xi32> to vector<128x512xi32>
    %lt3A_214 = arith.cmpf olt, %slice3A_211, %slice3A_210 : vector<128x512xf32>
    %select_n3A_215 = arith.select %lt3A_214, %slice3A_211, %slice3A_210 : vector<128x512xi1>, vector<128x512xf32>
    %select_n3A_216 = arith.select %lt3A_214, %slice3A_213, %slice3A_212 : vector<128x512xi1>, vector<128x512xi32>
    %slice3A_217 = vector.extract_strided_slice %select_n3A_215 {offsets = [0, 0], sizes = [64, 512], strides = [1, 1]} : vector<128x512xf32> to vector<64x512xf32>
    %slice3A_218 = vector.extract_strided_slice %select_n3A_215 {offsets = [64, 0], sizes = [64, 512], strides = [1, 1]} : vector<128x512xf32> to vector<64x512xf32>
    %slice3A_219 = vector.extract_strided_slice %select_n3A_216 {offsets = [0, 0], sizes = [64, 512], strides = [1, 1]} : vector<128x512xi32> to vector<64x512xi32>
    %slice3A_220 = vector.extract_strided_slice %select_n3A_216 {offsets = [64, 0], sizes = [64, 512], strides = [1, 1]} : vector<128x512xi32> to vector<64x512xi32>
    %lt3A_221 = arith.cmpf olt, %slice3A_218, %slice3A_217 : vector<64x512xf32>
    %select_n3A_222 = arith.select %lt3A_221, %slice3A_218, %slice3A_217 : vector<64x512xi1>, vector<64x512xf32>
    %select_n3A_223 = arith.select %lt3A_221, %slice3A_220, %slice3A_219 : vector<64x512xi1>, vector<64x512xi32>
    %slice3A_224 = vector.extract_strided_slice %select_n3A_222 {offsets = [0, 0], sizes = [32, 512], strides = [1, 1]} : vector<64x512xf32> to vector<32x512xf32>
    %slice3A_225 = vector.extract_strided_slice %select_n3A_222 {offsets = [32, 0], sizes = [32, 512], strides = [1, 1]} : vector<64x512xf32> to vector<32x512xf32>
    %slice3A_226 = vector.extract_strided_slice %select_n3A_223 {offsets = [0, 0], sizes = [32, 512], strides = [1, 1]} : vector<64x512xi32> to vector<32x512xi32>
    %slice3A_227 = vector.extract_strided_slice %select_n3A_223 {offsets = [32, 0], sizes = [32, 512], strides = [1, 1]} : vector<64x512xi32> to vector<32x512xi32>
    %lt3A_228 = arith.cmpf olt, %slice3A_225, %slice3A_224 : vector<32x512xf32>
    %select_n3A_229 = arith.select %lt3A_228, %slice3A_225, %slice3A_224 : vector<32x512xi1>, vector<32x512xf32>
    %select_n3A_230 = arith.select %lt3A_228, %slice3A_227, %slice3A_226 : vector<32x512xi1>, vector<32x512xi32>
    %slice3A_231 = vector.extract_strided_slice %select_n3A_229 {offsets = [0, 0], sizes = [16, 512], strides = [1, 1]} : vector<32x512xf32> to vector<16x512xf32>
    %slice3A_232 = vector.extract_strided_slice %select_n3A_229 {offsets = [16, 0], sizes = [16, 512], strides = [1, 1]} : vector<32x512xf32> to vector<16x512xf32>
    %slice3A_233 = vector.extract_strided_slice %select_n3A_230 {offsets = [0, 0], sizes = [16, 512], strides = [1, 1]} : vector<32x512xi32> to vector<16x512xi32>
    %slice3A_234 = vector.extract_strided_slice %select_n3A_230 {offsets = [16, 0], sizes = [16, 512], strides = [1, 1]} : vector<32x512xi32> to vector<16x512xi32>
    %lt3A_235 = arith.cmpf olt, %slice3A_232, %slice3A_231 : vector<16x512xf32>
    %select_n3A_236 = arith.select %lt3A_235, %slice3A_232, %slice3A_231 : vector<16x512xi1>, vector<16x512xf32>
    %select_n3A_237 = arith.select %lt3A_235, %slice3A_234, %slice3A_233 : vector<16x512xi1>, vector<16x512xi32>
    %slice3A_238 = vector.extract_strided_slice %select_n3A_236 {offsets = [0, 0], sizes = [8, 512], strides = [1, 1]} : vector<16x512xf32> to vector<8x512xf32>
    %slice3A_239 = vector.extract_strided_slice %select_n3A_236 {offsets = [8, 0], sizes = [8, 512], strides = [1, 1]} : vector<16x512xf32> to vector<8x512xf32>
    %slice3A_240 = vector.extract_strided_slice %select_n3A_237 {offsets = [0, 0], sizes = [8, 512], strides = [1, 1]} : vector<16x512xi32> to vector<8x512xi32>
    %slice3A_241 = vector.extract_strided_slice %select_n3A_237 {offsets = [8, 0], sizes = [8, 512], strides = [1, 1]} : vector<16x512xi32> to vector<8x512xi32>
    %lt3A_242 = arith.cmpf olt, %slice3A_239, %slice3A_238 : vector<8x512xf32>
    %select_n3A_243 = arith.select %lt3A_242, %slice3A_239, %slice3A_238 : vector<8x512xi1>, vector<8x512xf32>
    %select_n3A_244 = arith.select %lt3A_242, %slice3A_241, %slice3A_240 : vector<8x512xi1>, vector<8x512xi32>
    %slice3A_245 = vector.extract_strided_slice %select_n3A_243 {offsets = [0, 0], sizes = [4, 512], strides = [1, 1]} : vector<8x512xf32> to vector<4x512xf32>
    %slice3A_246 = vector.extract_strided_slice %select_n3A_243 {offsets = [4, 0], sizes = [4, 512], strides = [1, 1]} : vector<8x512xf32> to vector<4x512xf32>
    %slice3A_247 = vector.extract_strided_slice %select_n3A_244 {offsets = [0, 0], sizes = [4, 512], strides = [1, 1]} : vector<8x512xi32> to vector<4x512xi32>
    %slice3A_248 = vector.extract_strided_slice %select_n3A_244 {offsets = [4, 0], sizes = [4, 512], strides = [1, 1]} : vector<8x512xi32> to vector<4x512xi32>
    %lt3A_249 = arith.cmpf olt, %slice3A_246, %slice3A_245 : vector<4x512xf32>
    %select_n3A_250 = arith.select %lt3A_249, %slice3A_246, %slice3A_245 : vector<4x512xi1>, vector<4x512xf32>
    %select_n3A_251 = arith.select %lt3A_249, %slice3A_248, %slice3A_247 : vector<4x512xi1>, vector<4x512xi32>
    %slice3A_252 = vector.extract_strided_slice %select_n3A_250 {offsets = [0, 0], sizes = [2, 512], strides = [1, 1]} : vector<4x512xf32> to vector<2x512xf32>
    %slice3A_253 = vector.extract_strided_slice %select_n3A_250 {offsets = [2, 0], sizes = [2, 512], strides = [1, 1]} : vector<4x512xf32> to vector<2x512xf32>
    %slice3A_254 = vector.extract_strided_slice %select_n3A_251 {offsets = [0, 0], sizes = [2, 512], strides = [1, 1]} : vector<4x512xi32> to vector<2x512xi32>
    %slice3A_255 = vector.extract_strided_slice %select_n3A_251 {offsets = [2, 0], sizes = [2, 512], strides = [1, 1]} : vector<4x512xi32> to vector<2x512xi32>
    %lt3A_256 = arith.cmpf olt, %slice3A_253, %slice3A_252 : vector<2x512xf32>
    %select_n3A_257 = arith.select %lt3A_256, %slice3A_253, %slice3A_252 : vector<2x512xi1>, vector<2x512xf32>
    %select_n3A_258 = arith.select %lt3A_256, %slice3A_255, %slice3A_254 : vector<2x512xi1>, vector<2x512xi32>
    %slice3A_259 = vector.extract_strided_slice %select_n3A_257 {offsets = [0, 0], sizes = [1, 512], strides = [1, 1]} : vector<2x512xf32> to vector<1x512xf32>
    %slice3A_260 = vector.extract_strided_slice %select_n3A_257 {offsets = [1, 0], sizes = [1, 512], strides = [1, 1]} : vector<2x512xf32> to vector<1x512xf32>
    %slice3A_261 = vector.extract_strided_slice %select_n3A_258 {offsets = [0, 0], sizes = [1, 512], strides = [1, 1]} : vector<2x512xi32> to vector<1x512xi32>
    %slice3A_262 = vector.extract_strided_slice %select_n3A_258 {offsets = [1, 0], sizes = [1, 512], strides = [1, 1]} : vector<2x512xi32> to vector<1x512xi32>
    %lt3A_263 = arith.cmpf olt, %slice3A_260, %slice3A_259 : vector<1x512xf32>
    %select_n3A_264 = arith.select %lt3A_263, %slice3A_260, %slice3A_259 : vector<1x512xi1>, vector<1x512xf32>
    %select_n3A_265 = arith.select %lt3A_263, %slice3A_262, %slice3A_261 : vector<1x512xi1>, vector<1x512xi32>
    %lt3A_266 = arith.cmpf olt, %select_n3A_264, %select_n3A_179 : vector<1x512xf32>
    %select_n3A_267 = arith.select %lt3A_266, %select_n3A_264, %select_n3A_179 : vector<1x512xi1>, vector<1x512xf32>
    %select_n3A_268 = arith.select %lt3A_266, %select_n3A_265, %select_n3A_180 : vector<1x512xi1>, vector<1x512xi32>
    %get3A_269 = arith.constant 1536 : index
    %get3A_270 = arith.constant 0 : index
    %get3A_271 = vector.load %arg6[%get3A_269, %get3A_270] : memref<8192x256xbf16, #tpu.memory_space<vmem>>, vector<512x256xbf16>
    %get3A_272 = arith.constant 1536 : index
    %get3A_273 = arith.constant 0 : index
    %get3A_274 = vector.load %arg7[%get3A_272, %get3A_273] : memref<8192x1xf32, #tpu.memory_space<vmem>>, vector<512x1xf32>
    %dot_general3A_275 = arith.constant dense<0.000000e+00> : vector<512x512xf32>
    %dot_general3A_276 = tpu.matmul %get3A_271, %convert_element_type3A, %dot_general3A_275 {dimension_numbers = #tpu.dot_dimension_numbers<[1], [0], [0], [1], [0, 0, 1, 1], [], []>, transpose_lhs_hint = false} : vector<512x256xbf16>, vector<256x512xbf16>, vector<512x512xf32> -> vector<512x512xf32>
    %add3A_277 = vector.broadcast %broadcast_in_dim3A : vector<1x512xf32> to vector<512x512xf32>
    %add3A_278 = arith.addf %add3A_277, %dot_general3A_276 : vector<512x512xf32>
    %add3A_279 = vector.broadcast %get3A_274 : vector<512x1xf32> to vector<512x512xf32>
    %add3A_280 = arith.addf %add3A_278, %add3A_279 : vector<512x512xf32>
    %gt3A_281 = arith.constant 0.000000e+00 : f32
    %gt3A_282 = vector.broadcast %gt3A_281 : f32 to vector<512x512xf32>
    %gt3A_283 = arith.cmpf ogt, %add3A_280, %gt3A_282 : vector<512x512xf32>
    %jit3A_284 = arith.constant 0.000000e+00 : f32
    %broadcast_in_dim3A_285 = vector.broadcast %jit3A_284 : f32 to vector<512x512xf32>
    %select_n3A_286 = arith.select %gt3A_283, %add3A_280, %broadcast_in_dim3A_285 : vector<512x512xi1>, vector<512x512xf32>
    %sqrt3A_287 = math.sqrt %select_n3A_286 : vector<512x512xf32>
    %add3A_288 = arith.constant 1536 : i32
    %add3A_289 = vector.broadcast %add3A_288 : i32 to vector<512x512xi32>
    %add3A_290 = arith.addi %iota3A, %add3A_289 : vector<512x512xi32>
    %slice3A_291 = vector.extract_strided_slice %sqrt3A_287 {offsets = [0, 0], sizes = [256, 512], strides = [1, 1]} : vector<512x512xf32> to vector<256x512xf32>
    %slice3A_292 = vector.extract_strided_slice %sqrt3A_287 {offsets = [256, 0], sizes = [256, 512], strides = [1, 1]} : vector<512x512xf32> to vector<256x512xf32>
    %slice3A_293 = vector.extract_strided_slice %add3A_290 {offsets = [0, 0], sizes = [256, 512], strides = [1, 1]} : vector<512x512xi32> to vector<256x512xi32>
    %slice3A_294 = vector.extract_strided_slice %add3A_290 {offsets = [256, 0], sizes = [256, 512], strides = [1, 1]} : vector<512x512xi32> to vector<256x512xi32>
    %lt3A_295 = arith.cmpf olt, %slice3A_292, %slice3A_291 : vector<256x512xf32>
    %select_n3A_296 = arith.select %lt3A_295, %slice3A_292, %slice3A_291 : vector<256x512xi1>, vector<256x512xf32>
    %select_n3A_297 = arith.select %lt3A_295, %slice3A_294, %slice3A_293 : vector<256x512xi1>, vector<256x512xi32>
    %slice3A_298 = vector.extract_strided_slice %select_n3A_296 {offsets = [0, 0], sizes = [128, 512], strides = [1, 1]} : vector<256x512xf32> to vector<128x512xf32>
    %slice3A_299 = vector.extract_strided_slice %select_n3A_296 {offsets = [128, 0], sizes = [128, 512], strides = [1, 1]} : vector<256x512xf32> to vector<128x512xf32>
    %slice3A_300 = vector.extract_strided_slice %select_n3A_297 {offsets = [0, 0], sizes = [128, 512], strides = [1, 1]} : vector<256x512xi32> to vector<128x512xi32>
    %slice3A_301 = vector.extract_strided_slice %select_n3A_297 {offsets = [128, 0], sizes = [128, 512], strides = [1, 1]} : vector<256x512xi32> to vector<128x512xi32>
    %lt3A_302 = arith.cmpf olt, %slice3A_299, %slice3A_298 : vector<128x512xf32>
    %select_n3A_303 = arith.select %lt3A_302, %slice3A_299, %slice3A_298 : vector<128x512xi1>, vector<128x512xf32>
    %select_n3A_304 = arith.select %lt3A_302, %slice3A_301, %slice3A_300 : vector<128x512xi1>, vector<128x512xi32>
    %slice3A_305 = vector.extract_strided_slice %select_n3A_303 {offsets = [0, 0], sizes = [64, 512], strides = [1, 1]} : vector<128x512xf32> to vector<64x512xf32>
    %slice3A_306 = vector.extract_strided_slice %select_n3A_303 {offsets = [64, 0], sizes = [64, 512], strides = [1, 1]} : vector<128x512xf32> to vector<64x512xf32>
    %slice3A_307 = vector.extract_strided_slice %select_n3A_304 {offsets = [0, 0], sizes = [64, 512], strides = [1, 1]} : vector<128x512xi32> to vector<64x512xi32>
    %slice3A_308 = vector.extract_strided_slice %select_n3A_304 {offsets = [64, 0], sizes = [64, 512], strides = [1, 1]} : vector<128x512xi32> to vector<64x512xi32>
    %lt3A_309 = arith.cmpf olt, %slice3A_306, %slice3A_305 : vector<64x512xf32>
    %select_n3A_310 = arith.select %lt3A_309, %slice3A_306, %slice3A_305 : vector<64x512xi1>, vector<64x512xf32>
    %select_n3A_311 = arith.select %lt3A_309, %slice3A_308, %slice3A_307 : vector<64x512xi1>, vector<64x512xi32>
    %slice3A_312 = vector.extract_strided_slice %select_n3A_310 {offsets = [0, 0], sizes = [32, 512], strides = [1, 1]} : vector<64x512xf32> to vector<32x512xf32>
    %slice3A_313 = vector.extract_strided_slice %select_n3A_310 {offsets = [32, 0], sizes = [32, 512], strides = [1, 1]} : vector<64x512xf32> to vector<32x512xf32>
    %slice3A_314 = vector.extract_strided_slice %select_n3A_311 {offsets = [0, 0], sizes = [32, 512], strides = [1, 1]} : vector<64x512xi32> to vector<32x512xi32>
    %slice3A_315 = vector.extract_strided_slice %select_n3A_311 {offsets = [32, 0], sizes = [32, 512], strides = [1, 1]} : vector<64x512xi32> to vector<32x512xi32>
    %lt3A_316 = arith.cmpf olt, %slice3A_313, %slice3A_312 : vector<32x512xf32>
    %select_n3A_317 = arith.select %lt3A_316, %slice3A_313, %slice3A_312 : vector<32x512xi1>, vector<32x512xf32>
    %select_n3A_318 = arith.select %lt3A_316, %slice3A_315, %slice3A_314 : vector<32x512xi1>, vector<32x512xi32>
    %slice3A_319 = vector.extract_strided_slice %select_n3A_317 {offsets = [0, 0], sizes = [16, 512], strides = [1, 1]} : vector<32x512xf32> to vector<16x512xf32>
    %slice3A_320 = vector.extract_strided_slice %select_n3A_317 {offsets = [16, 0], sizes = [16, 512], strides = [1, 1]} : vector<32x512xf32> to vector<16x512xf32>
    %slice3A_321 = vector.extract_strided_slice %select_n3A_318 {offsets = [0, 0], sizes = [16, 512], strides = [1, 1]} : vector<32x512xi32> to vector<16x512xi32>
    %slice3A_322 = vector.extract_strided_slice %select_n3A_318 {offsets = [16, 0], sizes = [16, 512], strides = [1, 1]} : vector<32x512xi32> to vector<16x512xi32>
    %lt3A_323 = arith.cmpf olt, %slice3A_320, %slice3A_319 : vector<16x512xf32>
    %select_n3A_324 = arith.select %lt3A_323, %slice3A_320, %slice3A_319 : vector<16x512xi1>, vector<16x512xf32>
    %select_n3A_325 = arith.select %lt3A_323, %slice3A_322, %slice3A_321 : vector<16x512xi1>, vector<16x512xi32>
    %slice3A_326 = vector.extract_strided_slice %select_n3A_324 {offsets = [0, 0], sizes = [8, 512], strides = [1, 1]} : vector<16x512xf32> to vector<8x512xf32>
    %slice3A_327 = vector.extract_strided_slice %select_n3A_324 {offsets = [8, 0], sizes = [8, 512], strides = [1, 1]} : vector<16x512xf32> to vector<8x512xf32>
    %slice3A_328 = vector.extract_strided_slice %select_n3A_325 {offsets = [0, 0], sizes = [8, 512], strides = [1, 1]} : vector<16x512xi32> to vector<8x512xi32>
    %slice3A_329 = vector.extract_strided_slice %select_n3A_325 {offsets = [8, 0], sizes = [8, 512], strides = [1, 1]} : vector<16x512xi32> to vector<8x512xi32>
    %lt3A_330 = arith.cmpf olt, %slice3A_327, %slice3A_326 : vector<8x512xf32>
    %select_n3A_331 = arith.select %lt3A_330, %slice3A_327, %slice3A_326 : vector<8x512xi1>, vector<8x512xf32>
    %select_n3A_332 = arith.select %lt3A_330, %slice3A_329, %slice3A_328 : vector<8x512xi1>, vector<8x512xi32>
    %slice3A_333 = vector.extract_strided_slice %select_n3A_331 {offsets = [0, 0], sizes = [4, 512], strides = [1, 1]} : vector<8x512xf32> to vector<4x512xf32>
    %slice3A_334 = vector.extract_strided_slice %select_n3A_331 {offsets = [4, 0], sizes = [4, 512], strides = [1, 1]} : vector<8x512xf32> to vector<4x512xf32>
    %slice3A_335 = vector.extract_strided_slice %select_n3A_332 {offsets = [0, 0], sizes = [4, 512], strides = [1, 1]} : vector<8x512xi32> to vector<4x512xi32>
    %slice3A_336 = vector.extract_strided_slice %select_n3A_332 {offsets = [4, 0], sizes = [4, 512], strides = [1, 1]} : vector<8x512xi32> to vector<4x512xi32>
    %lt3A_337 = arith.cmpf olt, %slice3A_334, %slice3A_333 : vector<4x512xf32>
    %select_n3A_338 = arith.select %lt3A_337, %slice3A_334, %slice3A_333 : vector<4x512xi1>, vector<4x512xf32>
    %select_n3A_339 = arith.select %lt3A_337, %slice3A_336, %slice3A_335 : vector<4x512xi1>, vector<4x512xi32>
    %slice3A_340 = vector.extract_strided_slice %select_n3A_338 {offsets = [0, 0], sizes = [2, 512], strides = [1, 1]} : vector<4x512xf32> to vector<2x512xf32>
    %slice3A_341 = vector.extract_strided_slice %select_n3A_338 {offsets = [2, 0], sizes = [2, 512], strides = [1, 1]} : vector<4x512xf32> to vector<2x512xf32>
    %slice3A_342 = vector.extract_strided_slice %select_n3A_339 {offsets = [0, 0], sizes = [2, 512], strides = [1, 1]} : vector<4x512xi32> to vector<2x512xi32>
    %slice3A_343 = vector.extract_strided_slice %select_n3A_339 {offsets = [2, 0], sizes = [2, 512], strides = [1, 1]} : vector<4x512xi32> to vector<2x512xi32>
    %lt3A_344 = arith.cmpf olt, %slice3A_341, %slice3A_340 : vector<2x512xf32>
    %select_n3A_345 = arith.select %lt3A_344, %slice3A_341, %slice3A_340 : vector<2x512xi1>, vector<2x512xf32>
    %select_n3A_346 = arith.select %lt3A_344, %slice3A_343, %slice3A_342 : vector<2x512xi1>, vector<2x512xi32>
    %slice3A_347 = vector.extract_strided_slice %select_n3A_345 {offsets = [0, 0], sizes = [1, 512], strides = [1, 1]} : vector<2x512xf32> to vector<1x512xf32>
    %slice3A_348 = vector.extract_strided_slice %select_n3A_345 {offsets = [1, 0], sizes = [1, 512], strides = [1, 1]} : vector<2x512xf32> to vector<1x512xf32>
    %slice3A_349 = vector.extract_strided_slice %select_n3A_346 {offsets = [0, 0], sizes = [1, 512], strides = [1, 1]} : vector<2x512xi32> to vector<1x512xi32>
    %slice3A_350 = vector.extract_strided_slice %select_n3A_346 {offsets = [1, 0], sizes = [1, 512], strides = [1, 1]} : vector<2x512xi32> to vector<1x512xi32>
    %lt3A_351 = arith.cmpf olt, %slice3A_348, %slice3A_347 : vector<1x512xf32>
    %select_n3A_352 = arith.select %lt3A_351, %slice3A_348, %slice3A_347 : vector<1x512xi1>, vector<1x512xf32>
    %select_n3A_353 = arith.select %lt3A_351, %slice3A_350, %slice3A_349 : vector<1x512xi1>, vector<1x512xi32>
    %lt3A_354 = arith.cmpf olt, %select_n3A_352, %select_n3A_267 : vector<1x512xf32>
    %select_n3A_355 = arith.select %lt3A_354, %select_n3A_352, %select_n3A_267 : vector<1x512xi1>, vector<1x512xf32>
    %select_n3A_356 = arith.select %lt3A_354, %select_n3A_353, %select_n3A_268 : vector<1x512xi1>, vector<1x512xi32>
    %get3A_357 = arith.constant 2048 : index
    %get3A_358 = arith.constant 0 : index
    %get3A_359 = vector.load %arg6[%get3A_357, %get3A_358] : memref<8192x256xbf16, #tpu.memory_space<vmem>>, vector<512x256xbf16>
    %get3A_360 = arith.constant 2048 : index
    %get3A_361 = arith.constant 0 : index
    %get3A_362 = vector.load %arg7[%get3A_360, %get3A_361] : memref<8192x1xf32, #tpu.memory_space<vmem>>, vector<512x1xf32>
    %dot_general3A_363 = arith.constant dense<0.000000e+00> : vector<512x512xf32>
    %dot_general3A_364 = tpu.matmul %get3A_359, %convert_element_type3A, %dot_general3A_363 {dimension_numbers = #tpu.dot_dimension_numbers<[1], [0], [0], [1], [0, 0, 1, 1], [], []>, transpose_lhs_hint = false} : vector<512x256xbf16>, vector<256x512xbf16>, vector<512x512xf32> -> vector<512x512xf32>
    %add3A_365 = vector.broadcast %broadcast_in_dim3A : vector<1x512xf32> to vector<512x512xf32>
    %add3A_366 = arith.addf %add3A_365, %dot_general3A_364 : vector<512x512xf32>
    %add3A_367 = vector.broadcast %get3A_362 : vector<512x1xf32> to vector<512x512xf32>
    %add3A_368 = arith.addf %add3A_366, %add3A_367 : vector<512x512xf32>
    %gt3A_369 = arith.constant 0.000000e+00 : f32
    %gt3A_370 = vector.broadcast %gt3A_369 : f32 to vector<512x512xf32>
    %gt3A_371 = arith.cmpf ogt, %add3A_368, %gt3A_370 : vector<512x512xf32>
    %jit3A_372 = arith.constant 0.000000e+00 : f32
    %broadcast_in_dim3A_373 = vector.broadcast %jit3A_372 : f32 to vector<512x512xf32>
    %select_n3A_374 = arith.select %gt3A_371, %add3A_368, %broadcast_in_dim3A_373 : vector<512x512xi1>, vector<512x512xf32>
    %sqrt3A_375 = math.sqrt %select_n3A_374 : vector<512x512xf32>
    %add3A_376 = arith.constant 2048 : i32
    %add3A_377 = vector.broadcast %add3A_376 : i32 to vector<512x512xi32>
    %add3A_378 = arith.addi %iota3A, %add3A_377 : vector<512x512xi32>
    %slice3A_379 = vector.extract_strided_slice %sqrt3A_375 {offsets = [0, 0], sizes = [256, 512], strides = [1, 1]} : vector<512x512xf32> to vector<256x512xf32>
    %slice3A_380 = vector.extract_strided_slice %sqrt3A_375 {offsets = [256, 0], sizes = [256, 512], strides = [1, 1]} : vector<512x512xf32> to vector<256x512xf32>
    %slice3A_381 = vector.extract_strided_slice %add3A_378 {offsets = [0, 0], sizes = [256, 512], strides = [1, 1]} : vector<512x512xi32> to vector<256x512xi32>
    %slice3A_382 = vector.extract_strided_slice %add3A_378 {offsets = [256, 0], sizes = [256, 512], strides = [1, 1]} : vector<512x512xi32> to vector<256x512xi32>
    %lt3A_383 = arith.cmpf olt, %slice3A_380, %slice3A_379 : vector<256x512xf32>
    %select_n3A_384 = arith.select %lt3A_383, %slice3A_380, %slice3A_379 : vector<256x512xi1>, vector<256x512xf32>
    %select_n3A_385 = arith.select %lt3A_383, %slice3A_382, %slice3A_381 : vector<256x512xi1>, vector<256x512xi32>
    %slice3A_386 = vector.extract_strided_slice %select_n3A_384 {offsets = [0, 0], sizes = [128, 512], strides = [1, 1]} : vector<256x512xf32> to vector<128x512xf32>
    %slice3A_387 = vector.extract_strided_slice %select_n3A_384 {offsets = [128, 0], sizes = [128, 512], strides = [1, 1]} : vector<256x512xf32> to vector<128x512xf32>
    %slice3A_388 = vector.extract_strided_slice %select_n3A_385 {offsets = [0, 0], sizes = [128, 512], strides = [1, 1]} : vector<256x512xi32> to vector<128x512xi32>
    %slice3A_389 = vector.extract_strided_slice %select_n3A_385 {offsets = [128, 0], sizes = [128, 512], strides = [1, 1]} : vector<256x512xi32> to vector<128x512xi32>
    %lt3A_390 = arith.cmpf olt, %slice3A_387, %slice3A_386 : vector<128x512xf32>
    %select_n3A_391 = arith.select %lt3A_390, %slice3A_387, %slice3A_386 : vector<128x512xi1>, vector<128x512xf32>
    %select_n3A_392 = arith.select %lt3A_390, %slice3A_389, %slice3A_388 : vector<128x512xi1>, vector<128x512xi32>
    %slice3A_393 = vector.extract_strided_slice %select_n3A_391 {offsets = [0, 0], sizes = [64, 512], strides = [1, 1]} : vector<128x512xf32> to vector<64x512xf32>
    %slice3A_394 = vector.extract_strided_slice %select_n3A_391 {offsets = [64, 0], sizes = [64, 512], strides = [1, 1]} : vector<128x512xf32> to vector<64x512xf32>
    %slice3A_395 = vector.extract_strided_slice %select_n3A_392 {offsets = [0, 0], sizes = [64, 512], strides = [1, 1]} : vector<128x512xi32> to vector<64x512xi32>
    %slice3A_396 = vector.extract_strided_slice %select_n3A_392 {offsets = [64, 0], sizes = [64, 512], strides = [1, 1]} : vector<128x512xi32> to vector<64x512xi32>
    %lt3A_397 = arith.cmpf olt, %slice3A_394, %slice3A_393 : vector<64x512xf32>
    %select_n3A_398 = arith.select %lt3A_397, %slice3A_394, %slice3A_393 : vector<64x512xi1>, vector<64x512xf32>
    %select_n3A_399 = arith.select %lt3A_397, %slice3A_396, %slice3A_395 : vector<64x512xi1>, vector<64x512xi32>
    %slice3A_400 = vector.extract_strided_slice %select_n3A_398 {offsets = [0, 0], sizes = [32, 512], strides = [1, 1]} : vector<64x512xf32> to vector<32x512xf32>
    %slice3A_401 = vector.extract_strided_slice %select_n3A_398 {offsets = [32, 0], sizes = [32, 512], strides = [1, 1]} : vector<64x512xf32> to vector<32x512xf32>
    %slice3A_402 = vector.extract_strided_slice %select_n3A_399 {offsets = [0, 0], sizes = [32, 512], strides = [1, 1]} : vector<64x512xi32> to vector<32x512xi32>
    %slice3A_403 = vector.extract_strided_slice %select_n3A_399 {offsets = [32, 0], sizes = [32, 512], strides = [1, 1]} : vector<64x512xi32> to vector<32x512xi32>
    %lt3A_404 = arith.cmpf olt, %slice3A_401, %slice3A_400 : vector<32x512xf32>
    %select_n3A_405 = arith.select %lt3A_404, %slice3A_401, %slice3A_400 : vector<32x512xi1>, vector<32x512xf32>
    %select_n3A_406 = arith.select %lt3A_404, %slice3A_403, %slice3A_402 : vector<32x512xi1>, vector<32x512xi32>
    %slice3A_407 = vector.extract_strided_slice %select_n3A_405 {offsets = [0, 0], sizes = [16, 512], strides = [1, 1]} : vector<32x512xf32> to vector<16x512xf32>
    %slice3A_408 = vector.extract_strided_slice %select_n3A_405 {offsets = [16, 0], sizes = [16, 512], strides = [1, 1]} : vector<32x512xf32> to vector<16x512xf32>
    %slice3A_409 = vector.extract_strided_slice %select_n3A_406 {offsets = [0, 0], sizes = [16, 512], strides = [1, 1]} : vector<32x512xi32> to vector<16x512xi32>
    %slice3A_410 = vector.extract_strided_slice %select_n3A_406 {offsets = [16, 0], sizes = [16, 512], strides = [1, 1]} : vector<32x512xi32> to vector<16x512xi32>
    %lt3A_411 = arith.cmpf olt, %slice3A_408, %slice3A_407 : vector<16x512xf32>
    %select_n3A_412 = arith.select %lt3A_411, %slice3A_408, %slice3A_407 : vector<16x512xi1>, vector<16x512xf32>
    %select_n3A_413 = arith.select %lt3A_411, %slice3A_410, %slice3A_409 : vector<16x512xi1>, vector<16x512xi32>
    %slice3A_414 = vector.extract_strided_slice %select_n3A_412 {offsets = [0, 0], sizes = [8, 512], strides = [1, 1]} : vector<16x512xf32> to vector<8x512xf32>
    %slice3A_415 = vector.extract_strided_slice %select_n3A_412 {offsets = [8, 0], sizes = [8, 512], strides = [1, 1]} : vector<16x512xf32> to vector<8x512xf32>
    %slice3A_416 = vector.extract_strided_slice %select_n3A_413 {offsets = [0, 0], sizes = [8, 512], strides = [1, 1]} : vector<16x512xi32> to vector<8x512xi32>
    %slice3A_417 = vector.extract_strided_slice %select_n3A_413 {offsets = [8, 0], sizes = [8, 512], strides = [1, 1]} : vector<16x512xi32> to vector<8x512xi32>
    %lt3A_418 = arith.cmpf olt, %slice3A_415, %slice3A_414 : vector<8x512xf32>
    %select_n3A_419 = arith.select %lt3A_418, %slice3A_415, %slice3A_414 : vector<8x512xi1>, vector<8x512xf32>
    %select_n3A_420 = arith.select %lt3A_418, %slice3A_417, %slice3A_416 : vector<8x512xi1>, vector<8x512xi32>
    %slice3A_421 = vector.extract_strided_slice %select_n3A_419 {offsets = [0, 0], sizes = [4, 512], strides = [1, 1]} : vector<8x512xf32> to vector<4x512xf32>
    %slice3A_422 = vector.extract_strided_slice %select_n3A_419 {offsets = [4, 0], sizes = [4, 512], strides = [1, 1]} : vector<8x512xf32> to vector<4x512xf32>
    %slice3A_423 = vector.extract_strided_slice %select_n3A_420 {offsets = [0, 0], sizes = [4, 512], strides = [1, 1]} : vector<8x512xi32> to vector<4x512xi32>
    %slice3A_424 = vector.extract_strided_slice %select_n3A_420 {offsets = [4, 0], sizes = [4, 512], strides = [1, 1]} : vector<8x512xi32> to vector<4x512xi32>
    %lt3A_425 = arith.cmpf olt, %slice3A_422, %slice3A_421 : vector<4x512xf32>
    %select_n3A_426 = arith.select %lt3A_425, %slice3A_422, %slice3A_421 : vector<4x512xi1>, vector<4x512xf32>
    %select_n3A_427 = arith.select %lt3A_425, %slice3A_424, %slice3A_423 : vector<4x512xi1>, vector<4x512xi32>
    %slice3A_428 = vector.extract_strided_slice %select_n3A_426 {offsets = [0, 0], sizes = [2, 512], strides = [1, 1]} : vector<4x512xf32> to vector<2x512xf32>
    %slice3A_429 = vector.extract_strided_slice %select_n3A_426 {offsets = [2, 0], sizes = [2, 512], strides = [1, 1]} : vector<4x512xf32> to vector<2x512xf32>
    %slice3A_430 = vector.extract_strided_slice %select_n3A_427 {offsets = [0, 0], sizes = [2, 512], strides = [1, 1]} : vector<4x512xi32> to vector<2x512xi32>
    %slice3A_431 = vector.extract_strided_slice %select_n3A_427 {offsets = [2, 0], sizes = [2, 512], strides = [1, 1]} : vector<4x512xi32> to vector<2x512xi32>
    %lt3A_432 = arith.cmpf olt, %slice3A_429, %slice3A_428 : vector<2x512xf32>
    %select_n3A_433 = arith.select %lt3A_432, %slice3A_429, %slice3A_428 : vector<2x512xi1>, vector<2x512xf32>
    %select_n3A_434 = arith.select %lt3A_432, %slice3A_431, %slice3A_430 : vector<2x512xi1>, vector<2x512xi32>
    %slice3A_435 = vector.extract_strided_slice %select_n3A_433 {offsets = [0, 0], sizes = [1, 512], strides = [1, 1]} : vector<2x512xf32> to vector<1x512xf32>
    %slice3A_436 = vector.extract_strided_slice %select_n3A_433 {offsets = [1, 0], sizes = [1, 512], strides = [1, 1]} : vector<2x512xf32> to vector<1x512xf32>
    %slice3A_437 = vector.extract_strided_slice %select_n3A_434 {offsets = [0, 0], sizes = [1, 512], strides = [1, 1]} : vector<2x512xi32> to vector<1x512xi32>
    %slice3A_438 = vector.extract_strided_slice %select_n3A_434 {offsets = [1, 0], sizes = [1, 512], strides = [1, 1]} : vector<2x512xi32> to vector<1x512xi32>
    %lt3A_439 = arith.cmpf olt, %slice3A_436, %slice3A_435 : vector<1x512xf32>
    %select_n3A_440 = arith.select %lt3A_439, %slice3A_436, %slice3A_435 : vector<1x512xi1>, vector<1x512xf32>
    %select_n3A_441 = arith.select %lt3A_439, %slice3A_438, %slice3A_437 : vector<1x512xi1>, vector<1x512xi32>
    %lt3A_442 = arith.cmpf olt, %select_n3A_440, %select_n3A_355 : vector<1x512xf32>
    %select_n3A_443 = arith.select %lt3A_442, %select_n3A_440, %select_n3A_355 : vector<1x512xi1>, vector<1x512xf32>
    %select_n3A_444 = arith.select %lt3A_442, %select_n3A_441, %select_n3A_356 : vector<1x512xi1>, vector<1x512xi32>
    %get3A_445 = arith.constant 2560 : index
    %get3A_446 = arith.constant 0 : index
    %get3A_447 = vector.load %arg6[%get3A_445, %get3A_446] : memref<8192x256xbf16, #tpu.memory_space<vmem>>, vector<512x256xbf16>
    %get3A_448 = arith.constant 2560 : index
    %get3A_449 = arith.constant 0 : index
    %get3A_450 = vector.load %arg7[%get3A_448, %get3A_449] : memref<8192x1xf32, #tpu.memory_space<vmem>>, vector<512x1xf32>
    %dot_general3A_451 = arith.constant dense<0.000000e+00> : vector<512x512xf32>
    %dot_general3A_452 = tpu.matmul %get3A_447, %convert_element_type3A, %dot_general3A_451 {dimension_numbers = #tpu.dot_dimension_numbers<[1], [0], [0], [1], [0, 0, 1, 1], [], []>, transpose_lhs_hint = false} : vector<512x256xbf16>, vector<256x512xbf16>, vector<512x512xf32> -> vector<512x512xf32>
    %add3A_453 = vector.broadcast %broadcast_in_dim3A : vector<1x512xf32> to vector<512x512xf32>
    %add3A_454 = arith.addf %add3A_453, %dot_general3A_452 : vector<512x512xf32>
    %add3A_455 = vector.broadcast %get3A_450 : vector<512x1xf32> to vector<512x512xf32>
    %add3A_456 = arith.addf %add3A_454, %add3A_455 : vector<512x512xf32>
    %gt3A_457 = arith.constant 0.000000e+00 : f32
    %gt3A_458 = vector.broadcast %gt3A_457 : f32 to vector<512x512xf32>
    %gt3A_459 = arith.cmpf ogt, %add3A_456, %gt3A_458 : vector<512x512xf32>
    %jit3A_460 = arith.constant 0.000000e+00 : f32
    %broadcast_in_dim3A_461 = vector.broadcast %jit3A_460 : f32 to vector<512x512xf32>
    %select_n3A_462 = arith.select %gt3A_459, %add3A_456, %broadcast_in_dim3A_461 : vector<512x512xi1>, vector<512x512xf32>
    %sqrt3A_463 = math.sqrt %select_n3A_462 : vector<512x512xf32>
    %add3A_464 = arith.constant 2560 : i32
    %add3A_465 = vector.broadcast %add3A_464 : i32 to vector<512x512xi32>
    %add3A_466 = arith.addi %iota3A, %add3A_465 : vector<512x512xi32>
    %slice3A_467 = vector.extract_strided_slice %sqrt3A_463 {offsets = [0, 0], sizes = [256, 512], strides = [1, 1]} : vector<512x512xf32> to vector<256x512xf32>
    %slice3A_468 = vector.extract_strided_slice %sqrt3A_463 {offsets = [256, 0], sizes = [256, 512], strides = [1, 1]} : vector<512x512xf32> to vector<256x512xf32>
    %slice3A_469 = vector.extract_strided_slice %add3A_466 {offsets = [0, 0], sizes = [256, 512], strides = [1, 1]} : vector<512x512xi32> to vector<256x512xi32>
    %slice3A_470 = vector.extract_strided_slice %add3A_466 {offsets = [256, 0], sizes = [256, 512], strides = [1, 1]} : vector<512x512xi32> to vector<256x512xi32>
    %lt3A_471 = arith.cmpf olt, %slice3A_468, %slice3A_467 : vector<256x512xf32>
    %select_n3A_472 = arith.select %lt3A_471, %slice3A_468, %slice3A_467 : vector<256x512xi1>, vector<256x512xf32>
    %select_n3A_473 = arith.select %lt3A_471, %slice3A_470, %slice3A_469 : vector<256x512xi1>, vector<256x512xi32>
    %slice3A_474 = vector.extract_strided_slice %select_n3A_472 {offsets = [0, 0], sizes = [128, 512], strides = [1, 1]} : vector<256x512xf32> to vector<128x512xf32>
    %slice3A_475 = vector.extract_strided_slice %select_n3A_472 {offsets = [128, 0], sizes = [128, 512], strides = [1, 1]} : vector<256x512xf32> to vector<128x512xf32>
    %slice3A_476 = vector.extract_strided_slice %select_n3A_473 {offsets = [0, 0], sizes = [128, 512], strides = [1, 1]} : vector<256x512xi32> to vector<128x512xi32>
    %slice3A_477 = vector.extract_strided_slice %select_n3A_473 {offsets = [128, 0], sizes = [128, 512], strides = [1, 1]} : vector<256x512xi32> to vector<128x512xi32>
    %lt3A_478 = arith.cmpf olt, %slice3A_475, %slice3A_474 : vector<128x512xf32>
    %select_n3A_479 = arith.select %lt3A_478, %slice3A_475, %slice3A_474 : vector<128x512xi1>, vector<128x512xf32>
    %select_n3A_480 = arith.select %lt3A_478, %slice3A_477, %slice3A_476 : vector<128x512xi1>, vector<128x512xi32>
    %slice3A_481 = vector.extract_strided_slice %select_n3A_479 {offsets = [0, 0], sizes = [64, 512], strides = [1, 1]} : vector<128x512xf32> to vector<64x512xf32>
    %slice3A_482 = vector.extract_strided_slice %select_n3A_479 {offsets = [64, 0], sizes = [64, 512], strides = [1, 1]} : vector<128x512xf32> to vector<64x512xf32>
    %slice3A_483 = vector.extract_strided_slice %select_n3A_480 {offsets = [0, 0], sizes = [64, 512], strides = [1, 1]} : vector<128x512xi32> to vector<64x512xi32>
    %slice3A_484 = vector.extract_strided_slice %select_n3A_480 {offsets = [64, 0], sizes = [64, 512], strides = [1, 1]} : vector<128x512xi32> to vector<64x512xi32>
    %lt3A_485 = arith.cmpf olt, %slice3A_482, %slice3A_481 : vector<64x512xf32>
    %select_n3A_486 = arith.select %lt3A_485, %slice3A_482, %slice3A_481 : vector<64x512xi1>, vector<64x512xf32>
    %select_n3A_487 = arith.select %lt3A_485, %slice3A_484, %slice3A_483 : vector<64x512xi1>, vector<64x512xi32>
    %slice3A_488 = vector.extract_strided_slice %select_n3A_486 {offsets = [0, 0], sizes = [32, 512], strides = [1, 1]} : vector<64x512xf32> to vector<32x512xf32>
    %slice3A_489 = vector.extract_strided_slice %select_n3A_486 {offsets = [32, 0], sizes = [32, 512], strides = [1, 1]} : vector<64x512xf32> to vector<32x512xf32>
    %slice3A_490 = vector.extract_strided_slice %select_n3A_487 {offsets = [0, 0], sizes = [32, 512], strides = [1, 1]} : vector<64x512xi32> to vector<32x512xi32>
    %slice3A_491 = vector.extract_strided_slice %select_n3A_487 {offsets = [32, 0], sizes = [32, 512], strides = [1, 1]} : vector<64x512xi32> to vector<32x512xi32>
    %lt3A_492 = arith.cmpf olt, %slice3A_489, %slice3A_488 : vector<32x512xf32>
    %select_n3A_493 = arith.select %lt3A_492, %slice3A_489, %slice3A_488 : vector<32x512xi1>, vector<32x512xf32>
    %select_n3A_494 = arith.select %lt3A_492, %slice3A_491, %slice3A_490 : vector<32x512xi1>, vector<32x512xi32>
    %slice3A_495 = vector.extract_strided_slice %select_n3A_493 {offsets = [0, 0], sizes = [16, 512], strides = [1, 1]} : vector<32x512xf32> to vector<16x512xf32>
    %slice3A_496 = vector.extract_strided_slice %select_n3A_493 {offsets = [16, 0], sizes = [16, 512], strides = [1, 1]} : vector<32x512xf32> to vector<16x512xf32>
    %slice3A_497 = vector.extract_strided_slice %select_n3A_494 {offsets = [0, 0], sizes = [16, 512], strides = [1, 1]} : vector<32x512xi32> to vector<16x512xi32>
    %slice3A_498 = vector.extract_strided_slice %select_n3A_494 {offsets = [16, 0], sizes = [16, 512], strides = [1, 1]} : vector<32x512xi32> to vector<16x512xi32>
    %lt3A_499 = arith.cmpf olt, %slice3A_496, %slice3A_495 : vector<16x512xf32>
    %select_n3A_500 = arith.select %lt3A_499, %slice3A_496, %slice3A_495 : vector<16x512xi1>, vector<16x512xf32>
    %select_n3A_501 = arith.select %lt3A_499, %slice3A_498, %slice3A_497 : vector<16x512xi1>, vector<16x512xi32>
    %slice3A_502 = vector.extract_strided_slice %select_n3A_500 {offsets = [0, 0], sizes = [8, 512], strides = [1, 1]} : vector<16x512xf32> to vector<8x512xf32>
    %slice3A_503 = vector.extract_strided_slice %select_n3A_500 {offsets = [8, 0], sizes = [8, 512], strides = [1, 1]} : vector<16x512xf32> to vector<8x512xf32>
    %slice3A_504 = vector.extract_strided_slice %select_n3A_501 {offsets = [0, 0], sizes = [8, 512], strides = [1, 1]} : vector<16x512xi32> to vector<8x512xi32>
    %slice3A_505 = vector.extract_strided_slice %select_n3A_501 {offsets = [8, 0], sizes = [8, 512], strides = [1, 1]} : vector<16x512xi32> to vector<8x512xi32>
    %lt3A_506 = arith.cmpf olt, %slice3A_503, %slice3A_502 : vector<8x512xf32>
    %select_n3A_507 = arith.select %lt3A_506, %slice3A_503, %slice3A_502 : vector<8x512xi1>, vector<8x512xf32>
    %select_n3A_508 = arith.select %lt3A_506, %slice3A_505, %slice3A_504 : vector<8x512xi1>, vector<8x512xi32>
    %slice3A_509 = vector.extract_strided_slice %select_n3A_507 {offsets = [0, 0], sizes = [4, 512], strides = [1, 1]} : vector<8x512xf32> to vector<4x512xf32>
    %slice3A_510 = vector.extract_strided_slice %select_n3A_507 {offsets = [4, 0], sizes = [4, 512], strides = [1, 1]} : vector<8x512xf32> to vector<4x512xf32>
    %slice3A_511 = vector.extract_strided_slice %select_n3A_508 {offsets = [0, 0], sizes = [4, 512], strides = [1, 1]} : vector<8x512xi32> to vector<4x512xi32>
    %slice3A_512 = vector.extract_strided_slice %select_n3A_508 {offsets = [4, 0], sizes = [4, 512], strides = [1, 1]} : vector<8x512xi32> to vector<4x512xi32>
    %lt3A_513 = arith.cmpf olt, %slice3A_510, %slice3A_509 : vector<4x512xf32>
    %select_n3A_514 = arith.select %lt3A_513, %slice3A_510, %slice3A_509 : vector<4x512xi1>, vector<4x512xf32>
    %select_n3A_515 = arith.select %lt3A_513, %slice3A_512, %slice3A_511 : vector<4x512xi1>, vector<4x512xi32>
    %slice3A_516 = vector.extract_strided_slice %select_n3A_514 {offsets = [0, 0], sizes = [2, 512], strides = [1, 1]} : vector<4x512xf32> to vector<2x512xf32>
    %slice3A_517 = vector.extract_strided_slice %select_n3A_514 {offsets = [2, 0], sizes = [2, 512], strides = [1, 1]} : vector<4x512xf32> to vector<2x512xf32>
    %slice3A_518 = vector.extract_strided_slice %select_n3A_515 {offsets = [0, 0], sizes = [2, 512], strides = [1, 1]} : vector<4x512xi32> to vector<2x512xi32>
    %slice3A_519 = vector.extract_strided_slice %select_n3A_515 {offsets = [2, 0], sizes = [2, 512], strides = [1, 1]} : vector<4x512xi32> to vector<2x512xi32>
    %lt3A_520 = arith.cmpf olt, %slice3A_517, %slice3A_516 : vector<2x512xf32>
    %select_n3A_521 = arith.select %lt3A_520, %slice3A_517, %slice3A_516 : vector<2x512xi1>, vector<2x512xf32>
    %select_n3A_522 = arith.select %lt3A_520, %slice3A_519, %slice3A_518 : vector<2x512xi1>, vector<2x512xi32>
    %slice3A_523 = vector.extract_strided_slice %select_n3A_521 {offsets = [0, 0], sizes = [1, 512], strides = [1, 1]} : vector<2x512xf32> to vector<1x512xf32>
    %slice3A_524 = vector.extract_strided_slice %select_n3A_521 {offsets = [1, 0], sizes = [1, 512], strides = [1, 1]} : vector<2x512xf32> to vector<1x512xf32>
    %slice3A_525 = vector.extract_strided_slice %select_n3A_522 {offsets = [0, 0], sizes = [1, 512], strides = [1, 1]} : vector<2x512xi32> to vector<1x512xi32>
    %slice3A_526 = vector.extract_strided_slice %select_n3A_522 {offsets = [1, 0], sizes = [1, 512], strides = [1, 1]} : vector<2x512xi32> to vector<1x512xi32>
    %lt3A_527 = arith.cmpf olt, %slice3A_524, %slice3A_523 : vector<1x512xf32>
    %select_n3A_528 = arith.select %lt3A_527, %slice3A_524, %slice3A_523 : vector<1x512xi1>, vector<1x512xf32>
    %select_n3A_529 = arith.select %lt3A_527, %slice3A_526, %slice3A_525 : vector<1x512xi1>, vector<1x512xi32>
    %lt3A_530 = arith.cmpf olt, %select_n3A_528, %select_n3A_443 : vector<1x512xf32>
    %select_n3A_531 = arith.select %lt3A_530, %select_n3A_528, %select_n3A_443 : vector<1x512xi1>, vector<1x512xf32>
    %select_n3A_532 = arith.select %lt3A_530, %select_n3A_529, %select_n3A_444 : vector<1x512xi1>, vector<1x512xi32>
    %get3A_533 = arith.constant 3072 : index
    %get3A_534 = arith.constant 0 : index
    %get3A_535 = vector.load %arg6[%get3A_533, %get3A_534] : memref<8192x256xbf16, #tpu.memory_space<vmem>>, vector<512x256xbf16>
    %get3A_536 = arith.constant 3072 : index
    %get3A_537 = arith.constant 0 : index
    %get3A_538 = vector.load %arg7[%get3A_536, %get3A_537] : memref<8192x1xf32, #tpu.memory_space<vmem>>, vector<512x1xf32>
    %dot_general3A_539 = arith.constant dense<0.000000e+00> : vector<512x512xf32>
    %dot_general3A_540 = tpu.matmul %get3A_535, %convert_element_type3A, %dot_general3A_539 {dimension_numbers = #tpu.dot_dimension_numbers<[1], [0], [0], [1], [0, 0, 1, 1], [], []>, transpose_lhs_hint = false} : vector<512x256xbf16>, vector<256x512xbf16>, vector<512x512xf32> -> vector<512x512xf32>
    %add3A_541 = vector.broadcast %broadcast_in_dim3A : vector<1x512xf32> to vector<512x512xf32>
    %add3A_542 = arith.addf %add3A_541, %dot_general3A_540 : vector<512x512xf32>
    %add3A_543 = vector.broadcast %get3A_538 : vector<512x1xf32> to vector<512x512xf32>
    %add3A_544 = arith.addf %add3A_542, %add3A_543 : vector<512x512xf32>
    %gt3A_545 = arith.constant 0.000000e+00 : f32
    %gt3A_546 = vector.broadcast %gt3A_545 : f32 to vector<512x512xf32>
    %gt3A_547 = arith.cmpf ogt, %add3A_544, %gt3A_546 : vector<512x512xf32>
    %jit3A_548 = arith.constant 0.000000e+00 : f32
    %broadcast_in_dim3A_549 = vector.broadcast %jit3A_548 : f32 to vector<512x512xf32>
    %select_n3A_550 = arith.select %gt3A_547, %add3A_544, %broadcast_in_dim3A_549 : vector<512x512xi1>, vector<512x512xf32>
    %sqrt3A_551 = math.sqrt %select_n3A_550 : vector<512x512xf32>
    %add3A_552 = arith.constant 3072 : i32
    %add3A_553 = vector.broadcast %add3A_552 : i32 to vector<512x512xi32>
    %add3A_554 = arith.addi %iota3A, %add3A_553 : vector<512x512xi32>
    %slice3A_555 = vector.extract_strided_slice %sqrt3A_551 {offsets = [0, 0], sizes = [256, 512], strides = [1, 1]} : vector<512x512xf32> to vector<256x512xf32>
    %slice3A_556 = vector.extract_strided_slice %sqrt3A_551 {offsets = [256, 0], sizes = [256, 512], strides = [1, 1]} : vector<512x512xf32> to vector<256x512xf32>
    %slice3A_557 = vector.extract_strided_slice %add3A_554 {offsets = [0, 0], sizes = [256, 512], strides = [1, 1]} : vector<512x512xi32> to vector<256x512xi32>
    %slice3A_558 = vector.extract_strided_slice %add3A_554 {offsets = [256, 0], sizes = [256, 512], strides = [1, 1]} : vector<512x512xi32> to vector<256x512xi32>
    %lt3A_559 = arith.cmpf olt, %slice3A_556, %slice3A_555 : vector<256x512xf32>
    %select_n3A_560 = arith.select %lt3A_559, %slice3A_556, %slice3A_555 : vector<256x512xi1>, vector<256x512xf32>
    %select_n3A_561 = arith.select %lt3A_559, %slice3A_558, %slice3A_557 : vector<256x512xi1>, vector<256x512xi32>
    %slice3A_562 = vector.extract_strided_slice %select_n3A_560 {offsets = [0, 0], sizes = [128, 512], strides = [1, 1]} : vector<256x512xf32> to vector<128x512xf32>
    %slice3A_563 = vector.extract_strided_slice %select_n3A_560 {offsets = [128, 0], sizes = [128, 512], strides = [1, 1]} : vector<256x512xf32> to vector<128x512xf32>
    %slice3A_564 = vector.extract_strided_slice %select_n3A_561 {offsets = [0, 0], sizes = [128, 512], strides = [1, 1]} : vector<256x512xi32> to vector<128x512xi32>
    %slice3A_565 = vector.extract_strided_slice %select_n3A_561 {offsets = [128, 0], sizes = [128, 512], strides = [1, 1]} : vector<256x512xi32> to vector<128x512xi32>
    %lt3A_566 = arith.cmpf olt, %slice3A_563, %slice3A_562 : vector<128x512xf32>
    %select_n3A_567 = arith.select %lt3A_566, %slice3A_563, %slice3A_562 : vector<128x512xi1>, vector<128x512xf32>
    %select_n3A_568 = arith.select %lt3A_566, %slice3A_565, %slice3A_564 : vector<128x512xi1>, vector<128x512xi32>
    %slice3A_569 = vector.extract_strided_slice %select_n3A_567 {offsets = [0, 0], sizes = [64, 512], strides = [1, 1]} : vector<128x512xf32> to vector<64x512xf32>
    %slice3A_570 = vector.extract_strided_slice %select_n3A_567 {offsets = [64, 0], sizes = [64, 512], strides = [1, 1]} : vector<128x512xf32> to vector<64x512xf32>
    %slice3A_571 = vector.extract_strided_slice %select_n3A_568 {offsets = [0, 0], sizes = [64, 512], strides = [1, 1]} : vector<128x512xi32> to vector<64x512xi32>
    %slice3A_572 = vector.extract_strided_slice %select_n3A_568 {offsets = [64, 0], sizes = [64, 512], strides = [1, 1]} : vector<128x512xi32> to vector<64x512xi32>
    %lt3A_573 = arith.cmpf olt, %slice3A_570, %slice3A_569 : vector<64x512xf32>
    %select_n3A_574 = arith.select %lt3A_573, %slice3A_570, %slice3A_569 : vector<64x512xi1>, vector<64x512xf32>
    %select_n3A_575 = arith.select %lt3A_573, %slice3A_572, %slice3A_571 : vector<64x512xi1>, vector<64x512xi32>
    %slice3A_576 = vector.extract_strided_slice %select_n3A_574 {offsets = [0, 0], sizes = [32, 512], strides = [1, 1]} : vector<64x512xf32> to vector<32x512xf32>
    %slice3A_577 = vector.extract_strided_slice %select_n3A_574 {offsets = [32, 0], sizes = [32, 512], strides = [1, 1]} : vector<64x512xf32> to vector<32x512xf32>
    %slice3A_578 = vector.extract_strided_slice %select_n3A_575 {offsets = [0, 0], sizes = [32, 512], strides = [1, 1]} : vector<64x512xi32> to vector<32x512xi32>
    %slice3A_579 = vector.extract_strided_slice %select_n3A_575 {offsets = [32, 0], sizes = [32, 512], strides = [1, 1]} : vector<64x512xi32> to vector<32x512xi32>
    %lt3A_580 = arith.cmpf olt, %slice3A_577, %slice3A_576 : vector<32x512xf32>
    %select_n3A_581 = arith.select %lt3A_580, %slice3A_577, %slice3A_576 : vector<32x512xi1>, vector<32x512xf32>
    %select_n3A_582 = arith.select %lt3A_580, %slice3A_579, %slice3A_578 : vector<32x512xi1>, vector<32x512xi32>
    %slice3A_583 = vector.extract_strided_slice %select_n3A_581 {offsets = [0, 0], sizes = [16, 512], strides = [1, 1]} : vector<32x512xf32> to vector<16x512xf32>
    %slice3A_584 = vector.extract_strided_slice %select_n3A_581 {offsets = [16, 0], sizes = [16, 512], strides = [1, 1]} : vector<32x512xf32> to vector<16x512xf32>
    %slice3A_585 = vector.extract_strided_slice %select_n3A_582 {offsets = [0, 0], sizes = [16, 512], strides = [1, 1]} : vector<32x512xi32> to vector<16x512xi32>
    %slice3A_586 = vector.extract_strided_slice %select_n3A_582 {offsets = [16, 0], sizes = [16, 512], strides = [1, 1]} : vector<32x512xi32> to vector<16x512xi32>
    %lt3A_587 = arith.cmpf olt, %slice3A_584, %slice3A_583 : vector<16x512xf32>
    %select_n3A_588 = arith.select %lt3A_587, %slice3A_584, %slice3A_583 : vector<16x512xi1>, vector<16x512xf32>
    %select_n3A_589 = arith.select %lt3A_587, %slice3A_586, %slice3A_585 : vector<16x512xi1>, vector<16x512xi32>
    %slice3A_590 = vector.extract_strided_slice %select_n3A_588 {offsets = [0, 0], sizes = [8, 512], strides = [1, 1]} : vector<16x512xf32> to vector<8x512xf32>
    %slice3A_591 = vector.extract_strided_slice %select_n3A_588 {offsets = [8, 0], sizes = [8, 512], strides = [1, 1]} : vector<16x512xf32> to vector<8x512xf32>
    %slice3A_592 = vector.extract_strided_slice %select_n3A_589 {offsets = [0, 0], sizes = [8, 512], strides = [1, 1]} : vector<16x512xi32> to vector<8x512xi32>
    %slice3A_593 = vector.extract_strided_slice %select_n3A_589 {offsets = [8, 0], sizes = [8, 512], strides = [1, 1]} : vector<16x512xi32> to vector<8x512xi32>
    %lt3A_594 = arith.cmpf olt, %slice3A_591, %slice3A_590 : vector<8x512xf32>
    %select_n3A_595 = arith.select %lt3A_594, %slice3A_591, %slice3A_590 : vector<8x512xi1>, vector<8x512xf32>
    %select_n3A_596 = arith.select %lt3A_594, %slice3A_593, %slice3A_592 : vector<8x512xi1>, vector<8x512xi32>
    %slice3A_597 = vector.extract_strided_slice %select_n3A_595 {offsets = [0, 0], sizes = [4, 512], strides = [1, 1]} : vector<8x512xf32> to vector<4x512xf32>
    %slice3A_598 = vector.extract_strided_slice %select_n3A_595 {offsets = [4, 0], sizes = [4, 512], strides = [1, 1]} : vector<8x512xf32> to vector<4x512xf32>
    %slice3A_599 = vector.extract_strided_slice %select_n3A_596 {offsets = [0, 0], sizes = [4, 512], strides = [1, 1]} : vector<8x512xi32> to vector<4x512xi32>
    %slice3A_600 = vector.extract_strided_slice %select_n3A_596 {offsets = [4, 0], sizes = [4, 512], strides = [1, 1]} : vector<8x512xi32> to vector<4x512xi32>
    %lt3A_601 = arith.cmpf olt, %slice3A_598, %slice3A_597 : vector<4x512xf32>
    %select_n3A_602 = arith.select %lt3A_601, %slice3A_598, %slice3A_597 : vector<4x512xi1>, vector<4x512xf32>
    %select_n3A_603 = arith.select %lt3A_601, %slice3A_600, %slice3A_599 : vector<4x512xi1>, vector<4x512xi32>
    %slice3A_604 = vector.extract_strided_slice %select_n3A_602 {offsets = [0, 0], sizes = [2, 512], strides = [1, 1]} : vector<4x512xf32> to vector<2x512xf32>
    %slice3A_605 = vector.extract_strided_slice %select_n3A_602 {offsets = [2, 0], sizes = [2, 512], strides = [1, 1]} : vector<4x512xf32> to vector<2x512xf32>
    %slice3A_606 = vector.extract_strided_slice %select_n3A_603 {offsets = [0, 0], sizes = [2, 512], strides = [1, 1]} : vector<4x512xi32> to vector<2x512xi32>
    %slice3A_607 = vector.extract_strided_slice %select_n3A_603 {offsets = [2, 0], sizes = [2, 512], strides = [1, 1]} : vector<4x512xi32> to vector<2x512xi32>
    %lt3A_608 = arith.cmpf olt, %slice3A_605, %slice3A_604 : vector<2x512xf32>
    %select_n3A_609 = arith.select %lt3A_608, %slice3A_605, %slice3A_604 : vector<2x512xi1>, vector<2x512xf32>
    %select_n3A_610 = arith.select %lt3A_608, %slice3A_607, %slice3A_606 : vector<2x512xi1>, vector<2x512xi32>
    %slice3A_611 = vector.extract_strided_slice %select_n3A_609 {offsets = [0, 0], sizes = [1, 512], strides = [1, 1]} : vector<2x512xf32> to vector<1x512xf32>
    %slice3A_612 = vector.extract_strided_slice %select_n3A_609 {offsets = [1, 0], sizes = [1, 512], strides = [1, 1]} : vector<2x512xf32> to vector<1x512xf32>
    %slice3A_613 = vector.extract_strided_slice %select_n3A_610 {offsets = [0, 0], sizes = [1, 512], strides = [1, 1]} : vector<2x512xi32> to vector<1x512xi32>
    %slice3A_614 = vector.extract_strided_slice %select_n3A_610 {offsets = [1, 0], sizes = [1, 512], strides = [1, 1]} : vector<2x512xi32> to vector<1x512xi32>
    %lt3A_615 = arith.cmpf olt, %slice3A_612, %slice3A_611 : vector<1x512xf32>
    %select_n3A_616 = arith.select %lt3A_615, %slice3A_612, %slice3A_611 : vector<1x512xi1>, vector<1x512xf32>
    %select_n3A_617 = arith.select %lt3A_615, %slice3A_614, %slice3A_613 : vector<1x512xi1>, vector<1x512xi32>
    %lt3A_618 = arith.cmpf olt, %select_n3A_616, %select_n3A_531 : vector<1x512xf32>
    %select_n3A_619 = arith.select %lt3A_618, %select_n3A_616, %select_n3A_531 : vector<1x512xi1>, vector<1x512xf32>
    %select_n3A_620 = arith.select %lt3A_618, %select_n3A_617, %select_n3A_532 : vector<1x512xi1>, vector<1x512xi32>
    %get3A_621 = arith.constant 3584 : index
    %get3A_622 = arith.constant 0 : index
    %get3A_623 = vector.load %arg6[%get3A_621, %get3A_622] : memref<8192x256xbf16, #tpu.memory_space<vmem>>, vector<512x256xbf16>
    %get3A_624 = arith.constant 3584 : index
    %get3A_625 = arith.constant 0 : index
    %get3A_626 = vector.load %arg7[%get3A_624, %get3A_625] : memref<8192x1xf32, #tpu.memory_space<vmem>>, vector<512x1xf32>
    %dot_general3A_627 = arith.constant dense<0.000000e+00> : vector<512x512xf32>
    %dot_general3A_628 = tpu.matmul %get3A_623, %convert_element_type3A, %dot_general3A_627 {dimension_numbers = #tpu.dot_dimension_numbers<[1], [0], [0], [1], [0, 0, 1, 1], [], []>, transpose_lhs_hint = false} : vector<512x256xbf16>, vector<256x512xbf16>, vector<512x512xf32> -> vector<512x512xf32>
    %add3A_629 = vector.broadcast %broadcast_in_dim3A : vector<1x512xf32> to vector<512x512xf32>
    %add3A_630 = arith.addf %add3A_629, %dot_general3A_628 : vector<512x512xf32>
    %add3A_631 = vector.broadcast %get3A_626 : vector<512x1xf32> to vector<512x512xf32>
    %add3A_632 = arith.addf %add3A_630, %add3A_631 : vector<512x512xf32>
    %gt3A_633 = arith.constant 0.000000e+00 : f32
    %gt3A_634 = vector.broadcast %gt3A_633 : f32 to vector<512x512xf32>
    %gt3A_635 = arith.cmpf ogt, %add3A_632, %gt3A_634 : vector<512x512xf32>
    %jit3A_636 = arith.constant 0.000000e+00 : f32
    %broadcast_in_dim3A_637 = vector.broadcast %jit3A_636 : f32 to vector<512x512xf32>
    %select_n3A_638 = arith.select %gt3A_635, %add3A_632, %broadcast_in_dim3A_637 : vector<512x512xi1>, vector<512x512xf32>
    %sqrt3A_639 = math.sqrt %select_n3A_638 : vector<512x512xf32>
    %add3A_640 = arith.constant 3584 : i32
    %add3A_641 = vector.broadcast %add3A_640 : i32 to vector<512x512xi32>
    %add3A_642 = arith.addi %iota3A, %add3A_641 : vector<512x512xi32>
    %slice3A_643 = vector.extract_strided_slice %sqrt3A_639 {offsets = [0, 0], sizes = [256, 512], strides = [1, 1]} : vector<512x512xf32> to vector<256x512xf32>
    %slice3A_644 = vector.extract_strided_slice %sqrt3A_639 {offsets = [256, 0], sizes = [256, 512], strides = [1, 1]} : vector<512x512xf32> to vector<256x512xf32>
    %slice3A_645 = vector.extract_strided_slice %add3A_642 {offsets = [0, 0], sizes = [256, 512], strides = [1, 1]} : vector<512x512xi32> to vector<256x512xi32>
    %slice3A_646 = vector.extract_strided_slice %add3A_642 {offsets = [256, 0], sizes = [256, 512], strides = [1, 1]} : vector<512x512xi32> to vector<256x512xi32>
    %lt3A_647 = arith.cmpf olt, %slice3A_644, %slice3A_643 : vector<256x512xf32>
    %select_n3A_648 = arith.select %lt3A_647, %slice3A_644, %slice3A_643 : vector<256x512xi1>, vector<256x512xf32>
    %select_n3A_649 = arith.select %lt3A_647, %slice3A_646, %slice3A_645 : vector<256x512xi1>, vector<256x512xi32>
    %slice3A_650 = vector.extract_strided_slice %select_n3A_648 {offsets = [0, 0], sizes = [128, 512], strides = [1, 1]} : vector<256x512xf32> to vector<128x512xf32>
    %slice3A_651 = vector.extract_strided_slice %select_n3A_648 {offsets = [128, 0], sizes = [128, 512], strides = [1, 1]} : vector<256x512xf32> to vector<128x512xf32>
    %slice3A_652 = vector.extract_strided_slice %select_n3A_649 {offsets = [0, 0], sizes = [128, 512], strides = [1, 1]} : vector<256x512xi32> to vector<128x512xi32>
    %slice3A_653 = vector.extract_strided_slice %select_n3A_649 {offsets = [128, 0], sizes = [128, 512], strides = [1, 1]} : vector<256x512xi32> to vector<128x512xi32>
    %lt3A_654 = arith.cmpf olt, %slice3A_651, %slice3A_650 : vector<128x512xf32>
    %select_n3A_655 = arith.select %lt3A_654, %slice3A_651, %slice3A_650 : vector<128x512xi1>, vector<128x512xf32>
    %select_n3A_656 = arith.select %lt3A_654, %slice3A_653, %slice3A_652 : vector<128x512xi1>, vector<128x512xi32>
    %slice3A_657 = vector.extract_strided_slice %select_n3A_655 {offsets = [0, 0], sizes = [64, 512], strides = [1, 1]} : vector<128x512xf32> to vector<64x512xf32>
    %slice3A_658 = vector.extract_strided_slice %select_n3A_655 {offsets = [64, 0], sizes = [64, 512], strides = [1, 1]} : vector<128x512xf32> to vector<64x512xf32>
    %slice3A_659 = vector.extract_strided_slice %select_n3A_656 {offsets = [0, 0], sizes = [64, 512], strides = [1, 1]} : vector<128x512xi32> to vector<64x512xi32>
    %slice3A_660 = vector.extract_strided_slice %select_n3A_656 {offsets = [64, 0], sizes = [64, 512], strides = [1, 1]} : vector<128x512xi32> to vector<64x512xi32>
    %lt3A_661 = arith.cmpf olt, %slice3A_658, %slice3A_657 : vector<64x512xf32>
    %select_n3A_662 = arith.select %lt3A_661, %slice3A_658, %slice3A_657 : vector<64x512xi1>, vector<64x512xf32>
    %select_n3A_663 = arith.select %lt3A_661, %slice3A_660, %slice3A_659 : vector<64x512xi1>, vector<64x512xi32>
    %slice3A_664 = vector.extract_strided_slice %select_n3A_662 {offsets = [0, 0], sizes = [32, 512], strides = [1, 1]} : vector<64x512xf32> to vector<32x512xf32>
    %slice3A_665 = vector.extract_strided_slice %select_n3A_662 {offsets = [32, 0], sizes = [32, 512], strides = [1, 1]} : vector<64x512xf32> to vector<32x512xf32>
    %slice3A_666 = vector.extract_strided_slice %select_n3A_663 {offsets = [0, 0], sizes = [32, 512], strides = [1, 1]} : vector<64x512xi32> to vector<32x512xi32>
    %slice3A_667 = vector.extract_strided_slice %select_n3A_663 {offsets = [32, 0], sizes = [32, 512], strides = [1, 1]} : vector<64x512xi32> to vector<32x512xi32>
    %lt3A_668 = arith.cmpf olt, %slice3A_665, %slice3A_664 : vector<32x512xf32>
    %select_n3A_669 = arith.select %lt3A_668, %slice3A_665, %slice3A_664 : vector<32x512xi1>, vector<32x512xf32>
    %select_n3A_670 = arith.select %lt3A_668, %slice3A_667, %slice3A_666 : vector<32x512xi1>, vector<32x512xi32>
    %slice3A_671 = vector.extract_strided_slice %select_n3A_669 {offsets = [0, 0], sizes = [16, 512], strides = [1, 1]} : vector<32x512xf32> to vector<16x512xf32>
    %slice3A_672 = vector.extract_strided_slice %select_n3A_669 {offsets = [16, 0], sizes = [16, 512], strides = [1, 1]} : vector<32x512xf32> to vector<16x512xf32>
    %slice3A_673 = vector.extract_strided_slice %select_n3A_670 {offsets = [0, 0], sizes = [16, 512], strides = [1, 1]} : vector<32x512xi32> to vector<16x512xi32>
    %slice3A_674 = vector.extract_strided_slice %select_n3A_670 {offsets = [16, 0], sizes = [16, 512], strides = [1, 1]} : vector<32x512xi32> to vector<16x512xi32>
    %lt3A_675 = arith.cmpf olt, %slice3A_672, %slice3A_671 : vector<16x512xf32>
    %select_n3A_676 = arith.select %lt3A_675, %slice3A_672, %slice3A_671 : vector<16x512xi1>, vector<16x512xf32>
    %select_n3A_677 = arith.select %lt3A_675, %slice3A_674, %slice3A_673 : vector<16x512xi1>, vector<16x512xi32>
    %slice3A_678 = vector.extract_strided_slice %select_n3A_676 {offsets = [0, 0], sizes = [8, 512], strides = [1, 1]} : vector<16x512xf32> to vector<8x512xf32>
    %slice3A_679 = vector.extract_strided_slice %select_n3A_676 {offsets = [8, 0], sizes = [8, 512], strides = [1, 1]} : vector<16x512xf32> to vector<8x512xf32>
    %slice3A_680 = vector.extract_strided_slice %select_n3A_677 {offsets = [0, 0], sizes = [8, 512], strides = [1, 1]} : vector<16x512xi32> to vector<8x512xi32>
    %slice3A_681 = vector.extract_strided_slice %select_n3A_677 {offsets = [8, 0], sizes = [8, 512], strides = [1, 1]} : vector<16x512xi32> to vector<8x512xi32>
    %lt3A_682 = arith.cmpf olt, %slice3A_679, %slice3A_678 : vector<8x512xf32>
    %select_n3A_683 = arith.select %lt3A_682, %slice3A_679, %slice3A_678 : vector<8x512xi1>, vector<8x512xf32>
    %select_n3A_684 = arith.select %lt3A_682, %slice3A_681, %slice3A_680 : vector<8x512xi1>, vector<8x512xi32>
    %slice3A_685 = vector.extract_strided_slice %select_n3A_683 {offsets = [0, 0], sizes = [4, 512], strides = [1, 1]} : vector<8x512xf32> to vector<4x512xf32>
    %slice3A_686 = vector.extract_strided_slice %select_n3A_683 {offsets = [4, 0], sizes = [4, 512], strides = [1, 1]} : vector<8x512xf32> to vector<4x512xf32>
    %slice3A_687 = vector.extract_strided_slice %select_n3A_684 {offsets = [0, 0], sizes = [4, 512], strides = [1, 1]} : vector<8x512xi32> to vector<4x512xi32>
    %slice3A_688 = vector.extract_strided_slice %select_n3A_684 {offsets = [4, 0], sizes = [4, 512], strides = [1, 1]} : vector<8x512xi32> to vector<4x512xi32>
    %lt3A_689 = arith.cmpf olt, %slice3A_686, %slice3A_685 : vector<4x512xf32>
    %select_n3A_690 = arith.select %lt3A_689, %slice3A_686, %slice3A_685 : vector<4x512xi1>, vector<4x512xf32>
    %select_n3A_691 = arith.select %lt3A_689, %slice3A_688, %slice3A_687 : vector<4x512xi1>, vector<4x512xi32>
    %slice3A_692 = vector.extract_strided_slice %select_n3A_690 {offsets = [0, 0], sizes = [2, 512], strides = [1, 1]} : vector<4x512xf32> to vector<2x512xf32>
    %slice3A_693 = vector.extract_strided_slice %select_n3A_690 {offsets = [2, 0], sizes = [2, 512], strides = [1, 1]} : vector<4x512xf32> to vector<2x512xf32>
    %slice3A_694 = vector.extract_strided_slice %select_n3A_691 {offsets = [0, 0], sizes = [2, 512], strides = [1, 1]} : vector<4x512xi32> to vector<2x512xi32>
    %slice3A_695 = vector.extract_strided_slice %select_n3A_691 {offsets = [2, 0], sizes = [2, 512], strides = [1, 1]} : vector<4x512xi32> to vector<2x512xi32>
    %lt3A_696 = arith.cmpf olt, %slice3A_693, %slice3A_692 : vector<2x512xf32>
    %select_n3A_697 = arith.select %lt3A_696, %slice3A_693, %slice3A_692 : vector<2x512xi1>, vector<2x512xf32>
    %select_n3A_698 = arith.select %lt3A_696, %slice3A_695, %slice3A_694 : vector<2x512xi1>, vector<2x512xi32>
    %slice3A_699 = vector.extract_strided_slice %select_n3A_697 {offsets = [0, 0], sizes = [1, 512], strides = [1, 1]} : vector<2x512xf32> to vector<1x512xf32>
    %slice3A_700 = vector.extract_strided_slice %select_n3A_697 {offsets = [1, 0], sizes = [1, 512], strides = [1, 1]} : vector<2x512xf32> to vector<1x512xf32>
    %slice3A_701 = vector.extract_strided_slice %select_n3A_698 {offsets = [0, 0], sizes = [1, 512], strides = [1, 1]} : vector<2x512xi32> to vector<1x512xi32>
    %slice3A_702 = vector.extract_strided_slice %select_n3A_698 {offsets = [1, 0], sizes = [1, 512], strides = [1, 1]} : vector<2x512xi32> to vector<1x512xi32>
    %lt3A_703 = arith.cmpf olt, %slice3A_700, %slice3A_699 : vector<1x512xf32>
    %select_n3A_704 = arith.select %lt3A_703, %slice3A_700, %slice3A_699 : vector<1x512xi1>, vector<1x512xf32>
    %select_n3A_705 = arith.select %lt3A_703, %slice3A_702, %slice3A_701 : vector<1x512xi1>, vector<1x512xi32>
    %lt3A_706 = arith.cmpf olt, %select_n3A_704, %select_n3A_619 : vector<1x512xf32>
    %select_n3A_707 = arith.select %lt3A_706, %select_n3A_704, %select_n3A_619 : vector<1x512xi1>, vector<1x512xf32>
    %select_n3A_708 = arith.select %lt3A_706, %select_n3A_705, %select_n3A_620 : vector<1x512xi1>, vector<1x512xi32>
    %get3A_709 = arith.constant 4096 : index
    %get3A_710 = arith.constant 0 : index
    %get3A_711 = vector.load %arg6[%get3A_709, %get3A_710] : memref<8192x256xbf16, #tpu.memory_space<vmem>>, vector<512x256xbf16>
    %get3A_712 = arith.constant 4096 : index
    %get3A_713 = arith.constant 0 : index
    %get3A_714 = vector.load %arg7[%get3A_712, %get3A_713] : memref<8192x1xf32, #tpu.memory_space<vmem>>, vector<512x1xf32>
    %dot_general3A_715 = arith.constant dense<0.000000e+00> : vector<512x512xf32>
    %dot_general3A_716 = tpu.matmul %get3A_711, %convert_element_type3A, %dot_general3A_715 {dimension_numbers = #tpu.dot_dimension_numbers<[1], [0], [0], [1], [0, 0, 1, 1], [], []>, transpose_lhs_hint = false} : vector<512x256xbf16>, vector<256x512xbf16>, vector<512x512xf32> -> vector<512x512xf32>
    %add3A_717 = vector.broadcast %broadcast_in_dim3A : vector<1x512xf32> to vector<512x512xf32>
    %add3A_718 = arith.addf %add3A_717, %dot_general3A_716 : vector<512x512xf32>
    %add3A_719 = vector.broadcast %get3A_714 : vector<512x1xf32> to vector<512x512xf32>
    %add3A_720 = arith.addf %add3A_718, %add3A_719 : vector<512x512xf32>
    %gt3A_721 = arith.constant 0.000000e+00 : f32
    %gt3A_722 = vector.broadcast %gt3A_721 : f32 to vector<512x512xf32>
    %gt3A_723 = arith.cmpf ogt, %add3A_720, %gt3A_722 : vector<512x512xf32>
    %jit3A_724 = arith.constant 0.000000e+00 : f32
    %broadcast_in_dim3A_725 = vector.broadcast %jit3A_724 : f32 to vector<512x512xf32>
    %select_n3A_726 = arith.select %gt3A_723, %add3A_720, %broadcast_in_dim3A_725 : vector<512x512xi1>, vector<512x512xf32>
    %sqrt3A_727 = math.sqrt %select_n3A_726 : vector<512x512xf32>
    %add3A_728 = arith.constant 4096 : i32
    %add3A_729 = vector.broadcast %add3A_728 : i32 to vector<512x512xi32>
    %add3A_730 = arith.addi %iota3A, %add3A_729 : vector<512x512xi32>
    %slice3A_731 = vector.extract_strided_slice %sqrt3A_727 {offsets = [0, 0], sizes = [256, 512], strides = [1, 1]} : vector<512x512xf32> to vector<256x512xf32>
    %slice3A_732 = vector.extract_strided_slice %sqrt3A_727 {offsets = [256, 0], sizes = [256, 512], strides = [1, 1]} : vector<512x512xf32> to vector<256x512xf32>
    %slice3A_733 = vector.extract_strided_slice %add3A_730 {offsets = [0, 0], sizes = [256, 512], strides = [1, 1]} : vector<512x512xi32> to vector<256x512xi32>
    %slice3A_734 = vector.extract_strided_slice %add3A_730 {offsets = [256, 0], sizes = [256, 512], strides = [1, 1]} : vector<512x512xi32> to vector<256x512xi32>
    %lt3A_735 = arith.cmpf olt, %slice3A_732, %slice3A_731 : vector<256x512xf32>
    %select_n3A_736 = arith.select %lt3A_735, %slice3A_732, %slice3A_731 : vector<256x512xi1>, vector<256x512xf32>
    %select_n3A_737 = arith.select %lt3A_735, %slice3A_734, %slice3A_733 : vector<256x512xi1>, vector<256x512xi32>
    %slice3A_738 = vector.extract_strided_slice %select_n3A_736 {offsets = [0, 0], sizes = [128, 512], strides = [1, 1]} : vector<256x512xf32> to vector<128x512xf32>
    %slice3A_739 = vector.extract_strided_slice %select_n3A_736 {offsets = [128, 0], sizes = [128, 512], strides = [1, 1]} : vector<256x512xf32> to vector<128x512xf32>
    %slice3A_740 = vector.extract_strided_slice %select_n3A_737 {offsets = [0, 0], sizes = [128, 512], strides = [1, 1]} : vector<256x512xi32> to vector<128x512xi32>
    %slice3A_741 = vector.extract_strided_slice %select_n3A_737 {offsets = [128, 0], sizes = [128, 512], strides = [1, 1]} : vector<256x512xi32> to vector<128x512xi32>
    %lt3A_742 = arith.cmpf olt, %slice3A_739, %slice3A_738 : vector<128x512xf32>
    %select_n3A_743 = arith.select %lt3A_742, %slice3A_739, %slice3A_738 : vector<128x512xi1>, vector<128x512xf32>
    %select_n3A_744 = arith.select %lt3A_742, %slice3A_741, %slice3A_740 : vector<128x512xi1>, vector<128x512xi32>
    %slice3A_745 = vector.extract_strided_slice %select_n3A_743 {offsets = [0, 0], sizes = [64, 512], strides = [1, 1]} : vector<128x512xf32> to vector<64x512xf32>
    %slice3A_746 = vector.extract_strided_slice %select_n3A_743 {offsets = [64, 0], sizes = [64, 512], strides = [1, 1]} : vector<128x512xf32> to vector<64x512xf32>
    %slice3A_747 = vector.extract_strided_slice %select_n3A_744 {offsets = [0, 0], sizes = [64, 512], strides = [1, 1]} : vector<128x512xi32> to vector<64x512xi32>
    %slice3A_748 = vector.extract_strided_slice %select_n3A_744 {offsets = [64, 0], sizes = [64, 512], strides = [1, 1]} : vector<128x512xi32> to vector<64x512xi32>
    %lt3A_749 = arith.cmpf olt, %slice3A_746, %slice3A_745 : vector<64x512xf32>
    %select_n3A_750 = arith.select %lt3A_749, %slice3A_746, %slice3A_745 : vector<64x512xi1>, vector<64x512xf32>
    %select_n3A_751 = arith.select %lt3A_749, %slice3A_748, %slice3A_747 : vector<64x512xi1>, vector<64x512xi32>
    %slice3A_752 = vector.extract_strided_slice %select_n3A_750 {offsets = [0, 0], sizes = [32, 512], strides = [1, 1]} : vector<64x512xf32> to vector<32x512xf32>
    %slice3A_753 = vector.extract_strided_slice %select_n3A_750 {offsets = [32, 0], sizes = [32, 512], strides = [1, 1]} : vector<64x512xf32> to vector<32x512xf32>
    %slice3A_754 = vector.extract_strided_slice %select_n3A_751 {offsets = [0, 0], sizes = [32, 512], strides = [1, 1]} : vector<64x512xi32> to vector<32x512xi32>
    %slice3A_755 = vector.extract_strided_slice %select_n3A_751 {offsets = [32, 0], sizes = [32, 512], strides = [1, 1]} : vector<64x512xi32> to vector<32x512xi32>
    %lt3A_756 = arith.cmpf olt, %slice3A_753, %slice3A_752 : vector<32x512xf32>
    %select_n3A_757 = arith.select %lt3A_756, %slice3A_753, %slice3A_752 : vector<32x512xi1>, vector<32x512xf32>
    %select_n3A_758 = arith.select %lt3A_756, %slice3A_755, %slice3A_754 : vector<32x512xi1>, vector<32x512xi32>
    %slice3A_759 = vector.extract_strided_slice %select_n3A_757 {offsets = [0, 0], sizes = [16, 512], strides = [1, 1]} : vector<32x512xf32> to vector<16x512xf32>
    %slice3A_760 = vector.extract_strided_slice %select_n3A_757 {offsets = [16, 0], sizes = [16, 512], strides = [1, 1]} : vector<32x512xf32> to vector<16x512xf32>
    %slice3A_761 = vector.extract_strided_slice %select_n3A_758 {offsets = [0, 0], sizes = [16, 512], strides = [1, 1]} : vector<32x512xi32> to vector<16x512xi32>
    %slice3A_762 = vector.extract_strided_slice %select_n3A_758 {offsets = [16, 0], sizes = [16, 512], strides = [1, 1]} : vector<32x512xi32> to vector<16x512xi32>
    %lt3A_763 = arith.cmpf olt, %slice3A_760, %slice3A_759 : vector<16x512xf32>
    %select_n3A_764 = arith.select %lt3A_763, %slice3A_760, %slice3A_759 : vector<16x512xi1>, vector<16x512xf32>
    %select_n3A_765 = arith.select %lt3A_763, %slice3A_762, %slice3A_761 : vector<16x512xi1>, vector<16x512xi32>
    %slice3A_766 = vector.extract_strided_slice %select_n3A_764 {offsets = [0, 0], sizes = [8, 512], strides = [1, 1]} : vector<16x512xf32> to vector<8x512xf32>
    %slice3A_767 = vector.extract_strided_slice %select_n3A_764 {offsets = [8, 0], sizes = [8, 512], strides = [1, 1]} : vector<16x512xf32> to vector<8x512xf32>
    %slice3A_768 = vector.extract_strided_slice %select_n3A_765 {offsets = [0, 0], sizes = [8, 512], strides = [1, 1]} : vector<16x512xi32> to vector<8x512xi32>
    %slice3A_769 = vector.extract_strided_slice %select_n3A_765 {offsets = [8, 0], sizes = [8, 512], strides = [1, 1]} : vector<16x512xi32> to vector<8x512xi32>
    %lt3A_770 = arith.cmpf olt, %slice3A_767, %slice3A_766 : vector<8x512xf32>
    %select_n3A_771 = arith.select %lt3A_770, %slice3A_767, %slice3A_766 : vector<8x512xi1>, vector<8x512xf32>
    %select_n3A_772 = arith.select %lt3A_770, %slice3A_769, %slice3A_768 : vector<8x512xi1>, vector<8x512xi32>
    %slice3A_773 = vector.extract_strided_slice %select_n3A_771 {offsets = [0, 0], sizes = [4, 512], strides = [1, 1]} : vector<8x512xf32> to vector<4x512xf32>
    %slice3A_774 = vector.extract_strided_slice %select_n3A_771 {offsets = [4, 0], sizes = [4, 512], strides = [1, 1]} : vector<8x512xf32> to vector<4x512xf32>
    %slice3A_775 = vector.extract_strided_slice %select_n3A_772 {offsets = [0, 0], sizes = [4, 512], strides = [1, 1]} : vector<8x512xi32> to vector<4x512xi32>
    %slice3A_776 = vector.extract_strided_slice %select_n3A_772 {offsets = [4, 0], sizes = [4, 512], strides = [1, 1]} : vector<8x512xi32> to vector<4x512xi32>
    %lt3A_777 = arith.cmpf olt, %slice3A_774, %slice3A_773 : vector<4x512xf32>
    %select_n3A_778 = arith.select %lt3A_777, %slice3A_774, %slice3A_773 : vector<4x512xi1>, vector<4x512xf32>
    %select_n3A_779 = arith.select %lt3A_777, %slice3A_776, %slice3A_775 : vector<4x512xi1>, vector<4x512xi32>
    %slice3A_780 = vector.extract_strided_slice %select_n3A_778 {offsets = [0, 0], sizes = [2, 512], strides = [1, 1]} : vector<4x512xf32> to vector<2x512xf32>
    %slice3A_781 = vector.extract_strided_slice %select_n3A_778 {offsets = [2, 0], sizes = [2, 512], strides = [1, 1]} : vector<4x512xf32> to vector<2x512xf32>
    %slice3A_782 = vector.extract_strided_slice %select_n3A_779 {offsets = [0, 0], sizes = [2, 512], strides = [1, 1]} : vector<4x512xi32> to vector<2x512xi32>
    %slice3A_783 = vector.extract_strided_slice %select_n3A_779 {offsets = [2, 0], sizes = [2, 512], strides = [1, 1]} : vector<4x512xi32> to vector<2x512xi32>
    %lt3A_784 = arith.cmpf olt, %slice3A_781, %slice3A_780 : vector<2x512xf32>
    %select_n3A_785 = arith.select %lt3A_784, %slice3A_781, %slice3A_780 : vector<2x512xi1>, vector<2x512xf32>
    %select_n3A_786 = arith.select %lt3A_784, %slice3A_783, %slice3A_782 : vector<2x512xi1>, vector<2x512xi32>
    %slice3A_787 = vector.extract_strided_slice %select_n3A_785 {offsets = [0, 0], sizes = [1, 512], strides = [1, 1]} : vector<2x512xf32> to vector<1x512xf32>
    %slice3A_788 = vector.extract_strided_slice %select_n3A_785 {offsets = [1, 0], sizes = [1, 512], strides = [1, 1]} : vector<2x512xf32> to vector<1x512xf32>
    %slice3A_789 = vector.extract_strided_slice %select_n3A_786 {offsets = [0, 0], sizes = [1, 512], strides = [1, 1]} : vector<2x512xi32> to vector<1x512xi32>
    %slice3A_790 = vector.extract_strided_slice %select_n3A_786 {offsets = [1, 0], sizes = [1, 512], strides = [1, 1]} : vector<2x512xi32> to vector<1x512xi32>
    %lt3A_791 = arith.cmpf olt, %slice3A_788, %slice3A_787 : vector<1x512xf32>
    %select_n3A_792 = arith.select %lt3A_791, %slice3A_788, %slice3A_787 : vector<1x512xi1>, vector<1x512xf32>
    %select_n3A_793 = arith.select %lt3A_791, %slice3A_790, %slice3A_789 : vector<1x512xi1>, vector<1x512xi32>
    %lt3A_794 = arith.cmpf olt, %select_n3A_792, %select_n3A_707 : vector<1x512xf32>
    %select_n3A_795 = arith.select %lt3A_794, %select_n3A_792, %select_n3A_707 : vector<1x512xi1>, vector<1x512xf32>
    %select_n3A_796 = arith.select %lt3A_794, %select_n3A_793, %select_n3A_708 : vector<1x512xi1>, vector<1x512xi32>
    %get3A_797 = arith.constant 4608 : index
    %get3A_798 = arith.constant 0 : index
    %get3A_799 = vector.load %arg6[%get3A_797, %get3A_798] : memref<8192x256xbf16, #tpu.memory_space<vmem>>, vector<512x256xbf16>
    %get3A_800 = arith.constant 4608 : index
    %get3A_801 = arith.constant 0 : index
    %get3A_802 = vector.load %arg7[%get3A_800, %get3A_801] : memref<8192x1xf32, #tpu.memory_space<vmem>>, vector<512x1xf32>
    %dot_general3A_803 = arith.constant dense<0.000000e+00> : vector<512x512xf32>
    %dot_general3A_804 = tpu.matmul %get3A_799, %convert_element_type3A, %dot_general3A_803 {dimension_numbers = #tpu.dot_dimension_numbers<[1], [0], [0], [1], [0, 0, 1, 1], [], []>, transpose_lhs_hint = false} : vector<512x256xbf16>, vector<256x512xbf16>, vector<512x512xf32> -> vector<512x512xf32>
    %add3A_805 = vector.broadcast %broadcast_in_dim3A : vector<1x512xf32> to vector<512x512xf32>
    %add3A_806 = arith.addf %add3A_805, %dot_general3A_804 : vector<512x512xf32>
    %add3A_807 = vector.broadcast %get3A_802 : vector<512x1xf32> to vector<512x512xf32>
    %add3A_808 = arith.addf %add3A_806, %add3A_807 : vector<512x512xf32>
    %gt3A_809 = arith.constant 0.000000e+00 : f32
    %gt3A_810 = vector.broadcast %gt3A_809 : f32 to vector<512x512xf32>
    %gt3A_811 = arith.cmpf ogt, %add3A_808, %gt3A_810 : vector<512x512xf32>
    %jit3A_812 = arith.constant 0.000000e+00 : f32
    %broadcast_in_dim3A_813 = vector.broadcast %jit3A_812 : f32 to vector<512x512xf32>
    %select_n3A_814 = arith.select %gt3A_811, %add3A_808, %broadcast_in_dim3A_813 : vector<512x512xi1>, vector<512x512xf32>
    %sqrt3A_815 = math.sqrt %select_n3A_814 : vector<512x512xf32>
    %add3A_816 = arith.constant 4608 : i32
    %add3A_817 = vector.broadcast %add3A_816 : i32 to vector<512x512xi32>
    %add3A_818 = arith.addi %iota3A, %add3A_817 : vector<512x512xi32>
    %slice3A_819 = vector.extract_strided_slice %sqrt3A_815 {offsets = [0, 0], sizes = [256, 512], strides = [1, 1]} : vector<512x512xf32> to vector<256x512xf32>
    %slice3A_820 = vector.extract_strided_slice %sqrt3A_815 {offsets = [256, 0], sizes = [256, 512], strides = [1, 1]} : vector<512x512xf32> to vector<256x512xf32>
    %slice3A_821 = vector.extract_strided_slice %add3A_818 {offsets = [0, 0], sizes = [256, 512], strides = [1, 1]} : vector<512x512xi32> to vector<256x512xi32>
    %slice3A_822 = vector.extract_strided_slice %add3A_818 {offsets = [256, 0], sizes = [256, 512], strides = [1, 1]} : vector<512x512xi32> to vector<256x512xi32>
    %lt3A_823 = arith.cmpf olt, %slice3A_820, %slice3A_819 : vector<256x512xf32>
    %select_n3A_824 = arith.select %lt3A_823, %slice3A_820, %slice3A_819 : vector<256x512xi1>, vector<256x512xf32>
    %select_n3A_825 = arith.select %lt3A_823, %slice3A_822, %slice3A_821 : vector<256x512xi1>, vector<256x512xi32>
    %slice3A_826 = vector.extract_strided_slice %select_n3A_824 {offsets = [0, 0], sizes = [128, 512], strides = [1, 1]} : vector<256x512xf32> to vector<128x512xf32>
    %slice3A_827 = vector.extract_strided_slice %select_n3A_824 {offsets = [128, 0], sizes = [128, 512], strides = [1, 1]} : vector<256x512xf32> to vector<128x512xf32>
    %slice3A_828 = vector.extract_strided_slice %select_n3A_825 {offsets = [0, 0], sizes = [128, 512], strides = [1, 1]} : vector<256x512xi32> to vector<128x512xi32>
    %slice3A_829 = vector.extract_strided_slice %select_n3A_825 {offsets = [128, 0], sizes = [128, 512], strides = [1, 1]} : vector<256x512xi32> to vector<128x512xi32>
    %lt3A_830 = arith.cmpf olt, %slice3A_827, %slice3A_826 : vector<128x512xf32>
    %select_n3A_831 = arith.select %lt3A_830, %slice3A_827, %slice3A_826 : vector<128x512xi1>, vector<128x512xf32>
    %select_n3A_832 = arith.select %lt3A_830, %slice3A_829, %slice3A_828 : vector<128x512xi1>, vector<128x512xi32>
    %slice3A_833 = vector.extract_strided_slice %select_n3A_831 {offsets = [0, 0], sizes = [64, 512], strides = [1, 1]} : vector<128x512xf32> to vector<64x512xf32>
    %slice3A_834 = vector.extract_strided_slice %select_n3A_831 {offsets = [64, 0], sizes = [64, 512], strides = [1, 1]} : vector<128x512xf32> to vector<64x512xf32>
    %slice3A_835 = vector.extract_strided_slice %select_n3A_832 {offsets = [0, 0], sizes = [64, 512], strides = [1, 1]} : vector<128x512xi32> to vector<64x512xi32>
    %slice3A_836 = vector.extract_strided_slice %select_n3A_832 {offsets = [64, 0], sizes = [64, 512], strides = [1, 1]} : vector<128x512xi32> to vector<64x512xi32>
    %lt3A_837 = arith.cmpf olt, %slice3A_834, %slice3A_833 : vector<64x512xf32>
    %select_n3A_838 = arith.select %lt3A_837, %slice3A_834, %slice3A_833 : vector<64x512xi1>, vector<64x512xf32>
    %select_n3A_839 = arith.select %lt3A_837, %slice3A_836, %slice3A_835 : vector<64x512xi1>, vector<64x512xi32>
    %slice3A_840 = vector.extract_strided_slice %select_n3A_838 {offsets = [0, 0], sizes = [32, 512], strides = [1, 1]} : vector<64x512xf32> to vector<32x512xf32>
    %slice3A_841 = vector.extract_strided_slice %select_n3A_838 {offsets = [32, 0], sizes = [32, 512], strides = [1, 1]} : vector<64x512xf32> to vector<32x512xf32>
    %slice3A_842 = vector.extract_strided_slice %select_n3A_839 {offsets = [0, 0], sizes = [32, 512], strides = [1, 1]} : vector<64x512xi32> to vector<32x512xi32>
    %slice3A_843 = vector.extract_strided_slice %select_n3A_839 {offsets = [32, 0], sizes = [32, 512], strides = [1, 1]} : vector<64x512xi32> to vector<32x512xi32>
    %lt3A_844 = arith.cmpf olt, %slice3A_841, %slice3A_840 : vector<32x512xf32>
    %select_n3A_845 = arith.select %lt3A_844, %slice3A_841, %slice3A_840 : vector<32x512xi1>, vector<32x512xf32>
    %select_n3A_846 = arith.select %lt3A_844, %slice3A_843, %slice3A_842 : vector<32x512xi1>, vector<32x512xi32>
    %slice3A_847 = vector.extract_strided_slice %select_n3A_845 {offsets = [0, 0], sizes = [16, 512], strides = [1, 1]} : vector<32x512xf32> to vector<16x512xf32>
    %slice3A_848 = vector.extract_strided_slice %select_n3A_845 {offsets = [16, 0], sizes = [16, 512], strides = [1, 1]} : vector<32x512xf32> to vector<16x512xf32>
    %slice3A_849 = vector.extract_strided_slice %select_n3A_846 {offsets = [0, 0], sizes = [16, 512], strides = [1, 1]} : vector<32x512xi32> to vector<16x512xi32>
    %slice3A_850 = vector.extract_strided_slice %select_n3A_846 {offsets = [16, 0], sizes = [16, 512], strides = [1, 1]} : vector<32x512xi32> to vector<16x512xi32>
    %lt3A_851 = arith.cmpf olt, %slice3A_848, %slice3A_847 : vector<16x512xf32>
    %select_n3A_852 = arith.select %lt3A_851, %slice3A_848, %slice3A_847 : vector<16x512xi1>, vector<16x512xf32>
    %select_n3A_853 = arith.select %lt3A_851, %slice3A_850, %slice3A_849 : vector<16x512xi1>, vector<16x512xi32>
    %slice3A_854 = vector.extract_strided_slice %select_n3A_852 {offsets = [0, 0], sizes = [8, 512], strides = [1, 1]} : vector<16x512xf32> to vector<8x512xf32>
    %slice3A_855 = vector.extract_strided_slice %select_n3A_852 {offsets = [8, 0], sizes = [8, 512], strides = [1, 1]} : vector<16x512xf32> to vector<8x512xf32>
    %slice3A_856 = vector.extract_strided_slice %select_n3A_853 {offsets = [0, 0], sizes = [8, 512], strides = [1, 1]} : vector<16x512xi32> to vector<8x512xi32>
    %slice3A_857 = vector.extract_strided_slice %select_n3A_853 {offsets = [8, 0], sizes = [8, 512], strides = [1, 1]} : vector<16x512xi32> to vector<8x512xi32>
    %lt3A_858 = arith.cmpf olt, %slice3A_855, %slice3A_854 : vector<8x512xf32>
    %select_n3A_859 = arith.select %lt3A_858, %slice3A_855, %slice3A_854 : vector<8x512xi1>, vector<8x512xf32>
    %select_n3A_860 = arith.select %lt3A_858, %slice3A_857, %slice3A_856 : vector<8x512xi1>, vector<8x512xi32>
    %slice3A_861 = vector.extract_strided_slice %select_n3A_859 {offsets = [0, 0], sizes = [4, 512], strides = [1, 1]} : vector<8x512xf32> to vector<4x512xf32>
    %slice3A_862 = vector.extract_strided_slice %select_n3A_859 {offsets = [4, 0], sizes = [4, 512], strides = [1, 1]} : vector<8x512xf32> to vector<4x512xf32>
    %slice3A_863 = vector.extract_strided_slice %select_n3A_860 {offsets = [0, 0], sizes = [4, 512], strides = [1, 1]} : vector<8x512xi32> to vector<4x512xi32>
    %slice3A_864 = vector.extract_strided_slice %select_n3A_860 {offsets = [4, 0], sizes = [4, 512], strides = [1, 1]} : vector<8x512xi32> to vector<4x512xi32>
    %lt3A_865 = arith.cmpf olt, %slice3A_862, %slice3A_861 : vector<4x512xf32>
    %select_n3A_866 = arith.select %lt3A_865, %slice3A_862, %slice3A_861 : vector<4x512xi1>, vector<4x512xf32>
    %select_n3A_867 = arith.select %lt3A_865, %slice3A_864, %slice3A_863 : vector<4x512xi1>, vector<4x512xi32>
    %slice3A_868 = vector.extract_strided_slice %select_n3A_866 {offsets = [0, 0], sizes = [2, 512], strides = [1, 1]} : vector<4x512xf32> to vector<2x512xf32>
    %slice3A_869 = vector.extract_strided_slice %select_n3A_866 {offsets = [2, 0], sizes = [2, 512], strides = [1, 1]} : vector<4x512xf32> to vector<2x512xf32>
    %slice3A_870 = vector.extract_strided_slice %select_n3A_867 {offsets = [0, 0], sizes = [2, 512], strides = [1, 1]} : vector<4x512xi32> to vector<2x512xi32>
    %slice3A_871 = vector.extract_strided_slice %select_n3A_867 {offsets = [2, 0], sizes = [2, 512], strides = [1, 1]} : vector<4x512xi32> to vector<2x512xi32>
    %lt3A_872 = arith.cmpf olt, %slice3A_869, %slice3A_868 : vector<2x512xf32>
    %select_n3A_873 = arith.select %lt3A_872, %slice3A_869, %slice3A_868 : vector<2x512xi1>, vector<2x512xf32>
    %select_n3A_874 = arith.select %lt3A_872, %slice3A_871, %slice3A_870 : vector<2x512xi1>, vector<2x512xi32>
    %slice3A_875 = vector.extract_strided_slice %select_n3A_873 {offsets = [0, 0], sizes = [1, 512], strides = [1, 1]} : vector<2x512xf32> to vector<1x512xf32>
    %slice3A_876 = vector.extract_strided_slice %select_n3A_873 {offsets = [1, 0], sizes = [1, 512], strides = [1, 1]} : vector<2x512xf32> to vector<1x512xf32>
    %slice3A_877 = vector.extract_strided_slice %select_n3A_874 {offsets = [0, 0], sizes = [1, 512], strides = [1, 1]} : vector<2x512xi32> to vector<1x512xi32>
    %slice3A_878 = vector.extract_strided_slice %select_n3A_874 {offsets = [1, 0], sizes = [1, 512], strides = [1, 1]} : vector<2x512xi32> to vector<1x512xi32>
    %lt3A_879 = arith.cmpf olt, %slice3A_876, %slice3A_875 : vector<1x512xf32>
    %select_n3A_880 = arith.select %lt3A_879, %slice3A_876, %slice3A_875 : vector<1x512xi1>, vector<1x512xf32>
    %select_n3A_881 = arith.select %lt3A_879, %slice3A_878, %slice3A_877 : vector<1x512xi1>, vector<1x512xi32>
    %lt3A_882 = arith.cmpf olt, %select_n3A_880, %select_n3A_795 : vector<1x512xf32>
    %select_n3A_883 = arith.select %lt3A_882, %select_n3A_880, %select_n3A_795 : vector<1x512xi1>, vector<1x512xf32>
    %select_n3A_884 = arith.select %lt3A_882, %select_n3A_881, %select_n3A_796 : vector<1x512xi1>, vector<1x512xi32>
    %get3A_885 = arith.constant 5120 : index
    %get3A_886 = arith.constant 0 : index
    %get3A_887 = vector.load %arg6[%get3A_885, %get3A_886] : memref<8192x256xbf16, #tpu.memory_space<vmem>>, vector<512x256xbf16>
    %get3A_888 = arith.constant 5120 : index
    %get3A_889 = arith.constant 0 : index
    %get3A_890 = vector.load %arg7[%get3A_888, %get3A_889] : memref<8192x1xf32, #tpu.memory_space<vmem>>, vector<512x1xf32>
    %dot_general3A_891 = arith.constant dense<0.000000e+00> : vector<512x512xf32>
    %dot_general3A_892 = tpu.matmul %get3A_887, %convert_element_type3A, %dot_general3A_891 {dimension_numbers = #tpu.dot_dimension_numbers<[1], [0], [0], [1], [0, 0, 1, 1], [], []>, transpose_lhs_hint = false} : vector<512x256xbf16>, vector<256x512xbf16>, vector<512x512xf32> -> vector<512x512xf32>
    %add3A_893 = vector.broadcast %broadcast_in_dim3A : vector<1x512xf32> to vector<512x512xf32>
    %add3A_894 = arith.addf %add3A_893, %dot_general3A_892 : vector<512x512xf32>
    %add3A_895 = vector.broadcast %get3A_890 : vector<512x1xf32> to vector<512x512xf32>
    %add3A_896 = arith.addf %add3A_894, %add3A_895 : vector<512x512xf32>
    %gt3A_897 = arith.constant 0.000000e+00 : f32
    %gt3A_898 = vector.broadcast %gt3A_897 : f32 to vector<512x512xf32>
    %gt3A_899 = arith.cmpf ogt, %add3A_896, %gt3A_898 : vector<512x512xf32>
    %jit3A_900 = arith.constant 0.000000e+00 : f32
    %broadcast_in_dim3A_901 = vector.broadcast %jit3A_900 : f32 to vector<512x512xf32>
    %select_n3A_902 = arith.select %gt3A_899, %add3A_896, %broadcast_in_dim3A_901 : vector<512x512xi1>, vector<512x512xf32>
    %sqrt3A_903 = math.sqrt %select_n3A_902 : vector<512x512xf32>
    %add3A_904 = arith.constant 5120 : i32
    %add3A_905 = vector.broadcast %add3A_904 : i32 to vector<512x512xi32>
    %add3A_906 = arith.addi %iota3A, %add3A_905 : vector<512x512xi32>
    %slice3A_907 = vector.extract_strided_slice %sqrt3A_903 {offsets = [0, 0], sizes = [256, 512], strides = [1, 1]} : vector<512x512xf32> to vector<256x512xf32>
    %slice3A_908 = vector.extract_strided_slice %sqrt3A_903 {offsets = [256, 0], sizes = [256, 512], strides = [1, 1]} : vector<512x512xf32> to vector<256x512xf32>
    %slice3A_909 = vector.extract_strided_slice %add3A_906 {offsets = [0, 0], sizes = [256, 512], strides = [1, 1]} : vector<512x512xi32> to vector<256x512xi32>
    %slice3A_910 = vector.extract_strided_slice %add3A_906 {offsets = [256, 0], sizes = [256, 512], strides = [1, 1]} : vector<512x512xi32> to vector<256x512xi32>
    %lt3A_911 = arith.cmpf olt, %slice3A_908, %slice3A_907 : vector<256x512xf32>
    %select_n3A_912 = arith.select %lt3A_911, %slice3A_908, %slice3A_907 : vector<256x512xi1>, vector<256x512xf32>
    %select_n3A_913 = arith.select %lt3A_911, %slice3A_910, %slice3A_909 : vector<256x512xi1>, vector<256x512xi32>
    %slice3A_914 = vector.extract_strided_slice %select_n3A_912 {offsets = [0, 0], sizes = [128, 512], strides = [1, 1]} : vector<256x512xf32> to vector<128x512xf32>
    %slice3A_915 = vector.extract_strided_slice %select_n3A_912 {offsets = [128, 0], sizes = [128, 512], strides = [1, 1]} : vector<256x512xf32> to vector<128x512xf32>
    %slice3A_916 = vector.extract_strided_slice %select_n3A_913 {offsets = [0, 0], sizes = [128, 512], strides = [1, 1]} : vector<256x512xi32> to vector<128x512xi32>
    %slice3A_917 = vector.extract_strided_slice %select_n3A_913 {offsets = [128, 0], sizes = [128, 512], strides = [1, 1]} : vector<256x512xi32> to vector<128x512xi32>
    %lt3A_918 = arith.cmpf olt, %slice3A_915, %slice3A_914 : vector<128x512xf32>
    %select_n3A_919 = arith.select %lt3A_918, %slice3A_915, %slice3A_914 : vector<128x512xi1>, vector<128x512xf32>
    %select_n3A_920 = arith.select %lt3A_918, %slice3A_917, %slice3A_916 : vector<128x512xi1>, vector<128x512xi32>
    %slice3A_921 = vector.extract_strided_slice %select_n3A_919 {offsets = [0, 0], sizes = [64, 512], strides = [1, 1]} : vector<128x512xf32> to vector<64x512xf32>
    %slice3A_922 = vector.extract_strided_slice %select_n3A_919 {offsets = [64, 0], sizes = [64, 512], strides = [1, 1]} : vector<128x512xf32> to vector<64x512xf32>
    %slice3A_923 = vector.extract_strided_slice %select_n3A_920 {offsets = [0, 0], sizes = [64, 512], strides = [1, 1]} : vector<128x512xi32> to vector<64x512xi32>
    %slice3A_924 = vector.extract_strided_slice %select_n3A_920 {offsets = [64, 0], sizes = [64, 512], strides = [1, 1]} : vector<128x512xi32> to vector<64x512xi32>
    %lt3A_925 = arith.cmpf olt, %slice3A_922, %slice3A_921 : vector<64x512xf32>
    %select_n3A_926 = arith.select %lt3A_925, %slice3A_922, %slice3A_921 : vector<64x512xi1>, vector<64x512xf32>
    %select_n3A_927 = arith.select %lt3A_925, %slice3A_924, %slice3A_923 : vector<64x512xi1>, vector<64x512xi32>
    %slice3A_928 = vector.extract_strided_slice %select_n3A_926 {offsets = [0, 0], sizes = [32, 512], strides = [1, 1]} : vector<64x512xf32> to vector<32x512xf32>
    %slice3A_929 = vector.extract_strided_slice %select_n3A_926 {offsets = [32, 0], sizes = [32, 512], strides = [1, 1]} : vector<64x512xf32> to vector<32x512xf32>
    %slice3A_930 = vector.extract_strided_slice %select_n3A_927 {offsets = [0, 0], sizes = [32, 512], strides = [1, 1]} : vector<64x512xi32> to vector<32x512xi32>
    %slice3A_931 = vector.extract_strided_slice %select_n3A_927 {offsets = [32, 0], sizes = [32, 512], strides = [1, 1]} : vector<64x512xi32> to vector<32x512xi32>
    %lt3A_932 = arith.cmpf olt, %slice3A_929, %slice3A_928 : vector<32x512xf32>
    %select_n3A_933 = arith.select %lt3A_932, %slice3A_929, %slice3A_928 : vector<32x512xi1>, vector<32x512xf32>
    %select_n3A_934 = arith.select %lt3A_932, %slice3A_931, %slice3A_930 : vector<32x512xi1>, vector<32x512xi32>
    %slice3A_935 = vector.extract_strided_slice %select_n3A_933 {offsets = [0, 0], sizes = [16, 512], strides = [1, 1]} : vector<32x512xf32> to vector<16x512xf32>
    %slice3A_936 = vector.extract_strided_slice %select_n3A_933 {offsets = [16, 0], sizes = [16, 512], strides = [1, 1]} : vector<32x512xf32> to vector<16x512xf32>
    %slice3A_937 = vector.extract_strided_slice %select_n3A_934 {offsets = [0, 0], sizes = [16, 512], strides = [1, 1]} : vector<32x512xi32> to vector<16x512xi32>
    %slice3A_938 = vector.extract_strided_slice %select_n3A_934 {offsets = [16, 0], sizes = [16, 512], strides = [1, 1]} : vector<32x512xi32> to vector<16x512xi32>
    %lt3A_939 = arith.cmpf olt, %slice3A_936, %slice3A_935 : vector<16x512xf32>
    %select_n3A_940 = arith.select %lt3A_939, %slice3A_936, %slice3A_935 : vector<16x512xi1>, vector<16x512xf32>
    %select_n3A_941 = arith.select %lt3A_939, %slice3A_938, %slice3A_937 : vector<16x512xi1>, vector<16x512xi32>
    %slice3A_942 = vector.extract_strided_slice %select_n3A_940 {offsets = [0, 0], sizes = [8, 512], strides = [1, 1]} : vector<16x512xf32> to vector<8x512xf32>
    %slice3A_943 = vector.extract_strided_slice %select_n3A_940 {offsets = [8, 0], sizes = [8, 512], strides = [1, 1]} : vector<16x512xf32> to vector<8x512xf32>
    %slice3A_944 = vector.extract_strided_slice %select_n3A_941 {offsets = [0, 0], sizes = [8, 512], strides = [1, 1]} : vector<16x512xi32> to vector<8x512xi32>
    %slice3A_945 = vector.extract_strided_slice %select_n3A_941 {offsets = [8, 0], sizes = [8, 512], strides = [1, 1]} : vector<16x512xi32> to vector<8x512xi32>
    %lt3A_946 = arith.cmpf olt, %slice3A_943, %slice3A_942 : vector<8x512xf32>
    %select_n3A_947 = arith.select %lt3A_946, %slice3A_943, %slice3A_942 : vector<8x512xi1>, vector<8x512xf32>
    %select_n3A_948 = arith.select %lt3A_946, %slice3A_945, %slice3A_944 : vector<8x512xi1>, vector<8x512xi32>
    %slice3A_949 = vector.extract_strided_slice %select_n3A_947 {offsets = [0, 0], sizes = [4, 512], strides = [1, 1]} : vector<8x512xf32> to vector<4x512xf32>
    %slice3A_950 = vector.extract_strided_slice %select_n3A_947 {offsets = [4, 0], sizes = [4, 512], strides = [1, 1]} : vector<8x512xf32> to vector<4x512xf32>
    %slice3A_951 = vector.extract_strided_slice %select_n3A_948 {offsets = [0, 0], sizes = [4, 512], strides = [1, 1]} : vector<8x512xi32> to vector<4x512xi32>
    %slice3A_952 = vector.extract_strided_slice %select_n3A_948 {offsets = [4, 0], sizes = [4, 512], strides = [1, 1]} : vector<8x512xi32> to vector<4x512xi32>
    %lt3A_953 = arith.cmpf olt, %slice3A_950, %slice3A_949 : vector<4x512xf32>
    %select_n3A_954 = arith.select %lt3A_953, %slice3A_950, %slice3A_949 : vector<4x512xi1>, vector<4x512xf32>
    %select_n3A_955 = arith.select %lt3A_953, %slice3A_952, %slice3A_951 : vector<4x512xi1>, vector<4x512xi32>
    %slice3A_956 = vector.extract_strided_slice %select_n3A_954 {offsets = [0, 0], sizes = [2, 512], strides = [1, 1]} : vector<4x512xf32> to vector<2x512xf32>
    %slice3A_957 = vector.extract_strided_slice %select_n3A_954 {offsets = [2, 0], sizes = [2, 512], strides = [1, 1]} : vector<4x512xf32> to vector<2x512xf32>
    %slice3A_958 = vector.extract_strided_slice %select_n3A_955 {offsets = [0, 0], sizes = [2, 512], strides = [1, 1]} : vector<4x512xi32> to vector<2x512xi32>
    %slice3A_959 = vector.extract_strided_slice %select_n3A_955 {offsets = [2, 0], sizes = [2, 512], strides = [1, 1]} : vector<4x512xi32> to vector<2x512xi32>
    %lt3A_960 = arith.cmpf olt, %slice3A_957, %slice3A_956 : vector<2x512xf32>
    %select_n3A_961 = arith.select %lt3A_960, %slice3A_957, %slice3A_956 : vector<2x512xi1>, vector<2x512xf32>
    %select_n3A_962 = arith.select %lt3A_960, %slice3A_959, %slice3A_958 : vector<2x512xi1>, vector<2x512xi32>
    %slice3A_963 = vector.extract_strided_slice %select_n3A_961 {offsets = [0, 0], sizes = [1, 512], strides = [1, 1]} : vector<2x512xf32> to vector<1x512xf32>
    %slice3A_964 = vector.extract_strided_slice %select_n3A_961 {offsets = [1, 0], sizes = [1, 512], strides = [1, 1]} : vector<2x512xf32> to vector<1x512xf32>
    %slice3A_965 = vector.extract_strided_slice %select_n3A_962 {offsets = [0, 0], sizes = [1, 512], strides = [1, 1]} : vector<2x512xi32> to vector<1x512xi32>
    %slice3A_966 = vector.extract_strided_slice %select_n3A_962 {offsets = [1, 0], sizes = [1, 512], strides = [1, 1]} : vector<2x512xi32> to vector<1x512xi32>
    %lt3A_967 = arith.cmpf olt, %slice3A_964, %slice3A_963 : vector<1x512xf32>
    %select_n3A_968 = arith.select %lt3A_967, %slice3A_964, %slice3A_963 : vector<1x512xi1>, vector<1x512xf32>
    %select_n3A_969 = arith.select %lt3A_967, %slice3A_966, %slice3A_965 : vector<1x512xi1>, vector<1x512xi32>
    %lt3A_970 = arith.cmpf olt, %select_n3A_968, %select_n3A_883 : vector<1x512xf32>
    %select_n3A_971 = arith.select %lt3A_970, %select_n3A_968, %select_n3A_883 : vector<1x512xi1>, vector<1x512xf32>
    %select_n3A_972 = arith.select %lt3A_970, %select_n3A_969, %select_n3A_884 : vector<1x512xi1>, vector<1x512xi32>
    %get3A_973 = arith.constant 5632 : index
    %get3A_974 = arith.constant 0 : index
    %get3A_975 = vector.load %arg6[%get3A_973, %get3A_974] : memref<8192x256xbf16, #tpu.memory_space<vmem>>, vector<512x256xbf16>
    %get3A_976 = arith.constant 5632 : index
    %get3A_977 = arith.constant 0 : index
    %get3A_978 = vector.load %arg7[%get3A_976, %get3A_977] : memref<8192x1xf32, #tpu.memory_space<vmem>>, vector<512x1xf32>
    %dot_general3A_979 = arith.constant dense<0.000000e+00> : vector<512x512xf32>
    %dot_general3A_980 = tpu.matmul %get3A_975, %convert_element_type3A, %dot_general3A_979 {dimension_numbers = #tpu.dot_dimension_numbers<[1], [0], [0], [1], [0, 0, 1, 1], [], []>, transpose_lhs_hint = false} : vector<512x256xbf16>, vector<256x512xbf16>, vector<512x512xf32> -> vector<512x512xf32>
    %add3A_981 = vector.broadcast %broadcast_in_dim3A : vector<1x512xf32> to vector<512x512xf32>
    %add3A_982 = arith.addf %add3A_981, %dot_general3A_980 : vector<512x512xf32>
    %add3A_983 = vector.broadcast %get3A_978 : vector<512x1xf32> to vector<512x512xf32>
    %add3A_984 = arith.addf %add3A_982, %add3A_983 : vector<512x512xf32>
    %gt3A_985 = arith.constant 0.000000e+00 : f32
    %gt3A_986 = vector.broadcast %gt3A_985 : f32 to vector<512x512xf32>
    %gt3A_987 = arith.cmpf ogt, %add3A_984, %gt3A_986 : vector<512x512xf32>
    %jit3A_988 = arith.constant 0.000000e+00 : f32
    %broadcast_in_dim3A_989 = vector.broadcast %jit3A_988 : f32 to vector<512x512xf32>
    %select_n3A_990 = arith.select %gt3A_987, %add3A_984, %broadcast_in_dim3A_989 : vector<512x512xi1>, vector<512x512xf32>
    %sqrt3A_991 = math.sqrt %select_n3A_990 : vector<512x512xf32>
    %add3A_992 = arith.constant 5632 : i32
    %add3A_993 = vector.broadcast %add3A_992 : i32 to vector<512x512xi32>
    %add3A_994 = arith.addi %iota3A, %add3A_993 : vector<512x512xi32>
    %slice3A_995 = vector.extract_strided_slice %sqrt3A_991 {offsets = [0, 0], sizes = [256, 512], strides = [1, 1]} : vector<512x512xf32> to vector<256x512xf32>
    %slice3A_996 = vector.extract_strided_slice %sqrt3A_991 {offsets = [256, 0], sizes = [256, 512], strides = [1, 1]} : vector<512x512xf32> to vector<256x512xf32>
    %slice3A_997 = vector.extract_strided_slice %add3A_994 {offsets = [0, 0], sizes = [256, 512], strides = [1, 1]} : vector<512x512xi32> to vector<256x512xi32>
    %slice3A_998 = vector.extract_strided_slice %add3A_994 {offsets = [256, 0], sizes = [256, 512], strides = [1, 1]} : vector<512x512xi32> to vector<256x512xi32>
    %lt3A_999 = arith.cmpf olt, %slice3A_996, %slice3A_995 : vector<256x512xf32>
    %select_n3A_1000 = arith.select %lt3A_999, %slice3A_996, %slice3A_995 : vector<256x512xi1>, vector<256x512xf32>
    %select_n3A_1001 = arith.select %lt3A_999, %slice3A_998, %slice3A_997 : vector<256x512xi1>, vector<256x512xi32>
    %slice3A_1002 = vector.extract_strided_slice %select_n3A_1000 {offsets = [0, 0], sizes = [128, 512], strides = [1, 1]} : vector<256x512xf32> to vector<128x512xf32>
    %slice3A_1003 = vector.extract_strided_slice %select_n3A_1000 {offsets = [128, 0], sizes = [128, 512], strides = [1, 1]} : vector<256x512xf32> to vector<128x512xf32>
    %slice3A_1004 = vector.extract_strided_slice %select_n3A_1001 {offsets = [0, 0], sizes = [128, 512], strides = [1, 1]} : vector<256x512xi32> to vector<128x512xi32>
    %slice3A_1005 = vector.extract_strided_slice %select_n3A_1001 {offsets = [128, 0], sizes = [128, 512], strides = [1, 1]} : vector<256x512xi32> to vector<128x512xi32>
    %lt3A_1006 = arith.cmpf olt, %slice3A_1003, %slice3A_1002 : vector<128x512xf32>
    %select_n3A_1007 = arith.select %lt3A_1006, %slice3A_1003, %slice3A_1002 : vector<128x512xi1>, vector<128x512xf32>
    %select_n3A_1008 = arith.select %lt3A_1006, %slice3A_1005, %slice3A_1004 : vector<128x512xi1>, vector<128x512xi32>
    %slice3A_1009 = vector.extract_strided_slice %select_n3A_1007 {offsets = [0, 0], sizes = [64, 512], strides = [1, 1]} : vector<128x512xf32> to vector<64x512xf32>
    %slice3A_1010 = vector.extract_strided_slice %select_n3A_1007 {offsets = [64, 0], sizes = [64, 512], strides = [1, 1]} : vector<128x512xf32> to vector<64x512xf32>
    %slice3A_1011 = vector.extract_strided_slice %select_n3A_1008 {offsets = [0, 0], sizes = [64, 512], strides = [1, 1]} : vector<128x512xi32> to vector<64x512xi32>
    %slice3A_1012 = vector.extract_strided_slice %select_n3A_1008 {offsets = [64, 0], sizes = [64, 512], strides = [1, 1]} : vector<128x512xi32> to vector<64x512xi32>
    %lt3A_1013 = arith.cmpf olt, %slice3A_1010, %slice3A_1009 : vector<64x512xf32>
    %select_n3A_1014 = arith.select %lt3A_1013, %slice3A_1010, %slice3A_1009 : vector<64x512xi1>, vector<64x512xf32>
    %select_n3A_1015 = arith.select %lt3A_1013, %slice3A_1012, %slice3A_1011 : vector<64x512xi1>, vector<64x512xi32>
    %slice3A_1016 = vector.extract_strided_slice %select_n3A_1014 {offsets = [0, 0], sizes = [32, 512], strides = [1, 1]} : vector<64x512xf32> to vector<32x512xf32>
    %slice3A_1017 = vector.extract_strided_slice %select_n3A_1014 {offsets = [32, 0], sizes = [32, 512], strides = [1, 1]} : vector<64x512xf32> to vector<32x512xf32>
    %slice3A_1018 = vector.extract_strided_slice %select_n3A_1015 {offsets = [0, 0], sizes = [32, 512], strides = [1, 1]} : vector<64x512xi32> to vector<32x512xi32>
    %slice3A_1019 = vector.extract_strided_slice %select_n3A_1015 {offsets = [32, 0], sizes = [32, 512], strides = [1, 1]} : vector<64x512xi32> to vector<32x512xi32>
    %lt3A_1020 = arith.cmpf olt, %slice3A_1017, %slice3A_1016 : vector<32x512xf32>
    %select_n3A_1021 = arith.select %lt3A_1020, %slice3A_1017, %slice3A_1016 : vector<32x512xi1>, vector<32x512xf32>
    %select_n3A_1022 = arith.select %lt3A_1020, %slice3A_1019, %slice3A_1018 : vector<32x512xi1>, vector<32x512xi32>
    %slice3A_1023 = vector.extract_strided_slice %select_n3A_1021 {offsets = [0, 0], sizes = [16, 512], strides = [1, 1]} : vector<32x512xf32> to vector<16x512xf32>
    %slice3A_1024 = vector.extract_strided_slice %select_n3A_1021 {offsets = [16, 0], sizes = [16, 512], strides = [1, 1]} : vector<32x512xf32> to vector<16x512xf32>
    %slice3A_1025 = vector.extract_strided_slice %select_n3A_1022 {offsets = [0, 0], sizes = [16, 512], strides = [1, 1]} : vector<32x512xi32> to vector<16x512xi32>
    %slice3A_1026 = vector.extract_strided_slice %select_n3A_1022 {offsets = [16, 0], sizes = [16, 512], strides = [1, 1]} : vector<32x512xi32> to vector<16x512xi32>
    %lt3A_1027 = arith.cmpf olt, %slice3A_1024, %slice3A_1023 : vector<16x512xf32>
    %select_n3A_1028 = arith.select %lt3A_1027, %slice3A_1024, %slice3A_1023 : vector<16x512xi1>, vector<16x512xf32>
    %select_n3A_1029 = arith.select %lt3A_1027, %slice3A_1026, %slice3A_1025 : vector<16x512xi1>, vector<16x512xi32>
    %slice3A_1030 = vector.extract_strided_slice %select_n3A_1028 {offsets = [0, 0], sizes = [8, 512], strides = [1, 1]} : vector<16x512xf32> to vector<8x512xf32>
    %slice3A_1031 = vector.extract_strided_slice %select_n3A_1028 {offsets = [8, 0], sizes = [8, 512], strides = [1, 1]} : vector<16x512xf32> to vector<8x512xf32>
    %slice3A_1032 = vector.extract_strided_slice %select_n3A_1029 {offsets = [0, 0], sizes = [8, 512], strides = [1, 1]} : vector<16x512xi32> to vector<8x512xi32>
    %slice3A_1033 = vector.extract_strided_slice %select_n3A_1029 {offsets = [8, 0], sizes = [8, 512], strides = [1, 1]} : vector<16x512xi32> to vector<8x512xi32>
    %lt3A_1034 = arith.cmpf olt, %slice3A_1031, %slice3A_1030 : vector<8x512xf32>
    %select_n3A_1035 = arith.select %lt3A_1034, %slice3A_1031, %slice3A_1030 : vector<8x512xi1>, vector<8x512xf32>
    %select_n3A_1036 = arith.select %lt3A_1034, %slice3A_1033, %slice3A_1032 : vector<8x512xi1>, vector<8x512xi32>
    %slice3A_1037 = vector.extract_strided_slice %select_n3A_1035 {offsets = [0, 0], sizes = [4, 512], strides = [1, 1]} : vector<8x512xf32> to vector<4x512xf32>
    %slice3A_1038 = vector.extract_strided_slice %select_n3A_1035 {offsets = [4, 0], sizes = [4, 512], strides = [1, 1]} : vector<8x512xf32> to vector<4x512xf32>
    %slice3A_1039 = vector.extract_strided_slice %select_n3A_1036 {offsets = [0, 0], sizes = [4, 512], strides = [1, 1]} : vector<8x512xi32> to vector<4x512xi32>
    %slice3A_1040 = vector.extract_strided_slice %select_n3A_1036 {offsets = [4, 0], sizes = [4, 512], strides = [1, 1]} : vector<8x512xi32> to vector<4x512xi32>
    %lt3A_1041 = arith.cmpf olt, %slice3A_1038, %slice3A_1037 : vector<4x512xf32>
    %select_n3A_1042 = arith.select %lt3A_1041, %slice3A_1038, %slice3A_1037 : vector<4x512xi1>, vector<4x512xf32>
    %select_n3A_1043 = arith.select %lt3A_1041, %slice3A_1040, %slice3A_1039 : vector<4x512xi1>, vector<4x512xi32>
    %slice3A_1044 = vector.extract_strided_slice %select_n3A_1042 {offsets = [0, 0], sizes = [2, 512], strides = [1, 1]} : vector<4x512xf32> to vector<2x512xf32>
    %slice3A_1045 = vector.extract_strided_slice %select_n3A_1042 {offsets = [2, 0], sizes = [2, 512], strides = [1, 1]} : vector<4x512xf32> to vector<2x512xf32>
    %slice3A_1046 = vector.extract_strided_slice %select_n3A_1043 {offsets = [0, 0], sizes = [2, 512], strides = [1, 1]} : vector<4x512xi32> to vector<2x512xi32>
    %slice3A_1047 = vector.extract_strided_slice %select_n3A_1043 {offsets = [2, 0], sizes = [2, 512], strides = [1, 1]} : vector<4x512xi32> to vector<2x512xi32>
    %lt3A_1048 = arith.cmpf olt, %slice3A_1045, %slice3A_1044 : vector<2x512xf32>
    %select_n3A_1049 = arith.select %lt3A_1048, %slice3A_1045, %slice3A_1044 : vector<2x512xi1>, vector<2x512xf32>
    %select_n3A_1050 = arith.select %lt3A_1048, %slice3A_1047, %slice3A_1046 : vector<2x512xi1>, vector<2x512xi32>
    %slice3A_1051 = vector.extract_strided_slice %select_n3A_1049 {offsets = [0, 0], sizes = [1, 512], strides = [1, 1]} : vector<2x512xf32> to vector<1x512xf32>
    %slice3A_1052 = vector.extract_strided_slice %select_n3A_1049 {offsets = [1, 0], sizes = [1, 512], strides = [1, 1]} : vector<2x512xf32> to vector<1x512xf32>
    %slice3A_1053 = vector.extract_strided_slice %select_n3A_1050 {offsets = [0, 0], sizes = [1, 512], strides = [1, 1]} : vector<2x512xi32> to vector<1x512xi32>
    %slice3A_1054 = vector.extract_strided_slice %select_n3A_1050 {offsets = [1, 0], sizes = [1, 512], strides = [1, 1]} : vector<2x512xi32> to vector<1x512xi32>
    %lt3A_1055 = arith.cmpf olt, %slice3A_1052, %slice3A_1051 : vector<1x512xf32>
    %select_n3A_1056 = arith.select %lt3A_1055, %slice3A_1052, %slice3A_1051 : vector<1x512xi1>, vector<1x512xf32>
    %select_n3A_1057 = arith.select %lt3A_1055, %slice3A_1054, %slice3A_1053 : vector<1x512xi1>, vector<1x512xi32>
    %lt3A_1058 = arith.cmpf olt, %select_n3A_1056, %select_n3A_971 : vector<1x512xf32>
    %select_n3A_1059 = arith.select %lt3A_1058, %select_n3A_1056, %select_n3A_971 : vector<1x512xi1>, vector<1x512xf32>
    %select_n3A_1060 = arith.select %lt3A_1058, %select_n3A_1057, %select_n3A_972 : vector<1x512xi1>, vector<1x512xi32>
    %get3A_1061 = arith.constant 6144 : index
    %get3A_1062 = arith.constant 0 : index
    %get3A_1063 = vector.load %arg6[%get3A_1061, %get3A_1062] : memref<8192x256xbf16, #tpu.memory_space<vmem>>, vector<512x256xbf16>
    %get3A_1064 = arith.constant 6144 : index
    %get3A_1065 = arith.constant 0 : index
    %get3A_1066 = vector.load %arg7[%get3A_1064, %get3A_1065] : memref<8192x1xf32, #tpu.memory_space<vmem>>, vector<512x1xf32>
    %dot_general3A_1067 = arith.constant dense<0.000000e+00> : vector<512x512xf32>
    %dot_general3A_1068 = tpu.matmul %get3A_1063, %convert_element_type3A, %dot_general3A_1067 {dimension_numbers = #tpu.dot_dimension_numbers<[1], [0], [0], [1], [0, 0, 1, 1], [], []>, transpose_lhs_hint = false} : vector<512x256xbf16>, vector<256x512xbf16>, vector<512x512xf32> -> vector<512x512xf32>
    %add3A_1069 = vector.broadcast %broadcast_in_dim3A : vector<1x512xf32> to vector<512x512xf32>
    %add3A_1070 = arith.addf %add3A_1069, %dot_general3A_1068 : vector<512x512xf32>
    %add3A_1071 = vector.broadcast %get3A_1066 : vector<512x1xf32> to vector<512x512xf32>
    %add3A_1072 = arith.addf %add3A_1070, %add3A_1071 : vector<512x512xf32>
    %gt3A_1073 = arith.constant 0.000000e+00 : f32
    %gt3A_1074 = vector.broadcast %gt3A_1073 : f32 to vector<512x512xf32>
    %gt3A_1075 = arith.cmpf ogt, %add3A_1072, %gt3A_1074 : vector<512x512xf32>
    %jit3A_1076 = arith.constant 0.000000e+00 : f32
    %broadcast_in_dim3A_1077 = vector.broadcast %jit3A_1076 : f32 to vector<512x512xf32>
    %select_n3A_1078 = arith.select %gt3A_1075, %add3A_1072, %broadcast_in_dim3A_1077 : vector<512x512xi1>, vector<512x512xf32>
    %sqrt3A_1079 = math.sqrt %select_n3A_1078 : vector<512x512xf32>
    %add3A_1080 = arith.constant 6144 : i32
    %add3A_1081 = vector.broadcast %add3A_1080 : i32 to vector<512x512xi32>
    %add3A_1082 = arith.addi %iota3A, %add3A_1081 : vector<512x512xi32>
    %slice3A_1083 = vector.extract_strided_slice %sqrt3A_1079 {offsets = [0, 0], sizes = [256, 512], strides = [1, 1]} : vector<512x512xf32> to vector<256x512xf32>
    %slice3A_1084 = vector.extract_strided_slice %sqrt3A_1079 {offsets = [256, 0], sizes = [256, 512], strides = [1, 1]} : vector<512x512xf32> to vector<256x512xf32>
    %slice3A_1085 = vector.extract_strided_slice %add3A_1082 {offsets = [0, 0], sizes = [256, 512], strides = [1, 1]} : vector<512x512xi32> to vector<256x512xi32>
    %slice3A_1086 = vector.extract_strided_slice %add3A_1082 {offsets = [256, 0], sizes = [256, 512], strides = [1, 1]} : vector<512x512xi32> to vector<256x512xi32>
    %lt3A_1087 = arith.cmpf olt, %slice3A_1084, %slice3A_1083 : vector<256x512xf32>
    %select_n3A_1088 = arith.select %lt3A_1087, %slice3A_1084, %slice3A_1083 : vector<256x512xi1>, vector<256x512xf32>
    %select_n3A_1089 = arith.select %lt3A_1087, %slice3A_1086, %slice3A_1085 : vector<256x512xi1>, vector<256x512xi32>
    %slice3A_1090 = vector.extract_strided_slice %select_n3A_1088 {offsets = [0, 0], sizes = [128, 512], strides = [1, 1]} : vector<256x512xf32> to vector<128x512xf32>
    %slice3A_1091 = vector.extract_strided_slice %select_n3A_1088 {offsets = [128, 0], sizes = [128, 512], strides = [1, 1]} : vector<256x512xf32> to vector<128x512xf32>
    %slice3A_1092 = vector.extract_strided_slice %select_n3A_1089 {offsets = [0, 0], sizes = [128, 512], strides = [1, 1]} : vector<256x512xi32> to vector<128x512xi32>
    %slice3A_1093 = vector.extract_strided_slice %select_n3A_1089 {offsets = [128, 0], sizes = [128, 512], strides = [1, 1]} : vector<256x512xi32> to vector<128x512xi32>
    %lt3A_1094 = arith.cmpf olt, %slice3A_1091, %slice3A_1090 : vector<128x512xf32>
    %select_n3A_1095 = arith.select %lt3A_1094, %slice3A_1091, %slice3A_1090 : vector<128x512xi1>, vector<128x512xf32>
    %select_n3A_1096 = arith.select %lt3A_1094, %slice3A_1093, %slice3A_1092 : vector<128x512xi1>, vector<128x512xi32>
    %slice3A_1097 = vector.extract_strided_slice %select_n3A_1095 {offsets = [0, 0], sizes = [64, 512], strides = [1, 1]} : vector<128x512xf32> to vector<64x512xf32>
    %slice3A_1098 = vector.extract_strided_slice %select_n3A_1095 {offsets = [64, 0], sizes = [64, 512], strides = [1, 1]} : vector<128x512xf32> to vector<64x512xf32>
    %slice3A_1099 = vector.extract_strided_slice %select_n3A_1096 {offsets = [0, 0], sizes = [64, 512], strides = [1, 1]} : vector<128x512xi32> to vector<64x512xi32>
    %slice3A_1100 = vector.extract_strided_slice %select_n3A_1096 {offsets = [64, 0], sizes = [64, 512], strides = [1, 1]} : vector<128x512xi32> to vector<64x512xi32>
    %lt3A_1101 = arith.cmpf olt, %slice3A_1098, %slice3A_1097 : vector<64x512xf32>
    %select_n3A_1102 = arith.select %lt3A_1101, %slice3A_1098, %slice3A_1097 : vector<64x512xi1>, vector<64x512xf32>
    %select_n3A_1103 = arith.select %lt3A_1101, %slice3A_1100, %slice3A_1099 : vector<64x512xi1>, vector<64x512xi32>
    %slice3A_1104 = vector.extract_strided_slice %select_n3A_1102 {offsets = [0, 0], sizes = [32, 512], strides = [1, 1]} : vector<64x512xf32> to vector<32x512xf32>
    %slice3A_1105 = vector.extract_strided_slice %select_n3A_1102 {offsets = [32, 0], sizes = [32, 512], strides = [1, 1]} : vector<64x512xf32> to vector<32x512xf32>
    %slice3A_1106 = vector.extract_strided_slice %select_n3A_1103 {offsets = [0, 0], sizes = [32, 512], strides = [1, 1]} : vector<64x512xi32> to vector<32x512xi32>
    %slice3A_1107 = vector.extract_strided_slice %select_n3A_1103 {offsets = [32, 0], sizes = [32, 512], strides = [1, 1]} : vector<64x512xi32> to vector<32x512xi32>
    %lt3A_1108 = arith.cmpf olt, %slice3A_1105, %slice3A_1104 : vector<32x512xf32>
    %select_n3A_1109 = arith.select %lt3A_1108, %slice3A_1105, %slice3A_1104 : vector<32x512xi1>, vector<32x512xf32>
    %select_n3A_1110 = arith.select %lt3A_1108, %slice3A_1107, %slice3A_1106 : vector<32x512xi1>, vector<32x512xi32>
    %slice3A_1111 = vector.extract_strided_slice %select_n3A_1109 {offsets = [0, 0], sizes = [16, 512], strides = [1, 1]} : vector<32x512xf32> to vector<16x512xf32>
    %slice3A_1112 = vector.extract_strided_slice %select_n3A_1109 {offsets = [16, 0], sizes = [16, 512], strides = [1, 1]} : vector<32x512xf32> to vector<16x512xf32>
    %slice3A_1113 = vector.extract_strided_slice %select_n3A_1110 {offsets = [0, 0], sizes = [16, 512], strides = [1, 1]} : vector<32x512xi32> to vector<16x512xi32>
    %slice3A_1114 = vector.extract_strided_slice %select_n3A_1110 {offsets = [16, 0], sizes = [16, 512], strides = [1, 1]} : vector<32x512xi32> to vector<16x512xi32>
    %lt3A_1115 = arith.cmpf olt, %slice3A_1112, %slice3A_1111 : vector<16x512xf32>
    %select_n3A_1116 = arith.select %lt3A_1115, %slice3A_1112, %slice3A_1111 : vector<16x512xi1>, vector<16x512xf32>
    %select_n3A_1117 = arith.select %lt3A_1115, %slice3A_1114, %slice3A_1113 : vector<16x512xi1>, vector<16x512xi32>
    %slice3A_1118 = vector.extract_strided_slice %select_n3A_1116 {offsets = [0, 0], sizes = [8, 512], strides = [1, 1]} : vector<16x512xf32> to vector<8x512xf32>
    %slice3A_1119 = vector.extract_strided_slice %select_n3A_1116 {offsets = [8, 0], sizes = [8, 512], strides = [1, 1]} : vector<16x512xf32> to vector<8x512xf32>
    %slice3A_1120 = vector.extract_strided_slice %select_n3A_1117 {offsets = [0, 0], sizes = [8, 512], strides = [1, 1]} : vector<16x512xi32> to vector<8x512xi32>
    %slice3A_1121 = vector.extract_strided_slice %select_n3A_1117 {offsets = [8, 0], sizes = [8, 512], strides = [1, 1]} : vector<16x512xi32> to vector<8x512xi32>
    %lt3A_1122 = arith.cmpf olt, %slice3A_1119, %slice3A_1118 : vector<8x512xf32>
    %select_n3A_1123 = arith.select %lt3A_1122, %slice3A_1119, %slice3A_1118 : vector<8x512xi1>, vector<8x512xf32>
    %select_n3A_1124 = arith.select %lt3A_1122, %slice3A_1121, %slice3A_1120 : vector<8x512xi1>, vector<8x512xi32>
    %slice3A_1125 = vector.extract_strided_slice %select_n3A_1123 {offsets = [0, 0], sizes = [4, 512], strides = [1, 1]} : vector<8x512xf32> to vector<4x512xf32>
    %slice3A_1126 = vector.extract_strided_slice %select_n3A_1123 {offsets = [4, 0], sizes = [4, 512], strides = [1, 1]} : vector<8x512xf32> to vector<4x512xf32>
    %slice3A_1127 = vector.extract_strided_slice %select_n3A_1124 {offsets = [0, 0], sizes = [4, 512], strides = [1, 1]} : vector<8x512xi32> to vector<4x512xi32>
    %slice3A_1128 = vector.extract_strided_slice %select_n3A_1124 {offsets = [4, 0], sizes = [4, 512], strides = [1, 1]} : vector<8x512xi32> to vector<4x512xi32>
    %lt3A_1129 = arith.cmpf olt, %slice3A_1126, %slice3A_1125 : vector<4x512xf32>
    %select_n3A_1130 = arith.select %lt3A_1129, %slice3A_1126, %slice3A_1125 : vector<4x512xi1>, vector<4x512xf32>
    %select_n3A_1131 = arith.select %lt3A_1129, %slice3A_1128, %slice3A_1127 : vector<4x512xi1>, vector<4x512xi32>
    %slice3A_1132 = vector.extract_strided_slice %select_n3A_1130 {offsets = [0, 0], sizes = [2, 512], strides = [1, 1]} : vector<4x512xf32> to vector<2x512xf32>
    %slice3A_1133 = vector.extract_strided_slice %select_n3A_1130 {offsets = [2, 0], sizes = [2, 512], strides = [1, 1]} : vector<4x512xf32> to vector<2x512xf32>
    %slice3A_1134 = vector.extract_strided_slice %select_n3A_1131 {offsets = [0, 0], sizes = [2, 512], strides = [1, 1]} : vector<4x512xi32> to vector<2x512xi32>
    %slice3A_1135 = vector.extract_strided_slice %select_n3A_1131 {offsets = [2, 0], sizes = [2, 512], strides = [1, 1]} : vector<4x512xi32> to vector<2x512xi32>
    %lt3A_1136 = arith.cmpf olt, %slice3A_1133, %slice3A_1132 : vector<2x512xf32>
    %select_n3A_1137 = arith.select %lt3A_1136, %slice3A_1133, %slice3A_1132 : vector<2x512xi1>, vector<2x512xf32>
    %select_n3A_1138 = arith.select %lt3A_1136, %slice3A_1135, %slice3A_1134 : vector<2x512xi1>, vector<2x512xi32>
    %slice3A_1139 = vector.extract_strided_slice %select_n3A_1137 {offsets = [0, 0], sizes = [1, 512], strides = [1, 1]} : vector<2x512xf32> to vector<1x512xf32>
    %slice3A_1140 = vector.extract_strided_slice %select_n3A_1137 {offsets = [1, 0], sizes = [1, 512], strides = [1, 1]} : vector<2x512xf32> to vector<1x512xf32>
    %slice3A_1141 = vector.extract_strided_slice %select_n3A_1138 {offsets = [0, 0], sizes = [1, 512], strides = [1, 1]} : vector<2x512xi32> to vector<1x512xi32>
    %slice3A_1142 = vector.extract_strided_slice %select_n3A_1138 {offsets = [1, 0], sizes = [1, 512], strides = [1, 1]} : vector<2x512xi32> to vector<1x512xi32>
    %lt3A_1143 = arith.cmpf olt, %slice3A_1140, %slice3A_1139 : vector<1x512xf32>
    %select_n3A_1144 = arith.select %lt3A_1143, %slice3A_1140, %slice3A_1139 : vector<1x512xi1>, vector<1x512xf32>
    %select_n3A_1145 = arith.select %lt3A_1143, %slice3A_1142, %slice3A_1141 : vector<1x512xi1>, vector<1x512xi32>
    %lt3A_1146 = arith.cmpf olt, %select_n3A_1144, %select_n3A_1059 : vector<1x512xf32>
    %select_n3A_1147 = arith.select %lt3A_1146, %select_n3A_1144, %select_n3A_1059 : vector<1x512xi1>, vector<1x512xf32>
    %select_n3A_1148 = arith.select %lt3A_1146, %select_n3A_1145, %select_n3A_1060 : vector<1x512xi1>, vector<1x512xi32>
    %get3A_1149 = arith.constant 6656 : index
    %get3A_1150 = arith.constant 0 : index
    %get3A_1151 = vector.load %arg6[%get3A_1149, %get3A_1150] : memref<8192x256xbf16, #tpu.memory_space<vmem>>, vector<512x256xbf16>
    %get3A_1152 = arith.constant 6656 : index
    %get3A_1153 = arith.constant 0 : index
    %get3A_1154 = vector.load %arg7[%get3A_1152, %get3A_1153] : memref<8192x1xf32, #tpu.memory_space<vmem>>, vector<512x1xf32>
    %dot_general3A_1155 = arith.constant dense<0.000000e+00> : vector<512x512xf32>
    %dot_general3A_1156 = tpu.matmul %get3A_1151, %convert_element_type3A, %dot_general3A_1155 {dimension_numbers = #tpu.dot_dimension_numbers<[1], [0], [0], [1], [0, 0, 1, 1], [], []>, transpose_lhs_hint = false} : vector<512x256xbf16>, vector<256x512xbf16>, vector<512x512xf32> -> vector<512x512xf32>
    %add3A_1157 = vector.broadcast %broadcast_in_dim3A : vector<1x512xf32> to vector<512x512xf32>
    %add3A_1158 = arith.addf %add3A_1157, %dot_general3A_1156 : vector<512x512xf32>
    %add3A_1159 = vector.broadcast %get3A_1154 : vector<512x1xf32> to vector<512x512xf32>
    %add3A_1160 = arith.addf %add3A_1158, %add3A_1159 : vector<512x512xf32>
    %gt3A_1161 = arith.constant 0.000000e+00 : f32
    %gt3A_1162 = vector.broadcast %gt3A_1161 : f32 to vector<512x512xf32>
    %gt3A_1163 = arith.cmpf ogt, %add3A_1160, %gt3A_1162 : vector<512x512xf32>
    %jit3A_1164 = arith.constant 0.000000e+00 : f32
    %broadcast_in_dim3A_1165 = vector.broadcast %jit3A_1164 : f32 to vector<512x512xf32>
    %select_n3A_1166 = arith.select %gt3A_1163, %add3A_1160, %broadcast_in_dim3A_1165 : vector<512x512xi1>, vector<512x512xf32>
    %sqrt3A_1167 = math.sqrt %select_n3A_1166 : vector<512x512xf32>
    %add3A_1168 = arith.constant 6656 : i32
    %add3A_1169 = vector.broadcast %add3A_1168 : i32 to vector<512x512xi32>
    %add3A_1170 = arith.addi %iota3A, %add3A_1169 : vector<512x512xi32>
    %slice3A_1171 = vector.extract_strided_slice %sqrt3A_1167 {offsets = [0, 0], sizes = [256, 512], strides = [1, 1]} : vector<512x512xf32> to vector<256x512xf32>
    %slice3A_1172 = vector.extract_strided_slice %sqrt3A_1167 {offsets = [256, 0], sizes = [256, 512], strides = [1, 1]} : vector<512x512xf32> to vector<256x512xf32>
    %slice3A_1173 = vector.extract_strided_slice %add3A_1170 {offsets = [0, 0], sizes = [256, 512], strides = [1, 1]} : vector<512x512xi32> to vector<256x512xi32>
    %slice3A_1174 = vector.extract_strided_slice %add3A_1170 {offsets = [256, 0], sizes = [256, 512], strides = [1, 1]} : vector<512x512xi32> to vector<256x512xi32>
    %lt3A_1175 = arith.cmpf olt, %slice3A_1172, %slice3A_1171 : vector<256x512xf32>
    %select_n3A_1176 = arith.select %lt3A_1175, %slice3A_1172, %slice3A_1171 : vector<256x512xi1>, vector<256x512xf32>
    %select_n3A_1177 = arith.select %lt3A_1175, %slice3A_1174, %slice3A_1173 : vector<256x512xi1>, vector<256x512xi32>
    %slice3A_1178 = vector.extract_strided_slice %select_n3A_1176 {offsets = [0, 0], sizes = [128, 512], strides = [1, 1]} : vector<256x512xf32> to vector<128x512xf32>
    %slice3A_1179 = vector.extract_strided_slice %select_n3A_1176 {offsets = [128, 0], sizes = [128, 512], strides = [1, 1]} : vector<256x512xf32> to vector<128x512xf32>
    %slice3A_1180 = vector.extract_strided_slice %select_n3A_1177 {offsets = [0, 0], sizes = [128, 512], strides = [1, 1]} : vector<256x512xi32> to vector<128x512xi32>
    %slice3A_1181 = vector.extract_strided_slice %select_n3A_1177 {offsets = [128, 0], sizes = [128, 512], strides = [1, 1]} : vector<256x512xi32> to vector<128x512xi32>
    %lt3A_1182 = arith.cmpf olt, %slice3A_1179, %slice3A_1178 : vector<128x512xf32>
    %select_n3A_1183 = arith.select %lt3A_1182, %slice3A_1179, %slice3A_1178 : vector<128x512xi1>, vector<128x512xf32>
    %select_n3A_1184 = arith.select %lt3A_1182, %slice3A_1181, %slice3A_1180 : vector<128x512xi1>, vector<128x512xi32>
    %slice3A_1185 = vector.extract_strided_slice %select_n3A_1183 {offsets = [0, 0], sizes = [64, 512], strides = [1, 1]} : vector<128x512xf32> to vector<64x512xf32>
    %slice3A_1186 = vector.extract_strided_slice %select_n3A_1183 {offsets = [64, 0], sizes = [64, 512], strides = [1, 1]} : vector<128x512xf32> to vector<64x512xf32>
    %slice3A_1187 = vector.extract_strided_slice %select_n3A_1184 {offsets = [0, 0], sizes = [64, 512], strides = [1, 1]} : vector<128x512xi32> to vector<64x512xi32>
    %slice3A_1188 = vector.extract_strided_slice %select_n3A_1184 {offsets = [64, 0], sizes = [64, 512], strides = [1, 1]} : vector<128x512xi32> to vector<64x512xi32>
    %lt3A_1189 = arith.cmpf olt, %slice3A_1186, %slice3A_1185 : vector<64x512xf32>
    %select_n3A_1190 = arith.select %lt3A_1189, %slice3A_1186, %slice3A_1185 : vector<64x512xi1>, vector<64x512xf32>
    %select_n3A_1191 = arith.select %lt3A_1189, %slice3A_1188, %slice3A_1187 : vector<64x512xi1>, vector<64x512xi32>
    %slice3A_1192 = vector.extract_strided_slice %select_n3A_1190 {offsets = [0, 0], sizes = [32, 512], strides = [1, 1]} : vector<64x512xf32> to vector<32x512xf32>
    %slice3A_1193 = vector.extract_strided_slice %select_n3A_1190 {offsets = [32, 0], sizes = [32, 512], strides = [1, 1]} : vector<64x512xf32> to vector<32x512xf32>
    %slice3A_1194 = vector.extract_strided_slice %select_n3A_1191 {offsets = [0, 0], sizes = [32, 512], strides = [1, 1]} : vector<64x512xi32> to vector<32x512xi32>
    %slice3A_1195 = vector.extract_strided_slice %select_n3A_1191 {offsets = [32, 0], sizes = [32, 512], strides = [1, 1]} : vector<64x512xi32> to vector<32x512xi32>
    %lt3A_1196 = arith.cmpf olt, %slice3A_1193, %slice3A_1192 : vector<32x512xf32>
    %select_n3A_1197 = arith.select %lt3A_1196, %slice3A_1193, %slice3A_1192 : vector<32x512xi1>, vector<32x512xf32>
    %select_n3A_1198 = arith.select %lt3A_1196, %slice3A_1195, %slice3A_1194 : vector<32x512xi1>, vector<32x512xi32>
    %slice3A_1199 = vector.extract_strided_slice %select_n3A_1197 {offsets = [0, 0], sizes = [16, 512], strides = [1, 1]} : vector<32x512xf32> to vector<16x512xf32>
    %slice3A_1200 = vector.extract_strided_slice %select_n3A_1197 {offsets = [16, 0], sizes = [16, 512], strides = [1, 1]} : vector<32x512xf32> to vector<16x512xf32>
    %slice3A_1201 = vector.extract_strided_slice %select_n3A_1198 {offsets = [0, 0], sizes = [16, 512], strides = [1, 1]} : vector<32x512xi32> to vector<16x512xi32>
    %slice3A_1202 = vector.extract_strided_slice %select_n3A_1198 {offsets = [16, 0], sizes = [16, 512], strides = [1, 1]} : vector<32x512xi32> to vector<16x512xi32>
    %lt3A_1203 = arith.cmpf olt, %slice3A_1200, %slice3A_1199 : vector<16x512xf32>
    %select_n3A_1204 = arith.select %lt3A_1203, %slice3A_1200, %slice3A_1199 : vector<16x512xi1>, vector<16x512xf32>
    %select_n3A_1205 = arith.select %lt3A_1203, %slice3A_1202, %slice3A_1201 : vector<16x512xi1>, vector<16x512xi32>
    %slice3A_1206 = vector.extract_strided_slice %select_n3A_1204 {offsets = [0, 0], sizes = [8, 512], strides = [1, 1]} : vector<16x512xf32> to vector<8x512xf32>
    %slice3A_1207 = vector.extract_strided_slice %select_n3A_1204 {offsets = [8, 0], sizes = [8, 512], strides = [1, 1]} : vector<16x512xf32> to vector<8x512xf32>
    %slice3A_1208 = vector.extract_strided_slice %select_n3A_1205 {offsets = [0, 0], sizes = [8, 512], strides = [1, 1]} : vector<16x512xi32> to vector<8x512xi32>
    %slice3A_1209 = vector.extract_strided_slice %select_n3A_1205 {offsets = [8, 0], sizes = [8, 512], strides = [1, 1]} : vector<16x512xi32> to vector<8x512xi32>
    %lt3A_1210 = arith.cmpf olt, %slice3A_1207, %slice3A_1206 : vector<8x512xf32>
    %select_n3A_1211 = arith.select %lt3A_1210, %slice3A_1207, %slice3A_1206 : vector<8x512xi1>, vector<8x512xf32>
    %select_n3A_1212 = arith.select %lt3A_1210, %slice3A_1209, %slice3A_1208 : vector<8x512xi1>, vector<8x512xi32>
    %slice3A_1213 = vector.extract_strided_slice %select_n3A_1211 {offsets = [0, 0], sizes = [4, 512], strides = [1, 1]} : vector<8x512xf32> to vector<4x512xf32>
    %slice3A_1214 = vector.extract_strided_slice %select_n3A_1211 {offsets = [4, 0], sizes = [4, 512], strides = [1, 1]} : vector<8x512xf32> to vector<4x512xf32>
    %slice3A_1215 = vector.extract_strided_slice %select_n3A_1212 {offsets = [0, 0], sizes = [4, 512], strides = [1, 1]} : vector<8x512xi32> to vector<4x512xi32>
    %slice3A_1216 = vector.extract_strided_slice %select_n3A_1212 {offsets = [4, 0], sizes = [4, 512], strides = [1, 1]} : vector<8x512xi32> to vector<4x512xi32>
    %lt3A_1217 = arith.cmpf olt, %slice3A_1214, %slice3A_1213 : vector<4x512xf32>
    %select_n3A_1218 = arith.select %lt3A_1217, %slice3A_1214, %slice3A_1213 : vector<4x512xi1>, vector<4x512xf32>
    %select_n3A_1219 = arith.select %lt3A_1217, %slice3A_1216, %slice3A_1215 : vector<4x512xi1>, vector<4x512xi32>
    %slice3A_1220 = vector.extract_strided_slice %select_n3A_1218 {offsets = [0, 0], sizes = [2, 512], strides = [1, 1]} : vector<4x512xf32> to vector<2x512xf32>
    %slice3A_1221 = vector.extract_strided_slice %select_n3A_1218 {offsets = [2, 0], sizes = [2, 512], strides = [1, 1]} : vector<4x512xf32> to vector<2x512xf32>
    %slice3A_1222 = vector.extract_strided_slice %select_n3A_1219 {offsets = [0, 0], sizes = [2, 512], strides = [1, 1]} : vector<4x512xi32> to vector<2x512xi32>
    %slice3A_1223 = vector.extract_strided_slice %select_n3A_1219 {offsets = [2, 0], sizes = [2, 512], strides = [1, 1]} : vector<4x512xi32> to vector<2x512xi32>
    %lt3A_1224 = arith.cmpf olt, %slice3A_1221, %slice3A_1220 : vector<2x512xf32>
    %select_n3A_1225 = arith.select %lt3A_1224, %slice3A_1221, %slice3A_1220 : vector<2x512xi1>, vector<2x512xf32>
    %select_n3A_1226 = arith.select %lt3A_1224, %slice3A_1223, %slice3A_1222 : vector<2x512xi1>, vector<2x512xi32>
    %slice3A_1227 = vector.extract_strided_slice %select_n3A_1225 {offsets = [0, 0], sizes = [1, 512], strides = [1, 1]} : vector<2x512xf32> to vector<1x512xf32>
    %slice3A_1228 = vector.extract_strided_slice %select_n3A_1225 {offsets = [1, 0], sizes = [1, 512], strides = [1, 1]} : vector<2x512xf32> to vector<1x512xf32>
    %slice3A_1229 = vector.extract_strided_slice %select_n3A_1226 {offsets = [0, 0], sizes = [1, 512], strides = [1, 1]} : vector<2x512xi32> to vector<1x512xi32>
    %slice3A_1230 = vector.extract_strided_slice %select_n3A_1226 {offsets = [1, 0], sizes = [1, 512], strides = [1, 1]} : vector<2x512xi32> to vector<1x512xi32>
    %lt3A_1231 = arith.cmpf olt, %slice3A_1228, %slice3A_1227 : vector<1x512xf32>
    %select_n3A_1232 = arith.select %lt3A_1231, %slice3A_1228, %slice3A_1227 : vector<1x512xi1>, vector<1x512xf32>
    %select_n3A_1233 = arith.select %lt3A_1231, %slice3A_1230, %slice3A_1229 : vector<1x512xi1>, vector<1x512xi32>
    %lt3A_1234 = arith.cmpf olt, %select_n3A_1232, %select_n3A_1147 : vector<1x512xf32>
    %select_n3A_1235 = arith.select %lt3A_1234, %select_n3A_1232, %select_n3A_1147 : vector<1x512xi1>, vector<1x512xf32>
    %select_n3A_1236 = arith.select %lt3A_1234, %select_n3A_1233, %select_n3A_1148 : vector<1x512xi1>, vector<1x512xi32>
    %get3A_1237 = arith.constant 7168 : index
    %get3A_1238 = arith.constant 0 : index
    %get3A_1239 = vector.load %arg6[%get3A_1237, %get3A_1238] : memref<8192x256xbf16, #tpu.memory_space<vmem>>, vector<512x256xbf16>
    %get3A_1240 = arith.constant 7168 : index
    %get3A_1241 = arith.constant 0 : index
    %get3A_1242 = vector.load %arg7[%get3A_1240, %get3A_1241] : memref<8192x1xf32, #tpu.memory_space<vmem>>, vector<512x1xf32>
    %dot_general3A_1243 = arith.constant dense<0.000000e+00> : vector<512x512xf32>
    %dot_general3A_1244 = tpu.matmul %get3A_1239, %convert_element_type3A, %dot_general3A_1243 {dimension_numbers = #tpu.dot_dimension_numbers<[1], [0], [0], [1], [0, 0, 1, 1], [], []>, transpose_lhs_hint = false} : vector<512x256xbf16>, vector<256x512xbf16>, vector<512x512xf32> -> vector<512x512xf32>
    %add3A_1245 = vector.broadcast %broadcast_in_dim3A : vector<1x512xf32> to vector<512x512xf32>
    %add3A_1246 = arith.addf %add3A_1245, %dot_general3A_1244 : vector<512x512xf32>
    %add3A_1247 = vector.broadcast %get3A_1242 : vector<512x1xf32> to vector<512x512xf32>
    %add3A_1248 = arith.addf %add3A_1246, %add3A_1247 : vector<512x512xf32>
    %gt3A_1249 = arith.constant 0.000000e+00 : f32
    %gt3A_1250 = vector.broadcast %gt3A_1249 : f32 to vector<512x512xf32>
    %gt3A_1251 = arith.cmpf ogt, %add3A_1248, %gt3A_1250 : vector<512x512xf32>
    %jit3A_1252 = arith.constant 0.000000e+00 : f32
    %broadcast_in_dim3A_1253 = vector.broadcast %jit3A_1252 : f32 to vector<512x512xf32>
    %select_n3A_1254 = arith.select %gt3A_1251, %add3A_1248, %broadcast_in_dim3A_1253 : vector<512x512xi1>, vector<512x512xf32>
    %sqrt3A_1255 = math.sqrt %select_n3A_1254 : vector<512x512xf32>
    %add3A_1256 = arith.constant 7168 : i32
    %add3A_1257 = vector.broadcast %add3A_1256 : i32 to vector<512x512xi32>
    %add3A_1258 = arith.addi %iota3A, %add3A_1257 : vector<512x512xi32>
    %slice3A_1259 = vector.extract_strided_slice %sqrt3A_1255 {offsets = [0, 0], sizes = [256, 512], strides = [1, 1]} : vector<512x512xf32> to vector<256x512xf32>
    %slice3A_1260 = vector.extract_strided_slice %sqrt3A_1255 {offsets = [256, 0], sizes = [256, 512], strides = [1, 1]} : vector<512x512xf32> to vector<256x512xf32>
    %slice3A_1261 = vector.extract_strided_slice %add3A_1258 {offsets = [0, 0], sizes = [256, 512], strides = [1, 1]} : vector<512x512xi32> to vector<256x512xi32>
    %slice3A_1262 = vector.extract_strided_slice %add3A_1258 {offsets = [256, 0], sizes = [256, 512], strides = [1, 1]} : vector<512x512xi32> to vector<256x512xi32>
    %lt3A_1263 = arith.cmpf olt, %slice3A_1260, %slice3A_1259 : vector<256x512xf32>
    %select_n3A_1264 = arith.select %lt3A_1263, %slice3A_1260, %slice3A_1259 : vector<256x512xi1>, vector<256x512xf32>
    %select_n3A_1265 = arith.select %lt3A_1263, %slice3A_1262, %slice3A_1261 : vector<256x512xi1>, vector<256x512xi32>
    %slice3A_1266 = vector.extract_strided_slice %select_n3A_1264 {offsets = [0, 0], sizes = [128, 512], strides = [1, 1]} : vector<256x512xf32> to vector<128x512xf32>
    %slice3A_1267 = vector.extract_strided_slice %select_n3A_1264 {offsets = [128, 0], sizes = [128, 512], strides = [1, 1]} : vector<256x512xf32> to vector<128x512xf32>
    %slice3A_1268 = vector.extract_strided_slice %select_n3A_1265 {offsets = [0, 0], sizes = [128, 512], strides = [1, 1]} : vector<256x512xi32> to vector<128x512xi32>
    %slice3A_1269 = vector.extract_strided_slice %select_n3A_1265 {offsets = [128, 0], sizes = [128, 512], strides = [1, 1]} : vector<256x512xi32> to vector<128x512xi32>
    %lt3A_1270 = arith.cmpf olt, %slice3A_1267, %slice3A_1266 : vector<128x512xf32>
    %select_n3A_1271 = arith.select %lt3A_1270, %slice3A_1267, %slice3A_1266 : vector<128x512xi1>, vector<128x512xf32>
    %select_n3A_1272 = arith.select %lt3A_1270, %slice3A_1269, %slice3A_1268 : vector<128x512xi1>, vector<128x512xi32>
    %slice3A_1273 = vector.extract_strided_slice %select_n3A_1271 {offsets = [0, 0], sizes = [64, 512], strides = [1, 1]} : vector<128x512xf32> to vector<64x512xf32>
    %slice3A_1274 = vector.extract_strided_slice %select_n3A_1271 {offsets = [64, 0], sizes = [64, 512], strides = [1, 1]} : vector<128x512xf32> to vector<64x512xf32>
    %slice3A_1275 = vector.extract_strided_slice %select_n3A_1272 {offsets = [0, 0], sizes = [64, 512], strides = [1, 1]} : vector<128x512xi32> to vector<64x512xi32>
    %slice3A_1276 = vector.extract_strided_slice %select_n3A_1272 {offsets = [64, 0], sizes = [64, 512], strides = [1, 1]} : vector<128x512xi32> to vector<64x512xi32>
    %lt3A_1277 = arith.cmpf olt, %slice3A_1274, %slice3A_1273 : vector<64x512xf32>
    %select_n3A_1278 = arith.select %lt3A_1277, %slice3A_1274, %slice3A_1273 : vector<64x512xi1>, vector<64x512xf32>
    %select_n3A_1279 = arith.select %lt3A_1277, %slice3A_1276, %slice3A_1275 : vector<64x512xi1>, vector<64x512xi32>
    %slice3A_1280 = vector.extract_strided_slice %select_n3A_1278 {offsets = [0, 0], sizes = [32, 512], strides = [1, 1]} : vector<64x512xf32> to vector<32x512xf32>
    %slice3A_1281 = vector.extract_strided_slice %select_n3A_1278 {offsets = [32, 0], sizes = [32, 512], strides = [1, 1]} : vector<64x512xf32> to vector<32x512xf32>
    %slice3A_1282 = vector.extract_strided_slice %select_n3A_1279 {offsets = [0, 0], sizes = [32, 512], strides = [1, 1]} : vector<64x512xi32> to vector<32x512xi32>
    %slice3A_1283 = vector.extract_strided_slice %select_n3A_1279 {offsets = [32, 0], sizes = [32, 512], strides = [1, 1]} : vector<64x512xi32> to vector<32x512xi32>
    %lt3A_1284 = arith.cmpf olt, %slice3A_1281, %slice3A_1280 : vector<32x512xf32>
    %select_n3A_1285 = arith.select %lt3A_1284, %slice3A_1281, %slice3A_1280 : vector<32x512xi1>, vector<32x512xf32>
    %select_n3A_1286 = arith.select %lt3A_1284, %slice3A_1283, %slice3A_1282 : vector<32x512xi1>, vector<32x512xi32>
    %slice3A_1287 = vector.extract_strided_slice %select_n3A_1285 {offsets = [0, 0], sizes = [16, 512], strides = [1, 1]} : vector<32x512xf32> to vector<16x512xf32>
    %slice3A_1288 = vector.extract_strided_slice %select_n3A_1285 {offsets = [16, 0], sizes = [16, 512], strides = [1, 1]} : vector<32x512xf32> to vector<16x512xf32>
    %slice3A_1289 = vector.extract_strided_slice %select_n3A_1286 {offsets = [0, 0], sizes = [16, 512], strides = [1, 1]} : vector<32x512xi32> to vector<16x512xi32>
    %slice3A_1290 = vector.extract_strided_slice %select_n3A_1286 {offsets = [16, 0], sizes = [16, 512], strides = [1, 1]} : vector<32x512xi32> to vector<16x512xi32>
    %lt3A_1291 = arith.cmpf olt, %slice3A_1288, %slice3A_1287 : vector<16x512xf32>
    %select_n3A_1292 = arith.select %lt3A_1291, %slice3A_1288, %slice3A_1287 : vector<16x512xi1>, vector<16x512xf32>
    %select_n3A_1293 = arith.select %lt3A_1291, %slice3A_1290, %slice3A_1289 : vector<16x512xi1>, vector<16x512xi32>
    %slice3A_1294 = vector.extract_strided_slice %select_n3A_1292 {offsets = [0, 0], sizes = [8, 512], strides = [1, 1]} : vector<16x512xf32> to vector<8x512xf32>
    %slice3A_1295 = vector.extract_strided_slice %select_n3A_1292 {offsets = [8, 0], sizes = [8, 512], strides = [1, 1]} : vector<16x512xf32> to vector<8x512xf32>
    %slice3A_1296 = vector.extract_strided_slice %select_n3A_1293 {offsets = [0, 0], sizes = [8, 512], strides = [1, 1]} : vector<16x512xi32> to vector<8x512xi32>
    %slice3A_1297 = vector.extract_strided_slice %select_n3A_1293 {offsets = [8, 0], sizes = [8, 512], strides = [1, 1]} : vector<16x512xi32> to vector<8x512xi32>
    %lt3A_1298 = arith.cmpf olt, %slice3A_1295, %slice3A_1294 : vector<8x512xf32>
    %select_n3A_1299 = arith.select %lt3A_1298, %slice3A_1295, %slice3A_1294 : vector<8x512xi1>, vector<8x512xf32>
    %select_n3A_1300 = arith.select %lt3A_1298, %slice3A_1297, %slice3A_1296 : vector<8x512xi1>, vector<8x512xi32>
    %slice3A_1301 = vector.extract_strided_slice %select_n3A_1299 {offsets = [0, 0], sizes = [4, 512], strides = [1, 1]} : vector<8x512xf32> to vector<4x512xf32>
    %slice3A_1302 = vector.extract_strided_slice %select_n3A_1299 {offsets = [4, 0], sizes = [4, 512], strides = [1, 1]} : vector<8x512xf32> to vector<4x512xf32>
    %slice3A_1303 = vector.extract_strided_slice %select_n3A_1300 {offsets = [0, 0], sizes = [4, 512], strides = [1, 1]} : vector<8x512xi32> to vector<4x512xi32>
    %slice3A_1304 = vector.extract_strided_slice %select_n3A_1300 {offsets = [4, 0], sizes = [4, 512], strides = [1, 1]} : vector<8x512xi32> to vector<4x512xi32>
    %lt3A_1305 = arith.cmpf olt, %slice3A_1302, %slice3A_1301 : vector<4x512xf32>
    %select_n3A_1306 = arith.select %lt3A_1305, %slice3A_1302, %slice3A_1301 : vector<4x512xi1>, vector<4x512xf32>
    %select_n3A_1307 = arith.select %lt3A_1305, %slice3A_1304, %slice3A_1303 : vector<4x512xi1>, vector<4x512xi32>
    %slice3A_1308 = vector.extract_strided_slice %select_n3A_1306 {offsets = [0, 0], sizes = [2, 512], strides = [1, 1]} : vector<4x512xf32> to vector<2x512xf32>
    %slice3A_1309 = vector.extract_strided_slice %select_n3A_1306 {offsets = [2, 0], sizes = [2, 512], strides = [1, 1]} : vector<4x512xf32> to vector<2x512xf32>
    %slice3A_1310 = vector.extract_strided_slice %select_n3A_1307 {offsets = [0, 0], sizes = [2, 512], strides = [1, 1]} : vector<4x512xi32> to vector<2x512xi32>
    %slice3A_1311 = vector.extract_strided_slice %select_n3A_1307 {offsets = [2, 0], sizes = [2, 512], strides = [1, 1]} : vector<4x512xi32> to vector<2x512xi32>
    %lt3A_1312 = arith.cmpf olt, %slice3A_1309, %slice3A_1308 : vector<2x512xf32>
    %select_n3A_1313 = arith.select %lt3A_1312, %slice3A_1309, %slice3A_1308 : vector<2x512xi1>, vector<2x512xf32>
    %select_n3A_1314 = arith.select %lt3A_1312, %slice3A_1311, %slice3A_1310 : vector<2x512xi1>, vector<2x512xi32>
    %slice3A_1315 = vector.extract_strided_slice %select_n3A_1313 {offsets = [0, 0], sizes = [1, 512], strides = [1, 1]} : vector<2x512xf32> to vector<1x512xf32>
    %slice3A_1316 = vector.extract_strided_slice %select_n3A_1313 {offsets = [1, 0], sizes = [1, 512], strides = [1, 1]} : vector<2x512xf32> to vector<1x512xf32>
    %slice3A_1317 = vector.extract_strided_slice %select_n3A_1314 {offsets = [0, 0], sizes = [1, 512], strides = [1, 1]} : vector<2x512xi32> to vector<1x512xi32>
    %slice3A_1318 = vector.extract_strided_slice %select_n3A_1314 {offsets = [1, 0], sizes = [1, 512], strides = [1, 1]} : vector<2x512xi32> to vector<1x512xi32>
    %lt3A_1319 = arith.cmpf olt, %slice3A_1316, %slice3A_1315 : vector<1x512xf32>
    %select_n3A_1320 = arith.select %lt3A_1319, %slice3A_1316, %slice3A_1315 : vector<1x512xi1>, vector<1x512xf32>
    %select_n3A_1321 = arith.select %lt3A_1319, %slice3A_1318, %slice3A_1317 : vector<1x512xi1>, vector<1x512xi32>
    %lt3A_1322 = arith.cmpf olt, %select_n3A_1320, %select_n3A_1235 : vector<1x512xf32>
    %select_n3A_1323 = arith.select %lt3A_1322, %select_n3A_1320, %select_n3A_1235 : vector<1x512xi1>, vector<1x512xf32>
    %select_n3A_1324 = arith.select %lt3A_1322, %select_n3A_1321, %select_n3A_1236 : vector<1x512xi1>, vector<1x512xi32>
    %get3A_1325 = arith.constant 7680 : index
    %get3A_1326 = arith.constant 0 : index
    %get3A_1327 = vector.load %arg6[%get3A_1325, %get3A_1326] : memref<8192x256xbf16, #tpu.memory_space<vmem>>, vector<512x256xbf16>
    %get3A_1328 = arith.constant 7680 : index
    %get3A_1329 = arith.constant 0 : index
    %get3A_1330 = vector.load %arg7[%get3A_1328, %get3A_1329] : memref<8192x1xf32, #tpu.memory_space<vmem>>, vector<512x1xf32>
    %dot_general3A_1331 = arith.constant dense<0.000000e+00> : vector<512x512xf32>
    %dot_general3A_1332 = tpu.matmul %get3A_1327, %convert_element_type3A, %dot_general3A_1331 {dimension_numbers = #tpu.dot_dimension_numbers<[1], [0], [0], [1], [0, 0, 1, 1], [], []>, transpose_lhs_hint = false} : vector<512x256xbf16>, vector<256x512xbf16>, vector<512x512xf32> -> vector<512x512xf32>
    %add3A_1333 = vector.broadcast %broadcast_in_dim3A : vector<1x512xf32> to vector<512x512xf32>
    %add3A_1334 = arith.addf %add3A_1333, %dot_general3A_1332 : vector<512x512xf32>
    %add3A_1335 = vector.broadcast %get3A_1330 : vector<512x1xf32> to vector<512x512xf32>
    %add3A_1336 = arith.addf %add3A_1334, %add3A_1335 : vector<512x512xf32>
    %gt3A_1337 = arith.constant 0.000000e+00 : f32
    %gt3A_1338 = vector.broadcast %gt3A_1337 : f32 to vector<512x512xf32>
    %gt3A_1339 = arith.cmpf ogt, %add3A_1336, %gt3A_1338 : vector<512x512xf32>
    %jit3A_1340 = arith.constant 0.000000e+00 : f32
    %broadcast_in_dim3A_1341 = vector.broadcast %jit3A_1340 : f32 to vector<512x512xf32>
    %select_n3A_1342 = arith.select %gt3A_1339, %add3A_1336, %broadcast_in_dim3A_1341 : vector<512x512xi1>, vector<512x512xf32>
    %sqrt3A_1343 = math.sqrt %select_n3A_1342 : vector<512x512xf32>
    %add3A_1344 = arith.constant 7680 : i32
    %add3A_1345 = vector.broadcast %add3A_1344 : i32 to vector<512x512xi32>
    %add3A_1346 = arith.addi %iota3A, %add3A_1345 : vector<512x512xi32>
    %slice3A_1347 = vector.extract_strided_slice %sqrt3A_1343 {offsets = [0, 0], sizes = [256, 512], strides = [1, 1]} : vector<512x512xf32> to vector<256x512xf32>
    %slice3A_1348 = vector.extract_strided_slice %sqrt3A_1343 {offsets = [256, 0], sizes = [256, 512], strides = [1, 1]} : vector<512x512xf32> to vector<256x512xf32>
    %slice3A_1349 = vector.extract_strided_slice %add3A_1346 {offsets = [0, 0], sizes = [256, 512], strides = [1, 1]} : vector<512x512xi32> to vector<256x512xi32>
    %slice3A_1350 = vector.extract_strided_slice %add3A_1346 {offsets = [256, 0], sizes = [256, 512], strides = [1, 1]} : vector<512x512xi32> to vector<256x512xi32>
    %lt3A_1351 = arith.cmpf olt, %slice3A_1348, %slice3A_1347 : vector<256x512xf32>
    %select_n3A_1352 = arith.select %lt3A_1351, %slice3A_1348, %slice3A_1347 : vector<256x512xi1>, vector<256x512xf32>
    %select_n3A_1353 = arith.select %lt3A_1351, %slice3A_1350, %slice3A_1349 : vector<256x512xi1>, vector<256x512xi32>
    %slice3A_1354 = vector.extract_strided_slice %select_n3A_1352 {offsets = [0, 0], sizes = [128, 512], strides = [1, 1]} : vector<256x512xf32> to vector<128x512xf32>
    %slice3A_1355 = vector.extract_strided_slice %select_n3A_1352 {offsets = [128, 0], sizes = [128, 512], strides = [1, 1]} : vector<256x512xf32> to vector<128x512xf32>
    %slice3A_1356 = vector.extract_strided_slice %select_n3A_1353 {offsets = [0, 0], sizes = [128, 512], strides = [1, 1]} : vector<256x512xi32> to vector<128x512xi32>
    %slice3A_1357 = vector.extract_strided_slice %select_n3A_1353 {offsets = [128, 0], sizes = [128, 512], strides = [1, 1]} : vector<256x512xi32> to vector<128x512xi32>
    %lt3A_1358 = arith.cmpf olt, %slice3A_1355, %slice3A_1354 : vector<128x512xf32>
    %select_n3A_1359 = arith.select %lt3A_1358, %slice3A_1355, %slice3A_1354 : vector<128x512xi1>, vector<128x512xf32>
    %select_n3A_1360 = arith.select %lt3A_1358, %slice3A_1357, %slice3A_1356 : vector<128x512xi1>, vector<128x512xi32>
    %slice3A_1361 = vector.extract_strided_slice %select_n3A_1359 {offsets = [0, 0], sizes = [64, 512], strides = [1, 1]} : vector<128x512xf32> to vector<64x512xf32>
    %slice3A_1362 = vector.extract_strided_slice %select_n3A_1359 {offsets = [64, 0], sizes = [64, 512], strides = [1, 1]} : vector<128x512xf32> to vector<64x512xf32>
    %slice3A_1363 = vector.extract_strided_slice %select_n3A_1360 {offsets = [0, 0], sizes = [64, 512], strides = [1, 1]} : vector<128x512xi32> to vector<64x512xi32>
    %slice3A_1364 = vector.extract_strided_slice %select_n3A_1360 {offsets = [64, 0], sizes = [64, 512], strides = [1, 1]} : vector<128x512xi32> to vector<64x512xi32>
    %lt3A_1365 = arith.cmpf olt, %slice3A_1362, %slice3A_1361 : vector<64x512xf32>
    %select_n3A_1366 = arith.select %lt3A_1365, %slice3A_1362, %slice3A_1361 : vector<64x512xi1>, vector<64x512xf32>
    %select_n3A_1367 = arith.select %lt3A_1365, %slice3A_1364, %slice3A_1363 : vector<64x512xi1>, vector<64x512xi32>
    %slice3A_1368 = vector.extract_strided_slice %select_n3A_1366 {offsets = [0, 0], sizes = [32, 512], strides = [1, 1]} : vector<64x512xf32> to vector<32x512xf32>
    %slice3A_1369 = vector.extract_strided_slice %select_n3A_1366 {offsets = [32, 0], sizes = [32, 512], strides = [1, 1]} : vector<64x512xf32> to vector<32x512xf32>
    %slice3A_1370 = vector.extract_strided_slice %select_n3A_1367 {offsets = [0, 0], sizes = [32, 512], strides = [1, 1]} : vector<64x512xi32> to vector<32x512xi32>
    %slice3A_1371 = vector.extract_strided_slice %select_n3A_1367 {offsets = [32, 0], sizes = [32, 512], strides = [1, 1]} : vector<64x512xi32> to vector<32x512xi32>
    %lt3A_1372 = arith.cmpf olt, %slice3A_1369, %slice3A_1368 : vector<32x512xf32>
    %select_n3A_1373 = arith.select %lt3A_1372, %slice3A_1369, %slice3A_1368 : vector<32x512xi1>, vector<32x512xf32>
    %select_n3A_1374 = arith.select %lt3A_1372, %slice3A_1371, %slice3A_1370 : vector<32x512xi1>, vector<32x512xi32>
    %slice3A_1375 = vector.extract_strided_slice %select_n3A_1373 {offsets = [0, 0], sizes = [16, 512], strides = [1, 1]} : vector<32x512xf32> to vector<16x512xf32>
    %slice3A_1376 = vector.extract_strided_slice %select_n3A_1373 {offsets = [16, 0], sizes = [16, 512], strides = [1, 1]} : vector<32x512xf32> to vector<16x512xf32>
    %slice3A_1377 = vector.extract_strided_slice %select_n3A_1374 {offsets = [0, 0], sizes = [16, 512], strides = [1, 1]} : vector<32x512xi32> to vector<16x512xi32>
    %slice3A_1378 = vector.extract_strided_slice %select_n3A_1374 {offsets = [16, 0], sizes = [16, 512], strides = [1, 1]} : vector<32x512xi32> to vector<16x512xi32>
    %lt3A_1379 = arith.cmpf olt, %slice3A_1376, %slice3A_1375 : vector<16x512xf32>
    %select_n3A_1380 = arith.select %lt3A_1379, %slice3A_1376, %slice3A_1375 : vector<16x512xi1>, vector<16x512xf32>
    %select_n3A_1381 = arith.select %lt3A_1379, %slice3A_1378, %slice3A_1377 : vector<16x512xi1>, vector<16x512xi32>
    %slice3A_1382 = vector.extract_strided_slice %select_n3A_1380 {offsets = [0, 0], sizes = [8, 512], strides = [1, 1]} : vector<16x512xf32> to vector<8x512xf32>
    %slice3A_1383 = vector.extract_strided_slice %select_n3A_1380 {offsets = [8, 0], sizes = [8, 512], strides = [1, 1]} : vector<16x512xf32> to vector<8x512xf32>
    %slice3A_1384 = vector.extract_strided_slice %select_n3A_1381 {offsets = [0, 0], sizes = [8, 512], strides = [1, 1]} : vector<16x512xi32> to vector<8x512xi32>
    %slice3A_1385 = vector.extract_strided_slice %select_n3A_1381 {offsets = [8, 0], sizes = [8, 512], strides = [1, 1]} : vector<16x512xi32> to vector<8x512xi32>
    %lt3A_1386 = arith.cmpf olt, %slice3A_1383, %slice3A_1382 : vector<8x512xf32>
    %select_n3A_1387 = arith.select %lt3A_1386, %slice3A_1383, %slice3A_1382 : vector<8x512xi1>, vector<8x512xf32>
    %select_n3A_1388 = arith.select %lt3A_1386, %slice3A_1385, %slice3A_1384 : vector<8x512xi1>, vector<8x512xi32>
    %slice3A_1389 = vector.extract_strided_slice %select_n3A_1387 {offsets = [0, 0], sizes = [4, 512], strides = [1, 1]} : vector<8x512xf32> to vector<4x512xf32>
    %slice3A_1390 = vector.extract_strided_slice %select_n3A_1387 {offsets = [4, 0], sizes = [4, 512], strides = [1, 1]} : vector<8x512xf32> to vector<4x512xf32>
    %slice3A_1391 = vector.extract_strided_slice %select_n3A_1388 {offsets = [0, 0], sizes = [4, 512], strides = [1, 1]} : vector<8x512xi32> to vector<4x512xi32>
    %slice3A_1392 = vector.extract_strided_slice %select_n3A_1388 {offsets = [4, 0], sizes = [4, 512], strides = [1, 1]} : vector<8x512xi32> to vector<4x512xi32>
    %lt3A_1393 = arith.cmpf olt, %slice3A_1390, %slice3A_1389 : vector<4x512xf32>
    %select_n3A_1394 = arith.select %lt3A_1393, %slice3A_1390, %slice3A_1389 : vector<4x512xi1>, vector<4x512xf32>
    %select_n3A_1395 = arith.select %lt3A_1393, %slice3A_1392, %slice3A_1391 : vector<4x512xi1>, vector<4x512xi32>
    %slice3A_1396 = vector.extract_strided_slice %select_n3A_1394 {offsets = [0, 0], sizes = [2, 512], strides = [1, 1]} : vector<4x512xf32> to vector<2x512xf32>
    %slice3A_1397 = vector.extract_strided_slice %select_n3A_1394 {offsets = [2, 0], sizes = [2, 512], strides = [1, 1]} : vector<4x512xf32> to vector<2x512xf32>
    %slice3A_1398 = vector.extract_strided_slice %select_n3A_1395 {offsets = [0, 0], sizes = [2, 512], strides = [1, 1]} : vector<4x512xi32> to vector<2x512xi32>
    %slice3A_1399 = vector.extract_strided_slice %select_n3A_1395 {offsets = [2, 0], sizes = [2, 512], strides = [1, 1]} : vector<4x512xi32> to vector<2x512xi32>
    %lt3A_1400 = arith.cmpf olt, %slice3A_1397, %slice3A_1396 : vector<2x512xf32>
    %select_n3A_1401 = arith.select %lt3A_1400, %slice3A_1397, %slice3A_1396 : vector<2x512xi1>, vector<2x512xf32>
    %select_n3A_1402 = arith.select %lt3A_1400, %slice3A_1399, %slice3A_1398 : vector<2x512xi1>, vector<2x512xi32>
    %slice3A_1403 = vector.extract_strided_slice %select_n3A_1401 {offsets = [0, 0], sizes = [1, 512], strides = [1, 1]} : vector<2x512xf32> to vector<1x512xf32>
    %slice3A_1404 = vector.extract_strided_slice %select_n3A_1401 {offsets = [1, 0], sizes = [1, 512], strides = [1, 1]} : vector<2x512xf32> to vector<1x512xf32>
    %slice3A_1405 = vector.extract_strided_slice %select_n3A_1402 {offsets = [0, 0], sizes = [1, 512], strides = [1, 1]} : vector<2x512xi32> to vector<1x512xi32>
    %slice3A_1406 = vector.extract_strided_slice %select_n3A_1402 {offsets = [1, 0], sizes = [1, 512], strides = [1, 1]} : vector<2x512xi32> to vector<1x512xi32>
    %lt3A_1407 = arith.cmpf olt, %slice3A_1404, %slice3A_1403 : vector<1x512xf32>
    %select_n3A_1408 = arith.select %lt3A_1407, %slice3A_1404, %slice3A_1403 : vector<1x512xi1>, vector<1x512xf32>
    %select_n3A_1409 = arith.select %lt3A_1407, %slice3A_1406, %slice3A_1405 : vector<1x512xi1>, vector<1x512xi32>
    %lt3A_1410 = arith.cmpf olt, %select_n3A_1408, %select_n3A_1323 : vector<1x512xf32>
    %select_n3A_1411 = arith.select %lt3A_1410, %select_n3A_1408, %select_n3A_1323 : vector<1x512xi1>, vector<1x512xf32>
    %select_n3A_1412 = arith.select %lt3A_1410, %select_n3A_1409, %select_n3A_1324 : vector<1x512xi1>, vector<1x512xi32>
    %broadcast_in_dim3A_1413 = vector.shape_cast %select_n3A_1412 : vector<1x512xi32> to vector<1x1x512xi32>
    %swap3A = arith.constant 0 : index
    %swap3A_1414 = arith.constant 0 : index
    %swap3A_1415 = arith.constant 0 : index
    %swap3A_1416 = vector.load %arg3[%swap3A, %swap3A_1414, %swap3A_1415] : memref<1x1x512xi32, #tpu.memory_space<vmem>>, vector<1x1x512xi32>
    tpu.vector_store %arg3[%swap3A, %swap3A_1414, %swap3A_1415], %broadcast_in_dim3A_1413 {strides = array<i32>} : memref<1x1x512xi32, #tpu.memory_space<vmem>>, vector<1x1x512xi32>,
    %get3A_1417 = arith.constant 0 : index
    %get3A_1418 = arith.constant 0 : index
    %get3A_1419 = memref.load %arg9[%get3A_1417, %get3A_1418] : memref<1x1xf32, #tpu.memory_space<smem>>
    %mul3A_1420 = arith.mulf %select_n3A_1411, %select_n3A_1411 : vector<1x512xf32>
    %reduce_sum3A_1421 = vector.shape_cast %mul3A_1420 : vector<1x512xf32> to vector<1x1x512xf32>
    %reduce_sum3A_1422 = arith.constant dense<0.000000e+00> : vector<1xf32>
    %reduce_sum3A_1423 = vector.multi_reduction <add>, %reduce_sum3A_1421, %reduce_sum3A_1422 [1, 2] : vector<1x1x512xf32> to vector<1xf32>
    %reduce_sum3A_1424 = vector.shape_cast %reduce_sum3A_1423 : vector<1xf32> to vector<1x1x1xf32>
    %reduce_sum3A_1425 = vector.extract %reduce_sum3A_1424[0, 0, 0] : f32 from vector<1x1x1xf32>
    %add3A_1426 = arith.addf %get3A_1419, %reduce_sum3A_1425 : f32
    %swap3A_1427 = arith.constant 0 : index
    %swap3A_1428 = arith.constant 0 : index
    %swap3A_1429 = memref.load %arg9[%swap3A_1427, %swap3A_1428] : memref<1x1xf32, #tpu.memory_space<smem>>
    memref.store %add3A_1426, %arg9[%swap3A_1427, %swap3A_1428] : memref<1x1xf32, #tpu.memory_space<smem>>
    %shift_right_logical3A = arith.constant 7 : i32
    %shift_right_logical3A_1430 = vector.broadcast %shift_right_logical3A : i32 to vector<1x512xi32>
    %shift_right_logical3A_1431 = arith.shrui %select_n3A_1412, %shift_right_logical3A_1430 : vector<1x512xi32>
    %and3A = arith.constant 127 : i32
    %and3A_1432 = vector.broadcast %and3A : i32 to vector<1x512xi32>
    %and3A_1433 = arith.andi %select_n3A_1412, %and3A_1432 : vector<1x512xi32>
    %iota3A_1434 = tpu.iota {dimensions = array<i32: 0>} : vector<64x512xi32>
    %iota3A_1435 = tpu.iota {dimensions = array<i32: 0>} : vector<128x512xi32>
    %eq3A_1436 = vector.broadcast %shift_right_logical3A_1431 : vector<1x512xi32> to vector<64x512xi32>
    %eq3A_1437 = arith.cmpi eq, %eq3A_1436, %iota3A_1434 : vector<64x512xi32>
    %convert_element_type3A_1438 = arith.extui %eq3A_1437 : vector<64x512xi1> to vector<64x512xi32>
    %convert_element_type3A_1439 = arith.sitofp %convert_element_type3A_1438 : vector<64x512xi32> to vector<64x512xf32>
    %convert_element_type3A_1440 = arith.truncf %convert_element_type3A_1439 : vector<64x512xf32> to vector<64x512xbf16>
    %eq3A_1441 = vector.broadcast %and3A_1433 : vector<1x512xi32> to vector<128x512xi32>
    %eq3A_1442 = arith.cmpi eq, %eq3A_1441, %iota3A_1435 : vector<128x512xi32>
    %convert_element_type3A_1443 = arith.extui %eq3A_1442 : vector<128x512xi1> to vector<128x512xi32>
    %convert_element_type3A_1444 = arith.sitofp %convert_element_type3A_1443 : vector<128x512xi32> to vector<128x512xf32>
    %convert_element_type3A_1445 = arith.truncf %convert_element_type3A_1444 : vector<128x512xf32> to vector<128x512xbf16>
    %get3A_1446 = arith.constant 0 : index
    %get3A_1447 = arith.constant 0 : index
    %get3A_1448 = vector.load %arg8[%get3A_1446, %get3A_1447] : memref<64x128xf32, #tpu.memory_space<vmem>>, vector<64x128xf32>
    %dot_general3A_1449 = arith.constant dense<0.000000e+00> : vector<64x128xf32>
    %dot_general3A_1450 = tpu.matmul %convert_element_type3A_1440, %convert_element_type3A_1445, %dot_general3A_1449 {dimension_numbers = #tpu.dot_dimension_numbers<[1], [1], [0], [0], [0, 0, 1, 0], [], []>, transpose_lhs_hint = false} : vector<64x512xbf16>, vector<128x512xbf16>, vector<64x128xf32> -> vector<64x128xf32>
    %add3A_1451 = arith.addf %get3A_1448, %dot_general3A_1450 : vector<64x128xf32>
    %swap3A_1452 = arith.constant 0 : index
    %swap3A_1453 = arith.constant 0 : index
    %swap3A_1454 = vector.load %arg8[%swap3A_1452, %swap3A_1453] : memref<64x128xf32, #tpu.memory_space<vmem>>, vector<64x128xf32>
    tpu.vector_store %arg8[%swap3A_1452, %swap3A_1453], %add3A_1451 {strides = array<i32>} : memref<64x128xf32, #tpu.memory_space<vmem>>, vector<64x128xf32>,
    %eq3A_1455 = arith.constant 17 : i32
    %eq3A_1456 = arith.cmpi eq, %arg0, %eq3A_1455 : i32
    %convert_element_type3A_1457 = arith.extui %eq3A_1456 : i1 to i32
    %cond3A_1458 = arith.constant 0 : i32
    %cond3A_1459 = arith.cmpi ne, %convert_element_type3A_1457, %cond3A_1458 : i32
    scf.if %cond3A_1459 {
      %get3A_1460 = arith.constant 0 : index
      %get3A_1461 = arith.constant 0 : index
      %get3A_1462 = memref.load %arg9[%get3A_1460, %get3A_1461] : memref<1x1xf32, #tpu.memory_space<smem>>
      %mul3A_1463 = arith.constant 1.05963814E-7 : f32
      %mul3A_1464 = arith.mulf %get3A_1462, %mul3A_1463 : f32
      %swap3A_1465 = arith.constant 0 : index
      %swap3A_1466 = arith.constant 0 : index
      %swap3A_1467 = memref.load %arg4[%swap3A_1465, %swap3A_1466] : memref<1x1xf32, #tpu.memory_space<smem>>
      memref.store %mul3A_1464, %arg4[%swap3A_1465, %swap3A_1466] : memref<1x1xf32, #tpu.memory_space<smem>>
      %get3A_1468 = arith.constant 0 : index
      %get3A_1469 = arith.constant 0 : index
      %get3A_1470 = vector.load %arg8[%get3A_1468, %get3A_1469] : memref<64x128xf32, #tpu.memory_space<vmem>>, vector<64x128xf32>
      %mul3A_1471 = arith.constant 1.08506945E-4 : f32
      %mul3A_1472 = vector.broadcast %mul3A_1471 : f32 to vector<64x128xf32>
      %mul3A_1473 = arith.mulf %get3A_1470, %mul3A_1472 : vector<64x128xf32>
      %add3A_1474 = arith.constant 1.000000e-10 : f32
      %add3A_1475 = vector.broadcast %add3A_1474 : f32 to vector<64x128xf32>
      %add3A_1476 = arith.addf %mul3A_1473, %add3A_1475 : vector<64x128xf32>
      %log3A = math.log %add3A_1476 : vector<64x128xf32>
      %mul3A_1477 = arith.mulf %mul3A_1473, %log3A : vector<64x128xf32>
      %reduce_sum3A_1478 = vector.shape_cast %mul3A_1477 : vector<64x128xf32> to vector<1x64x128xf32>
      %reduce_sum3A_1479 = arith.constant dense<0.000000e+00> : vector<1xf32>
      %reduce_sum3A_1480 = vector.multi_reduction <add>, %reduce_sum3A_1478, %reduce_sum3A_1479 [1, 2] : vector<1x64x128xf32> to vector<1xf32>
      %reduce_sum3A_1481 = vector.shape_cast %reduce_sum3A_1480 : vector<1xf32> to vector<1x1x1xf32>
      %reduce_sum3A_1482 = vector.extract %reduce_sum3A_1481[0, 0, 0] : f32 from vector<1x1x1xf32>
      %neg3A = arith.constant 0.000000e+00 : f32
      %neg3A_1483 = arith.subf %neg3A, %reduce_sum3A_1482 : f32
      %exp3A = math.exp %neg3A_1483 : f32
      %swap3A_1484 = arith.constant 0 : index
      %swap3A_1485 = arith.constant 0 : index
      %swap3A_1486 = memref.load %arg5[%swap3A_1484, %swap3A_1485] : memref<1x1xf32, #tpu.memory_space<smem>>
      memref.store %exp3A, %arg5[%swap3A_1484, %swap3A_1485] : memref<1x1xf32, #tpu.memory_space<smem>>
    } else {
    }
    return
  }
  func.func @transform_0(%arg0: i32) -> (i32, i32) {
    %c0_i32 = arith.constant 0 : i32
    %c0_i32_0 = arith.constant 0 : i32
    return %c0_i32, %arg0 : i32, i32
  }
  func.func @transform_1(%arg0: i32) -> (i32, i32) {
    %c0_i32 = arith.constant 0 : i32
    %c0_i32_0 = arith.constant 0 : i32
    %c0_i32_1 = arith.constant 0 : i32
    return %c0_i32, %c0_i32_0 : i32, i32
  }
  func.func @transform_2(%arg0: i32) -> (i32, i32, i32) {
    %c0_i32 = arith.constant 0 : i32
    %c0_i32_0 = arith.constant 0 : i32
    %c0_i32_1 = arith.constant 0 : i32
    return %arg0, %c0_i32, %c0_i32_0 : i32, i32, i32
  }
  func.func @transform_3(%arg0: i32) -> (i32, i32) {
    %c0_i32 = arith.constant 0 : i32
    %c0_i32_0 = arith.constant 0 : i32
    %c0_i32_1 = arith.constant 0 : i32
    return %c0_i32, %c0_i32_0 : i32, i32
  }
  func.func @transform_4(%arg0: i32) -> (i32, i32) {
    %c0_i32 = arith.constant 0 : i32
    %c0_i32_0 = arith.constant 0 : i32
    %c0_i32_1 = arith.constant 0 : i32
    return %c0_i32, %c0_i32_0 : i32, i32
  }
}

</mosaic_0001>

<sc_bundles>
// kernel: kernel.4.cloned.1.call-start
scs
__scs_entry_jumppad:
0x0: {  	(pc) =	sbr.rel $0x88, $3  }
0x1: {  	(tag) =	ssettag $0x0;
	lr =	simm.s32 $0x1  }
0x2: {  	[smem:$0x3F9F] =	sst lr;
	_ =	strace $0xD0000000  }
0x3: {  	_ = 	snop  }
0x4: {  	_ = 	snop  }
0x5: {  	_ = 	snop  }
0x6: {  	_ = 	snop  }
0x7: {  	_ = 	snop  }
__scs_overlays_trampoline_lowered:
0x8: {  	[smem:$0x3FAE] =	sst s0  }
0x9: {  	[smem:$0x3FAF] =	sst s1  }
0xa: {  	[smem:$0x3FB0] =	sst s2  }
0xb: {  	[smem:$0x3FB1] =	sst s3  }
0xc: {  	[smem:$0x3FB2] =	sst s4  }
0xd: {  	[smem:$0x3FB3] =	sst s5  }
0xe: {  	[smem:$0x3FB4] =	sst s6  }
0xf: {  	[smem:$0x3FB5] =	sst s7  }
0x10: {  	[smem:$0x3FB6] =	sst s8  }
0x11: {  	[smem:$0x3FB7] =	sst s9;
	s0 =	simm.s32 @!p0 $0x0  }
0x12: {  	s1 =	sld [smem:$0x3F9D];
	s0 =	simm.s32 @p0 $0x1  }
0x13: {  	[smem:$0x3FB8] =	sst s0;
	s0 =	simm.s32 @!p1 $0x0  }
0x14: {  	s2 =	sld [smem:$0x3F9C];
	s0 =	simm.s32 @p1 $0x1  }
0x15: {  	[smem:$0x3FB9] =	sst s0;
	s0 =	simm.s32 @!p2 $0x0  }
0x16: {  	s3 =	sld [smem:$0x3FDB];
	s0 =	simm.s32 @p2 $0x1  }
0x17: {  	s4 =	simm.s32 $0x1BF5;
	[smem:$0x3FBB] =	sst s0  }
0x18: {  	s0 =	sld [smem:$0x3F9E];
	_ =	swait.ge [sflag:s4], $0x0  }
0x19: {  	s7 =	sld [smem:$0x3F9F]  }
0x1a: {  	s8 =	sadd.s32 $0xFFFFE003, lr  }
0x1b: {  	s9 =	sadd.s32 $0xFFFFFEF7, lr;
	s5 =	simm.s32 $0xFFFFFFFF;
	p2 =	slt.u32 s8, $0xFFFFF086  }
0x1c: {  	p1 =	slt.u32 s9, $0xF7A;
	s5 =	simm.s32 @!p2 $0x0  }
0x1d: {  	s5 =	simm.s32 @p1 $0x1;
	p0 =	seq.s32 s7, s2  }
0x1e: {  	s7 =	smul.u32 @!p0 $0xF7A, s2;
	p2 =	seq.s32 @!p0 s5, $0x0  }
0x1f: {  	s9 =	smul.u32 $0xF7A, s1;
	s8 =	simm.s32 @!p0 $0x1BF5;
	p2 =	por !p2, p0  }
0x20: {  	[sflag:s8] =	ssyncset.s32 @!p0 $0xFFFFF086;
	s6 =	sadd.s32 @!p0 s3, s7;
	s7 =	simm.s32 @!p0 $0x108  }
0x21: {  	s3 =	sadd.s32 s3, s9;
	s6 =	sadd.s32 @!p0 $0x88, s6;
	s7 =	simm.s32 @p2 $0x1082  }
0x22: {  	[simem:s7], [sflag:s8] =	dma.local @!p0 [hbm:s6], $0xF7A  }
0x23: {  	s9 =	sor.u32 $0xD0000000, s2;
	s6 =	simm.s32 $0x108;
	_ =	swait.ge @!p0 [sflag:s8], $0x0  }
0x24: {  	s3 =	sadd.s32 $0x88, s3;
	s6 =	simm.s32 @!p1 $0x1082;
	[sflag:s4] =	ssyncset.s32 $0xFFFFF086  }
0x25: {  	[simem:s6], [sflag:s4] =	dma.local [hbm:s3], $0xF7A  }
0x26: {  	[smem:$0x3F9F] =	sst s1;
	(tag) =	ssettag s2;
	_ =	strace s9  }
0x27: {  	s1 =	sld [smem:$0x3FAF]  }
0x28: {  	s2 =	sld [smem:$0x3FB0]  }
0x29: {  	s4 =	sld [smem:$0x3FB2]  }
0x2a: {  	p0 =	seq.s32 s5, $0x0;
	s5 =	sld [smem:$0x3FB3]  }
0x2b: {  	s6 =	sld [smem:$0x3FB4]  }
0x2c: {  	s7 =	sld [smem:$0x3FB5]  }
0x2d: {  	s3 =	simm.s32 $0x108;
	s8 =	sld [smem:$0x3FB6]  }
0x2e: {  	s3 =	simm.s32 @!p0 $0x1082;
	s9 =	sld [smem:$0x3FB7]  }
0x2f: {  	lr =	sadd.s32 s0, s3;
	s0 =	sld [smem:$0x3FAE]  }
0x30: {  	s3 =	sld [smem:$0x3FB1]  }
0x31: {  	[smem:$0x3FBA] =	sst s10  }
0x32: {  	s10 =	sld [smem:$0x3FB8];
	_ =	sdelay $0x3  }
0x33: {  	p0 =	seq.s32 s10, $0x1;
	s10 =	sld [smem:$0x3FBA];
	_ =	sdelay $0x3  }
0x34: {  	[smem:$0x3FBA] =	sst s10  }
0x35: {  	s10 =	sld [smem:$0x3FB9];
	_ =	sdelay $0x3  }
0x36: {  	p1 =	seq.s32 s10, $0x1;
	s10 =	sld [smem:$0x3FBA];
	_ =	sdelay $0x3  }
0x37: {  	[smem:$0x3FBA] =	sst s10  }
0x38: {  	s10 =	sld [smem:$0x3FBB]  }
0x39: {  	_ = 	snop;
	(pc) =	sbr.ind lr, $3  }
0x3a: {  	_ = 	snop  }
0x3b: {  	_ = 	snop  }
0x3c: {  	p2 =	seq.s32 s10, $0x1;
	s10 =	sld [smem:$0x3FBA]  }
0x3d: {  	_ =	shalt  }
0x3e: {  	_ =	shalt  }
0x3f: {  	_ =	shalt  }
0x40: {  	_ =	shalt  }
0x41: {  	_ =	shalt  }
0x42: {  	_ =	shalt  }
0x43: {  	_ =	shalt  }
0x44: {  	_ =	shalt  }
0x45: {  	_ =	shalt  }
0x46: {  	_ =	shalt  }
0x47: {  	_ =	shalt  }
0x48: {  	_ =	shalt  }
0x49: {  	_ =	shalt  }
0x4a: {  	_ =	shalt  }
0x4b: {  	_ =	shalt  }
0x4c: {  	_ =	shalt  }
0x4d: {  	_ =	shalt  }
0x4e: {  	_ =	shalt  }
0x4f: {  	_ =	shalt  }
0x50: {  	_ =	shalt  }
0x51: {  	_ =	shalt  }
0x52: {  	_ =	shalt  }
0x53: {  	_ =	shalt  }
0x54: {  	_ =	shalt  }
0x55: {  	_ =	shalt  }
0x56: {  	_ =	shalt  }
0x57: {  	_ =	shalt  }
0x58: {  	_ =	shalt  }
0x59: {  	_ =	shalt  }
0x5a: {  	_ =	shalt  }
0x5b: {  	_ =	shalt  }
0x5c: {  	_ =	shalt  }
0x5d: {  	_ =	shalt  }
0x5e: {  	_ =	shalt  }
0x5f: {  	_ =	shalt  }
0x60: {  	_ =	shalt  }
0x61: {  	_ =	shalt  }
0x62: {  	_ =	shalt  }
0x63: {  	_ =	shalt  }
0x64: {  	_ =	shalt  }
0x65: {  	_ =	shalt  }
0x66: {  	_ =	shalt  }
0x67: {  	_ =	shalt  }
0x68: {  	_ =	shalt  }
0x69: {  	_ =	shalt  }
0x6a: {  	_ =	shalt  }
0x6b: {  	_ =	shalt  }
0x6c: {  	_ =	shalt  }
0x6d: {  	_ =	shalt  }
0x6e: {  	_ =	shalt  }
0x6f: {  	_ =	shalt  }
0x70: {  	_ =	shalt  }
0x71: {  	_ =	shalt  }
0x72: {  	_ =	shalt  }
0x73: {  	_ =	shalt  }
0x74: {  	_ =	shalt  }
0x75: {  	_ =	shalt  }
0x76: {  	_ =	shalt  }
0x77: {  	_ =	shalt  }
0x78: {  	_ =	shalt  }
0x79: {  	_ =	shalt  }
0x7a: {  	_ =	shalt  }
0x7b: {  	_ =	shalt  }
0x7c: {  	_ =	shalt  }
0x7d: {  	_ =	shalt  }
0x7e: {  	_ =	shalt  }
0x7f: {  	_ =	shalt  }
0x80: {  	_ =	shalt  }
0x81: {  	_ =	shalt  }
0x82: {  	_ =	shalt  }
0x83: {  	_ =	shalt  }
0x84: {  	_ =	shalt  }
0x85: {  	_ =	shalt  }
0x86: {  	_ =	shalt  }
0x87: {  	_ =	shalt  }
.Lfunc_end0:
.L_simem_size_0:
called_computation_lowered:
.L_overlay_start_0:
0x88: {  	s2 =	sld [smem:$0x3FD9]  }
0x89: {  	s3 =	sld [smem:$0x3FFE];
	_ =	sdelay $0x1  }
0x8a: {  	s1 =	srdreg.scid  }
0x8b: {  	s0 =	sand.u32 $0x1, s1  }
0x8c: {  	s14 =	sshll.u32 s0, $0xA;
	s2 =	sadd.s32 s3, s2  }
0x8d: {  	s2 =	sadd.s32 s2, s14  }
0x8e: {  	[smem:$0x3FC6] =	sst s2  }
0x8f: {  	_ = 	snop  }
0x90: {  	s2 =	sld [smem:$0x3FD0];
	_ =	sdelay $0x2  }
0x91: {  	s4 =	simm.s32 $0xA;
	s5 =	simm.s32 $0x10;
	s15 =	sld [smem:$0x3FC8]  }
0x92: {  	[smem:s5], [sflag:s4] =	dma.local [hbm:s2], $0x1  }
0x93: {  	_ =	swait.eq [sflag:s4], $0x1  }
0x94: {  	[sflag:s4] =	ssyncset.done $0x0  }
0x95: {  	[sflag:s4] =	ssyncadd.s32 $0xFFFFFFFF  }
0x96: {  	s16 =	sld [smem:$0x10];
	(tm) =	ssettm $0x1  }
0x97: {  	s17 =	sld [smem:$0x3FFB];
	_ =	sdelay $0x3  }
0x98: {  	_ =	strace s17  }
0x99: {  	s4 =	sld [smem:$0x3FFC];
	_ =	sdelay $0x3  }
0x9a: {  	_ =	strace s4  }
0x9b: {  	s4 =	sld [smem:$0x3FFD];
	_ =	sdelay $0x3  }
0x9c: {  	_ =	strace s4  }
0x9d: {  	_ =	strace $0x8FFFFFFF  }
0x9e: {  	s18 =	sld [smem:$0x3FDB];
	_ =	sdelay $0x1  }
0x9f: {  	s19 =	simm.s32 $_scs_section_size  }
0xa0: {  	s6 =	simm.s32 $_size__tile_overlayer_lowered;
	s7 =	simm.s32 $_tile_overlayer_lowered  }
0xa1: {  	s22 =	simm.s32 $0x1BFF;
	s21 =	sshll.u32 s7, $0x1;
	s4 =	sadd.s32 s19, s18  }
0xa2: {  	s8 =	simm.s32 $0x0;
	s20 =	sshll.u32 s6, $0x1;
	s6 =	sadd.s32 s21, s4  }
0xa3: {  	[timem:s8], [sflag:s22] =	dma.local [hbm:s6], s20  }
0xa4: {  	_ =	swait.ge [sflag:s22], s20  }
0xa5: {  	s5 =	ssub.s32 $0x0, s20;
	[sflag:s22] =	ssyncset.done $0x0  }
0xa6: {  	[sflag:s22] =	ssyncadd.s32 s5;
	_ =	sdelay $0x1  }
0xa7: {  	s23 =	simm.s32 $0x1B8B  }
0xa8: {  	_ =	swait.ge [sflag:s23], $0x1  }
0xa9: {  	[sflag:s23] =	ssyncset.done $0x0  }
0xaa: {  	s25 =	simm.s32 $0x1B8E;
	s24 =	sld [smem:$0x3FFE];
	[sflag:s23] =	ssyncadd.s32 $0xFFFFFFFF  }
0xab: {  	s26 =	simm.s32 $execute0_lowered;
	[smem:$0x3FD2] =	sst s25  }
0xac: {  	s6 =	sshll.u32 s26, $0x1;
	_ =	strace $0x80000046;
	[dreg:$0x1] =	wrdreg $0xFFFFFFFF  }
0xad: {  	s28 =	simm.s32 $_size_execute0_lowered;
	s4 =	sadd.s32 s4, s6;
	[dreg:$0x0] =	wrdreg $0x0  }
0xae: {  	s6 =	sshll.u32 s28, $0x1;
	[dreg:$0x2] =	wrdreg s4  }
0xaf: {  	[dreg:$0x3] =	wrdreg s6  }
0xb0: {  	[dreg:$0x4] =	wrdreg $0xC0  }
0xb1: {  	_ =	task [dreg:s8], $0x5FFFF  }
0xb2: {  	[dreg:$0x1] =	wrdreg $0xFFFFFFFF  }
0xb3: {  	[dreg:$0x0] =	wrdreg $0x60  }
0xb4: {  	[dreg:$0x2] =	wrdreg s15  }
0xb5: {  	[dreg:$0x3] =	wrdreg s24  }
0xb6: {  	[dreg:$0x4] =	wrdreg s16  }
0xb7: {  	[dreg:$0x5] =	wrdreg $0x9  }
0xb8: {  	_ =	task.clear_ibuf [dreg:s8], $0x6FFFF;
	_ =	strace $0x90000046  }
0xb9: {  	s29 =	simm.s32 $0x9;
	_ =	strace $0x80000048  }
0xba: {  	_ =	swait.ge [sflag:s29], $0x1  }
0xbb: {  	[sflag:s29] =	ssyncadd.s32 $0xFFFFFFFF  }
0xbc: {  	_ =	strace $0x90000048  }
0xbd: {  	_ =	sfence  }
0xbe: {  	s30 =	sld [smem:$0x0];
	_ =	sdelay $0x2  }
0xbf: {  	s31 =	sshll.u32 s1, $0xD;
	s1 =	sshrl.u32 s1, $0x2  }
0xc0: {  	s3 =	sand.u32 $0x4000, s31;
	s1 =	sadd.s32 s1, s30  }
0xc1: {  	s0 =	sor.u32 s3, s0;
	s1 =	sshll.u32 s1, $0x11  }
0xc2: {  	s0 =	sor.u32 s1, s0  }
0xc3: {  	s0 =	sadd.s32 $0x8F2B, s0  }
0xc4: {  	[sflag:s0] =	ssyncadd.remote.s32 $0x1  }
0xc5: {  	_ =	sfence.sel $0xFFFF  }
0xc6: {  	[dreg:$0x0] =	wrdreg $0xFFFFFFFF;
	(pc) =	sbr.abs _section_cstart, $3  }
0xc7: {  	[dreg:$0x1] =	wrdreg $0xFFFFFFFF  }
0xc8: {  	_ =	task.clear_ibuf [dreg:s8], $0x2FFFF;
	_ =	strace $0x9FFFFFFF  }
0xc9: {  	(tm) =	ssettm $0x7FFFFFFF  }
tec
execute0_lowered:
.L_overlay_start_1:
0x0: {  	(tag) =	ssettag $0x1  }
0x1: {  	s2 =	srdreg.scid;
	s1 =	rddreg [dreg:$0x0]  }
0x2: {  	s0 =	stileid.u32;
	s4 =	rddreg [dreg:$0x1]  }
0x3: {  	s6 =	rddreg [dreg:$0x2];
	s15 =	simm.s32 $0x980;
	s16 =	simm.s32 $0x1180  }
0x4: {  	s17 =	simm.s32 $0x1980;
	s2 =	sand.u32 $0x1, s2;
	s3 =	sshll.u32 s0, $0x1  }
0x5: {  	s18 =	simm.s32 $0x2180;
	s5 =	sor.u32 s2, s3;
	s3 =	simm.s32 $0x0  }
0x6: {  	s19 =	simm.s32 $0x2980;
	s20 =	simm.s32 $0x3180;
	[smem:$0x7FF] =	sst s3  }
0x7: {  	s21 =	simm.s32 $0x3980;
	_ =	strace $0x80000047;
	[dreg:$0x6] =	wrdreg s15  }
0x8: {  	s23 =	simm.s32 $0x4180;
	s24 =	simm.s32 $0x4980;
	[dreg:$0x7] =	wrdreg s16  }
0x9: {  	s25 =	simm.s32 $0x5180;
	s26 =	simm.s32 $0x5980;
	[dreg:$0x8] =	wrdreg s17  }
0xa: {  	s8 =	simm.s32 $0x6980;
	s9 =	simm.s32 $0x7180;
	[dreg:$0x9] =	wrdreg s18  }
0xb: {  	s10 =	simm.s32 $0x7980;
	s11 =	simm.s32 $0x8180;
	[dreg:$0xa] =	wrdreg s19  }
0xc: {  	s12 =	simm.s32 $0x8980;
	s13 =	simm.s32 $0x9180;
	[dreg:$0xb] =	wrdreg s20  }
0xd: {  	s28 =	simm.s32 $0x10180;
	s29 =	simm.s32 $0x10980;
	[dreg:$0xc] =	wrdreg s21  }
0xe: {  	s30 =	simm.s32 $0x11180;
	s31 =	simm.s32 $0x11980;
	[dreg:$0xd] =	wrdreg s23  }
0xf: {  	s2 =	ssub.s32 $0x2, s2;
	s7 =	smul.u32 $0x24, s5;
	[dreg:$0xe] =	wrdreg s24  }
0x10: {  	s5 =	smul.u32 $0x2400, s5;
	s22 =	sshrl.u32 s2, $0x1;
	[dreg:$0xf] =	wrdreg s25  }
0x11: {  	s2 =	ssub.s32 s2, s22;
	[dreg:$0x10] =	wrdreg s26;
	s15 =	simm.s32 $0xA180  }
0x12: {  	s16 =	simm.s32 $0xA980;
	s17 =	simm.s32 $0xB180;
	s18 =	simm.s32 $0xB980  }
0x13: {  	s19 =	simm.s32 $0xC180;
	s20 =	simm.s32 $0xC980;
	s21 =	simm.s32 $0xD180  }
0x14: {  	s22 =	simm.s32 $0xD980;
	s23 =	simm.s32 $0xE180;
	s24 =	simm.s32 $0xE980  }
0x15: {  	s25 =	simm.s32 $0xF180;
	s26 =	simm.s32 $0xF980;
	s4 =	sadd.s32 s7, s4  }
0x16: {  	v2 =	vlaneseq.u32;
	s14 =	sadd.s32 s6, s5;
	s5 =	simm.s32 $0x2;
	s6 =	simm.s32 $0x180  }
0x17: {  	vm0 =	vmmov $0xffff;
	v1 =	vshrl.u32 v2, $0x3;
	s4 =	sadd.s32 $0x800, s4;
	[dreg:$0x5] =	wrdreg s14;
	s14 =	simm.s32 $0x9980  }
0x18: {  	v0 =	vand.u32 $0x7, v2;
	v2 =	vor.u32 $0x8, v2;
	v1 =	vmul.u32 $0x8, v1;
	[dreg:$0x4] =	wrdreg s4;
	s4 =	smax.u32 s2, $0x1;
	s2 =	simm.s32 $0x1  }
.LBB2_1:
0x19: {  	s0 =	rddreg [dreg:$0x4]  }
0x1a: {  	[tilespmem:s3], [sflag:$0x2] =	stream.linear.gather [hbm4b:s0+s3], $0x120, $0x38;
	[tilespmem:$0x12180] =	vst v63  }
0x1b: {  	_ =	swait.ge [sflag:s5], $0x120  }
0x1c: {  	[sflag:s5] =	ssyncset.done $0x0  }
0x1d: {  	[sflag:s5] =	ssyncadd.s32 $0xFFFFFEE0  }
0x1e: {  	v3 =	vld [tilespmem:$0x0];
	_ =	sdelay $0x4  }
0x1f: {  	v4 =	vshll.u32 v3, $0x1  }
0x20: {  	v3 =	vand.u32 $0x7, v3;
	v4 =	vand.u32 $0xFFFFFFF0, v4  }
0x21: {  	v3 =	vor.u32 v3, v4  }
0x22: {  	v4 =	vperm.xlane v3, v0;
	_ =	sdelay $0x1  }
0x23: {  	v3 =	vperm.xlane v3, v2;
	v4 =	vadd.s32 v1, v4;
	_ =	sdelay $0x1  }
0x24: {  	v3 =	vadd.s32 v1, v3;
	_ =	sdelay $0x2  }
0x25: {  	[tilespmem:s6], [sflag:$0x1] =	stream.indirect_vreg.gather [hbm4b:s1+s3], $0x80, v4, vm0, $0xb8;
	[tilespmem:$0x12180] =	vst v63  }
0x26: {  	s7 =	rddreg [dreg:$0x6]  }
0x27: {  	[tilespmem:s7], [sflag:$0x1] =	stream.indirect_vreg.gather [hbm4b:s1+s3], $0x80, v3, vm0, $0xb8;
	[tilespmem:$0x12180] =	vst v63  }
0x28: {  	v3 =	vld [tilespmem:$0x10];
	_ =	sdelay $0x4  }
0x29: {  	v47 =	vshll.u32 v3, $0x1  }
0x2a: {  	v3 =	vand.u32 $0x7, v3;
	v4 =	vand.u32 $0xFFFFFFF0, v47  }
0x2b: {  	v3 =	vor.u32 v3, v4  }
0x2c: {  	v4 =	vperm.xlane v3, v0;
	_ =	sdelay $0x1  }
0x2d: {  	v3 =	vperm.xlane v3, v2;
	v4 =	vadd.s32 v1, v4;
	_ =	sdelay $0x1  }
0x2e: {  	v3 =	vadd.s32 v1, v3;
	_ =	sdelay $0x1  }
0x2f: {  	s0 =	rddreg [dreg:$0x7]  }
0x30: {  	[tilespmem:s0], [sflag:$0x1] =	stream.indirect_vreg.gather [hbm4b:s1+s3], $0x80, v4, vm0, $0xb8;
	[tilespmem:$0x12180] =	vst v63  }
0x31: {  	s7 =	rddreg [dreg:$0x8]  }
0x32: {  	[tilespmem:s7], [sflag:$0x1] =	stream.indirect_vreg.gather [hbm4b:s1+s3], $0x80, v3, vm0, $0xb8;
	[tilespmem:$0x12180] =	vst v63  }
0x33: {  	v3 =	vld [tilespmem:$0x20];
	_ =	sdelay $0x4  }
0x34: {  	v48 =	vshll.u32 v3, $0x1  }
0x35: {  	v3 =	vand.u32 $0x7, v3;
	v4 =	vand.u32 $0xFFFFFFF0, v48  }
0x36: {  	v3 =	vor.u32 v3, v4  }
0x37: {  	v4 =	vperm.xlane v3, v0;
	_ =	sdelay $0x1  }
0x38: {  	v3 =	vperm.xlane v3, v2;
	v4 =	vadd.s32 v1, v4;
	_ =	sdelay $0x1  }
0x39: {  	v3 =	vadd.s32 v1, v3;
	_ =	sdelay $0x1  }
0x3a: {  	s0 =	rddreg [dreg:$0x9]  }
0x3b: {  	[tilespmem:s0], [sflag:$0x1] =	stream.indirect_vreg.gather [hbm4b:s1+s3], $0x80, v4, vm0, $0xb8;
	[tilespmem:$0x12180] =	vst v63  }
0x3c: {  	s7 =	rddreg [dreg:$0xa]  }
0x3d: {  	[tilespmem:s7], [sflag:$0x1] =	stream.indirect_vreg.gather [hbm4b:s1+s3], $0x80, v3, vm0, $0xb8;
	[tilespmem:$0x12180] =	vst v63  }
0x3e: {  	v3 =	vld [tilespmem:$0x30];
	_ =	sdelay $0x4  }
0x3f: {  	v49 =	vshll.u32 v3, $0x1  }
0x40: {  	v3 =	vand.u32 $0x7, v3;
	v4 =	vand.u32 $0xFFFFFFF0, v49  }
0x41: {  	v3 =	vor.u32 v3, v4  }
0x42: {  	v4 =	vperm.xlane v3, v0;
	_ =	sdelay $0x1  }
0x43: {  	v3 =	vperm.xlane v3, v2;
	v4 =	vadd.s32 v1, v4;
	_ =	sdelay $0x1  }
0x44: {  	v3 =	vadd.s32 v1, v3;
	_ =	sdelay $0x1  }
0x45: {  	s0 =	rddreg [dreg:$0xb]  }
0x46: {  	[tilespmem:s0], [sflag:$0x1] =	stream.indirect_vreg.gather [hbm4b:s1+s3], $0x80, v4, vm0, $0xb8;
	[tilespmem:$0x12180] =	vst v63  }
0x47: {  	s7 =	rddreg [dreg:$0xc]  }
0x48: {  	[tilespmem:s7], [sflag:$0x1] =	stream.indirect_vreg.gather [hbm4b:s1+s3], $0x80, v3, vm0, $0xb8;
	[tilespmem:$0x12180] =	vst v63  }
0x49: {  	v3 =	vld [tilespmem:$0x40];
	_ =	sdelay $0x4  }
0x4a: {  	v50 =	vshll.u32 v3, $0x1  }
0x4b: {  	v3 =	vand.u32 $0x7, v3;
	v4 =	vand.u32 $0xFFFFFFF0, v50  }
0x4c: {  	v3 =	vor.u32 v3, v4  }
0x4d: {  	v4 =	vperm.xlane v3, v0;
	_ =	sdelay $0x1  }
0x4e: {  	v3 =	vperm.xlane v3, v2;
	v4 =	vadd.s32 v1, v4;
	_ =	sdelay $0x1  }
0x4f: {  	v3 =	vadd.s32 v1, v3;
	_ =	sdelay $0x1  }
0x50: {  	s0 =	rddreg [dreg:$0xd]  }
0x51: {  	[tilespmem:s0], [sflag:$0x1] =	stream.indirect_vreg.gather [hbm4b:s1+s3], $0x80, v4, vm0, $0xb8;
	[tilespmem:$0x12180] =	vst v63  }
0x52: {  	s7 =	rddreg [dreg:$0xe]  }
0x53: {  	[tilespmem:s7], [sflag:$0x1] =	stream.indirect_vreg.gather [hbm4b:s1+s3], $0x80, v3, vm0, $0xb8;
	[tilespmem:$0x12180] =	vst v63  }
0x54: {  	v3 =	vld [tilespmem:$0x50];
	_ =	sdelay $0x4  }
0x55: {  	v51 =	vshll.u32 v3, $0x1  }
0x56: {  	v3 =	vand.u32 $0x7, v3;
	v4 =	vand.u32 $0xFFFFFFF0, v51  }
0x57: {  	v3 =	vor.u32 v3, v4  }
0x58: {  	v4 =	vperm.xlane v3, v0;
	_ =	sdelay $0x1  }
0x59: {  	v3 =	vperm.xlane v3, v2;
	v4 =	vadd.s32 v1, v4;
	_ =	sdelay $0x1  }
0x5a: {  	v3 =	vadd.s32 v1, v3;
	_ =	sdelay $0x1  }
0x5b: {  	s0 =	rddreg [dreg:$0xf]  }
0x5c: {  	[tilespmem:s0], [sflag:$0x1] =	stream.indirect_vreg.gather [hbm4b:s1+s3], $0x80, v4, vm0, $0xb8;
	[tilespmem:$0x12180] =	vst v63  }
0x5d: {  	s7 =	rddreg [dreg:$0x10]  }
0x5e: {  	[tilespmem:s7], [sflag:$0x1] =	stream.indirect_vreg.gather [hbm4b:s1+s3], $0x80, v3, vm0, $0xb8;
	[tilespmem:$0x12180] =	vst v63  }
0x5f: {  	v3 =	vld [tilespmem:$0x60];
	_ =	sdelay $0x4  }
0x60: {  	v52 =	vshll.u32 v3, $0x1  }
0x61: {  	v3 =	vand.u32 $0x7, v3;
	v4 =	vand.u32 $0xFFFFFFF0, v52  }
0x62: {  	v3 =	vor.u32 v3, v4  }
0x63: {  	v4 =	vperm.xlane v3, v0;
	_ =	sdelay $0x1  }
0x64: {  	v3 =	vperm.xlane v3, v2;
	v4 =	vadd.s32 v1, v4;
	_ =	sdelay $0x1  }
0x65: {  	v3 =	vadd.s32 v1, v3;
	_ =	sdelay $0x1  }
0x66: {  	s7 =	simm.s32 $0x6180  }
0x67: {  	[tilespmem:s7], [sflag:$0x1] =	stream.indirect_vreg.gather [hbm4b:s1+s3], $0x80, v4, vm0, $0xb8;
	[tilespmem:$0x12180] =	vst v63  }
0x68: {  	_ = 	snop  }
0x69: {  	[tilespmem:s8], [sflag:$0x1] =	stream.indirect_vreg.gather [hbm4b:s1+s3], $0x80, v3, vm0, $0xb8;
	[tilespmem:$0x12180] =	vst v63  }
0x6a: {  	v3 =	vld [tilespmem:$0x70];
	_ =	sdelay $0x4  }
0x6b: {  	v53 =	vshll.u32 v3, $0x1  }
0x6c: {  	v3 =	vand.u32 $0x7, v3;
	v4 =	vand.u32 $0xFFFFFFF0, v53  }
0x6d: {  	v3 =	vor.u32 v3, v4  }
0x6e: {  	v4 =	vperm.xlane v3, v0;
	_ =	sdelay $0x1  }
0x6f: {  	v3 =	vperm.xlane v3, v2;
	v4 =	vadd.s32 v1, v4;
	_ =	sdelay $0x1  }
0x70: {  	v3 =	vadd.s32 v1, v3;
	_ =	sdelay $0x2  }
0x71: {  	[tilespmem:s9], [sflag:$0x1] =	stream.indirect_vreg.gather [hbm4b:s1+s3], $0x80, v4, vm0, $0xb8;
	[tilespmem:$0x12180] =	vst v63  }
0x72: {  	_ = 	snop  }
0x73: {  	[tilespmem:s10], [sflag:$0x1] =	stream.indirect_vreg.gather [hbm4b:s1+s3], $0x80, v3, vm0, $0xb8;
	[tilespmem:$0x12180] =	vst v63  }
0x74: {  	v3 =	vld [tilespmem:$0x80];
	_ =	sdelay $0x4  }
0x75: {  	v54 =	vshll.u32 v3, $0x1  }
0x76: {  	v3 =	vand.u32 $0x7, v3;
	v4 =	vand.u32 $0xFFFFFFF0, v54  }
0x77: {  	v3 =	vor.u32 v3, v4  }
0x78: {  	v4 =	vperm.xlane v3, v0;
	_ =	sdelay $0x1  }
0x79: {  	v3 =	vperm.xlane v3, v2;
	v4 =	vadd.s32 v1, v4;
	_ =	sdelay $0x1  }
0x7a: {  	v3 =	vadd.s32 v1, v3;
	_ =	sdelay $0x2  }
0x7b: {  	[tilespmem:s11], [sflag:$0x1] =	stream.indirect_vreg.gather [hbm4b:s1+s3], $0x80, v4, vm0, $0xb8;
	[tilespmem:$0x12180] =	vst v63  }
0x7c: {  	_ = 	snop  }
0x7d: {  	[tilespmem:s12], [sflag:$0x1] =	stream.indirect_vreg.gather [hbm4b:s1+s3], $0x80, v3, vm0, $0xb8;
	[tilespmem:$0x12180] =	vst v63  }
0x7e: {  	v3 =	vld [tilespmem:$0x90];
	_ =	sdelay $0x4  }
0x7f: {  	v55 =	vshll.u32 v3, $0x1  }
0x80: {  	v3 =	vand.u32 $0x7, v3;
	v4 =	vand.u32 $0xFFFFFFF0, v55  }
0x81: {  	v3 =	vor.u32 v3, v4  }
0x82: {  	v4 =	vperm.xlane v3, v0;
	_ =	sdelay $0x1  }
0x83: {  	v3 =	vperm.xlane v3, v2;
	v4 =	vadd.s32 v1, v4;
	_ =	sdelay $0x1  }
0x84: {  	v3 =	vadd.s32 v1, v3;
	_ =	sdelay $0x2  }
0x85: {  	[tilespmem:s13], [sflag:$0x1] =	stream.indirect_vreg.gather [hbm4b:s1+s3], $0x80, v4, vm0, $0xb8;
	[tilespmem:$0x12180] =	vst v63  }
0x86: {  	_ = 	snop  }
0x87: {  	[tilespmem:s14], [sflag:$0x1] =	stream.indirect_vreg.gather [hbm4b:s1+s3], $0x80, v3, vm0, $0xb8;
	[tilespmem:$0x12180] =	vst v63  }
0x88: {  	v3 =	vld [tilespmem:$0xA0];
	_ =	sdelay $0x4  }
0x89: {  	v56 =	vshll.u32 v3, $0x1  }
0x8a: {  	v3 =	vand.u32 $0x7, v3;
	v4 =	vand.u32 $0xFFFFFFF0, v56  }
0x8b: {  	v3 =	vor.u32 v3, v4  }
0x8c: {  	v4 =	vperm.xlane v3, v0;
	_ =	sdelay $0x1  }
0x8d: {  	v3 =	vperm.xlane v3, v2;
	v4 =	vadd.s32 v1, v4;
	_ =	sdelay $0x1  }
0x8e: {  	v3 =	vadd.s32 v1, v3;
	_ =	sdelay $0x2  }
0x8f: {  	[tilespmem:s15], [sflag:$0x1] =	stream.indirect_vreg.gather [hbm4b:s1+s3], $0x80, v4, vm0, $0xb8;
	[tilespmem:$0x12180] =	vst v63  }
0x90: {  	_ = 	snop  }
0x91: {  	[tilespmem:s16], [sflag:$0x1] =	stream.indirect_vreg.gather [hbm4b:s1+s3], $0x80, v3, vm0, $0xb8;
	[tilespmem:$0x12180] =	vst v63  }
0x92: {  	v3 =	vld [tilespmem:$0xB0];
	_ =	sdelay $0x4  }
0x93: {  	v57 =	vshll.u32 v3, $0x1  }
0x94: {  	v3 =	vand.u32 $0x7, v3;
	v4 =	vand.u32 $0xFFFFFFF0, v57  }
0x95: {  	v3 =	vor.u32 v3, v4  }
0x96: {  	v4 =	vperm.xlane v3, v0;
	_ =	sdelay $0x1  }
0x97: {  	v3 =	vperm.xlane v3, v2;
	v4 =	vadd.s32 v1, v4;
	_ =	sdelay $0x1  }
0x98: {  	v3 =	vadd.s32 v1, v3;
	_ =	sdelay $0x2  }
0x99: {  	[tilespmem:s17], [sflag:$0x1] =	stream.indirect_vreg.gather [hbm4b:s1+s3], $0x80, v4, vm0, $0xb8;
	[tilespmem:$0x12180] =	vst v63  }
0x9a: {  	_ = 	snop  }
0x9b: {  	[tilespmem:s18], [sflag:$0x1] =	stream.indirect_vreg.gather [hbm4b:s1+s3], $0x80, v3, vm0, $0xb8;
	[tilespmem:$0x12180] =	vst v63  }
0x9c: {  	v3 =	vld [tilespmem:$0xC0];
	_ =	sdelay $0x4  }
0x9d: {  	v58 =	vshll.u32 v3, $0x1  }
0x9e: {  	v3 =	vand.u32 $0x7, v3;
	v4 =	vand.u32 $0xFFFFFFF0, v58  }
0x9f: {  	v3 =	vor.u32 v3, v4  }
0xa0: {  	v4 =	vperm.xlane v3, v0;
	_ =	sdelay $0x1  }
0xa1: {  	v3 =	vperm.xlane v3, v2;
	v4 =	vadd.s32 v1, v4;
	_ =	sdelay $0x1  }
0xa2: {  	v3 =	vadd.s32 v1, v3;
	_ =	sdelay $0x2  }
0xa3: {  	[tilespmem:s19], [sflag:$0x1] =	stream.indirect_vreg.gather [hbm4b:s1+s3], $0x80, v4, vm0, $0xb8;
	[tilespmem:$0x12180] =	vst v63  }
0xa4: {  	_ = 	snop  }
0xa5: {  	[tilespmem:s20], [sflag:$0x1] =	stream.indirect_vreg.gather [hbm4b:s1+s3], $0x80, v3, vm0, $0xb8;
	[tilespmem:$0x12180] =	vst v63  }
0xa6: {  	v3 =	vld [tilespmem:$0xD0];
	_ =	sdelay $0x4  }
0xa7: {  	v59 =	vshll.u32 v3, $0x1  }
0xa8: {  	v3 =	vand.u32 $0x7, v3;
	v4 =	vand.u32 $0xFFFFFFF0, v59  }
0xa9: {  	v3 =	vor.u32 v3, v4  }
0xaa: {  	v4 =	vperm.xlane v3, v0;
	_ =	sdelay $0x1  }
0xab: {  	v3 =	vperm.xlane v3, v2;
	v4 =	vadd.s32 v1, v4;
	_ =	sdelay $0x1  }
0xac: {  	v3 =	vadd.s32 v1, v3;
	_ =	sdelay $0x2  }
0xad: {  	[tilespmem:s21], [sflag:$0x1] =	stream.indirect_vreg.gather [hbm4b:s1+s3], $0x80, v4, vm0, $0xb8;
	[tilespmem:$0x12180] =	vst v63  }
0xae: {  	_ = 	snop  }
0xaf: {  	[tilespmem:s22], [sflag:$0x1] =	stream.indirect_vreg.gather [hbm4b:s1+s3], $0x80, v3, vm0, $0xb8;
	[tilespmem:$0x12180] =	vst v63  }
0xb0: {  	v3 =	vld [tilespmem:$0xE0];
	_ =	sdelay $0x4  }
0xb1: {  	v60 =	vshll.u32 v3, $0x1  }
0xb2: {  	v3 =	vand.u32 $0x7, v3;
	v4 =	vand.u32 $0xFFFFFFF0, v60  }
0xb3: {  	v3 =	vor.u32 v3, v4  }
0xb4: {  	v4 =	vperm.xlane v3, v0;
	_ =	sdelay $0x1  }
0xb5: {  	v3 =	vperm.xlane v3, v2;
	v4 =	vadd.s32 v1, v4;
	_ =	sdelay $0x1  }
0xb6: {  	v3 =	vadd.s32 v1, v3;
	_ =	sdelay $0x2  }
0xb7: {  	[tilespmem:s23], [sflag:$0x1] =	stream.indirect_vreg.gather [hbm4b:s1+s3], $0x80, v4, vm0, $0xb8;
	[tilespmem:$0x12180] =	vst v63  }
0xb8: {  	_ = 	snop  }
0xb9: {  	[tilespmem:s24], [sflag:$0x1] =	stream.indirect_vreg.gather [hbm4b:s1+s3], $0x80, v3, vm0, $0xb8;
	[tilespmem:$0x12180] =	vst v63  }
0xba: {  	v3 =	vld [tilespmem:$0xF0];
	_ =	sdelay $0x4  }
0xbb: {  	v61 =	vshll.u32 v3, $0x1  }
0xbc: {  	v3 =	vand.u32 $0x7, v3;
	v4 =	vand.u32 $0xFFFFFFF0, v61  }
0xbd: {  	v3 =	vor.u32 v3, v4  }
0xbe: {  	v4 =	vperm.xlane v3, v0;
	_ =	sdelay $0x1  }
0xbf: {  	v3 =	vperm.xlane v3, v2;
	v4 =	vadd.s32 v1, v4;
	_ =	sdelay $0x1  }
0xc0: {  	v3 =	vadd.s32 v1, v3;
	_ =	sdelay $0x2  }
0xc1: {  	[tilespmem:s25], [sflag:$0x1] =	stream.indirect_vreg.gather [hbm4b:s1+s3], $0x80, v4, vm0, $0xb8;
	[tilespmem:$0x12180] =	vst v63  }
0xc2: {  	_ = 	snop  }
0xc3: {  	[tilespmem:s26], [sflag:$0x1] =	stream.indirect_vreg.gather [hbm4b:s1+s3], $0x80, v3, vm0, $0xb8;
	[tilespmem:$0x12180] =	vst v63  }
0xc4: {  	v3 =	vld [tilespmem:$0x100];
	_ =	sdelay $0x4  }
0xc5: {  	v62 =	vshll.u32 v3, $0x1  }
0xc6: {  	v3 =	vand.u32 $0x7, v3;
	v4 =	vand.u32 $0xFFFFFFF0, v62  }
0xc7: {  	v3 =	vor.u32 v3, v4  }
0xc8: {  	v4 =	vperm.xlane v3, v0;
	_ =	sdelay $0x1  }
0xc9: {  	v3 =	vperm.xlane v3, v2;
	v4 =	vadd.s32 v1, v4;
	_ =	sdelay $0x1  }
0xca: {  	v3 =	vadd.s32 v1, v3;
	_ =	sdelay $0x2  }
0xcb: {  	[tilespmem:s28], [sflag:$0x1] =	stream.indirect_vreg.gather [hbm4b:s1+s3], $0x80, v4, vm0, $0xb8;
	[tilespmem:$0x12180] =	vst v63  }
0xcc: {  	_ = 	snop  }
0xcd: {  	[tilespmem:s29], [sflag:$0x1] =	stream.indirect_vreg.gather [hbm4b:s1+s3], $0x80, v3, vm0, $0xb8;
	[tilespmem:$0x12180] =	vst v63  }
0xce: {  	v3 =	vld [tilespmem:$0x110];
	_ =	sdelay $0x4  }
0xcf: {  	v63 =	vshll.u32 v3, $0x1  }
0xd0: {  	v3 =	vand.u32 $0x7, v3;
	v4 =	vand.u32 $0xFFFFFFF0, v63  }
0xd1: {  	v3 =	vor.u32 v3, v4  }
0xd2: {  	v4 =	vperm.xlane v3, v0;
	_ =	sdelay $0x1  }
0xd3: {  	v3 =	vperm.xlane v3, v2;
	v4 =	vadd.s32 v1, v4;
	_ =	sdelay $0x1  }
0xd4: {  	v3 =	vadd.s32 v1, v3;
	_ =	sdelay $0x2  }
0xd5: {  	[tilespmem:s30], [sflag:$0x1] =	stream.indirect_vreg.gather [hbm4b:s1+s3], $0x80, v4, vm0, $0xb8;
	[tilespmem:$0x12180] =	vst v63  }
0xd6: {  	_ = 	snop  }
0xd7: {  	[tilespmem:s31], [sflag:$0x1] =	stream.indirect_vreg.gather [hbm4b:s1+s3], $0x80, v3, vm0, $0xb8;
	[tilespmem:$0x12180] =	vst v63  }
0xd8: {  	_ =	swait.ge [sflag:s2], $0x12000  }
0xd9: {  	p0 =	sne.s32 s4, $0x1;
	[sflag:s2] =	ssyncset.done $0x0  }
.Ltmp0:
0xda: {  	s7 =	rddreg [dreg:$0x5];
	[sflag:s2] =	ssyncadd.s32 $0xFFFEE000;
	(pc) =	sbr.rel @p0 .LBB2_1-.Ltmp0, $4  }
0xdb: {  	[hbm4b:s7+s3] =	stream.linear.scatter [tilespmem:s6], [sflag:$0x2], $0x12000, $0x38;
	[tilespmem:$0x12180] =	vst v63  }
0xdc: {  	_ =	swait.ge [sflag:s5], $0x12000  }
0xdd: {  	[sflag:s5] =	ssyncset.done $0x0  }
0xde: {  	s4 =	sadd.s32 $0xFFFFFFFF, s4;
	[sflag:s5] =	ssyncadd.s32 $0xFFFEE000  }
0xdf: {  	_ =	sfence.sel $0x180000  }
0xe0: {  	[bflag:$0x0] =	sbarrier.arrive $0xFFFF  }
0xe1: {  	_ =	strace $0x90000047  }
0xe2: {  	s0 =	stileid.u32;
	[bflag:$0x2] =	sbarrier.arrive $0xFFFF  }
0xe3: {  	p0 =	sne.s32 s0, $0x0;
	s0 =	rddreg [dreg:$0x3]  }
0xe4: {  	s0 =	sadd.s32 @!p0 $0x100000, s0  }
0xe5: {  	[sflag:s0] =	ssyncadd.tile.s32 @!p0 $0x1;
	_ =	shalt  }
.Lfunc_end2:
_tile_overlayer_lowered:
.L_overlay_start_2:
0xe6: {  	(tag) =	ssettag $0x2  }
0xe7: {  	s0 =	rddreg [dreg:$0x0];
	s2 =	stileid.u32  }
0xe8: {  	s1 =	rddreg [dreg:$0x1];
	p0 =	sne.s32 s2, $0x0  }
0xe9: {  	s3 =	rddreg [dreg:$0x2];
	[bflag:$0x3] =	sbarrier.arrive $0xFFFF;
	s2 =	simm.s32 @!p0 $0x1C02  }
0xea: {  	[timem:s3], [sflag:s2] =	dma.local @!p0 [hbm:s0], s1  }
0xeb: {  	s0 =	simm.s32 @!p0 $0x2  }
0xec: {  	_ =	swait.ge @!p0 [sflag:s0], s1  }
0xed: {  	s1 =	ssub.s32 @!p0 $0x0, s1;
	[sflag:s0] =	ssyncset.done @!p0 $0x0  }
0xee: {  	[sflag:s0] =	ssyncadd.s32 @!p0 s1  }
0xef: {  	[bflag:$0x3] =	sbarrier.arrive $0xFFFF  }
0xf0: {  	_ =	shalt  }

</sc_bundles>
